<compile_context>
chip_gen: v7x
topology: tpu7x:2x2x1
jax: 0.10.2.dev20260603
libtpu: 0.0.44.dev20260713+nightly
codegen_flags: <defaults>
</compile_context>

<pallas_src>
import functools

import jax
import jax.numpy as jnp
from jax import lax
from jax.experimental import pallas as pl
from jax.experimental.pallas import tpu as pltpu
from jax.experimental.pallas import tpu_sc as plsc

VOCAB = 100000
EMBED_DIM = 64
NUM_CLASSES = 4
BATCH = 16384
SEQ = 200

LANES = 16
NUM_CORES = 2
NUM_SUBCORES = 16
NUM_WORKERS = NUM_CORES * NUM_SUBCORES
ROWS_PER_W = BATCH // NUM_WORKERS
GROUP = 16
NGROUPS = ROWS_PER_W // GROUP
ROW_PITCH = 208
STREAM_LEN = 128
TAIL_LEN = SEQ + 1 - STREAM_LEN

_PROJ_BLOCK = 10000


def _project_body(e_ref, w_ref, b_ref, o_ref):
    o_ref[...] = (
        jnp.dot(e_ref[...], w_ref[...], preferred_element_type=jnp.float32)
        + b_ref[...]
    )


def _project(emb_table, w16, b16):
    grid = (VOCAB // _PROJ_BLOCK,)
    return pl.pallas_call(
        _project_body,
        grid=grid,
        in_specs=[
            pl.BlockSpec((_PROJ_BLOCK, EMBED_DIM), lambda i: (i, 0)),
            pl.BlockSpec((EMBED_DIM, LANES), lambda i: (0, 0)),
            pl.BlockSpec((1, LANES), lambda i: (0, 0)),
        ],
        out_specs=pl.BlockSpec((_PROJ_BLOCK, LANES), lambda i: (i, 0)),
        out_shape=jax.ShapeDtypeStruct((VOCAB, LANES), jnp.float32),
    )(emb_table, w16, b16)


_sc_mesh = plsc.VectorSubcoreMesh(core_axis_name="c", subcore_axis_name="s")


@functools.partial(
    pl.kernel,
    mesh=_sc_mesh,
    compiler_params=pltpu.CompilerParams(
        use_tc_tiling_on_sc=False, needs_layout_passes=False
    ),
    out_type=jax.ShapeDtypeStruct((BATCH * NUM_CLASSES,), jnp.float32),
    scratch_types=[
        pltpu.VMEM((GROUP, SEQ + 1), jnp.int32),
        pltpu.VMEM((GROUP, SEQ + 1), jnp.int32),
        pltpu.VMEM((GROUP * ROW_PITCH, LANES), jnp.float32),
        pltpu.VMEM((GROUP * ROW_PITCH, LANES), jnp.float32),
        pltpu.VMEM((ROWS_PER_W * NUM_CLASSES,), jnp.float32),
        pltpu.VMEM((LANES,), jnp.float32),
        pltpu.SemaphoreType.DMA,
        pltpu.SemaphoreType.DMA,
    ],
)
def _pool_kernel(text_hbm, p_hbm, out_hbm, idx_a, idx_b, rows_a, rows_b,
                 out_v, fold_v, sem_a, sem_b):
    wid = lax.axis_index("s") * NUM_CORES + lax.axis_index("c")
    row_base = wid * ROWS_PER_W

    lane = lax.iota(jnp.int32, LANES)
    m0 = lane < 4
    m1 = lane < 8
    m2 = lane < 12
    row_pat = lane >> 2
    col_pat = lane & 3
    perm8 = (lane + 8) & 15
    perm4 = (lane + 4) & 15

    def fire(g, idx_v, rows_v, sem):
        pltpu.sync_copy(
            text_hbm.at[pl.ds(row_base + g * GROUP, GROUP)],
            idx_v,
        )

        def issue(r, c):
            pltpu.async_copy(
                p_hbm.at[idx_v.at[r, pl.ds(0, STREAM_LEN)]],
                rows_v.at[pl.ds(r * ROW_PITCH, STREAM_LEN)],
                sem,
            )
            pltpu.async_copy(
                p_hbm.at[idx_v.at[r, pl.ds(STREAM_LEN, TAIL_LEN)]],
                rows_v.at[pl.ds(r * ROW_PITCH + STREAM_LEN, TAIL_LEN)],
                sem,
            )
            return c

        lax.fori_loop(0, GROUP, issue, 0)

    def drain(idx_v, rows_v, sem):
        def body(r, c):
            pltpu.make_async_copy(
                p_hbm.at[idx_v.at[r, pl.ds(0, STREAM_LEN)]],
                rows_v.at[pl.ds(r * ROW_PITCH, STREAM_LEN)],
                sem,
            ).wait()
            pltpu.make_async_copy(
                p_hbm.at[idx_v.at[r, pl.ds(STREAM_LEN, TAIL_LEN)]],
                rows_v.at[pl.ds(r * ROW_PITCH + STREAM_LEN, TAIL_LEN)],
                sem,
            ).wait()
            return c

        lax.fori_loop(0, GROUP, body, 0)

    def accumulate(g, rows_v):
        def row_sum(row0):
            def chunk(kb, accs):
                a0, a1 = accs
                b = row0 + kb * 40
                for u in range(5):
                    r0 = row_pat + (b + 8 * u)
                    r1 = row_pat + (b + 8 * u + 4)
                    a0 = a0 + plsc.load_gather(rows_v, [r0, col_pat])
                    a1 = a1 + plsc.load_gather(rows_v, [r1, col_pat])
                return (a0, a1)

            zero = jnp.zeros((LANES,), jnp.float32)
            a0, a1 = lax.fori_loop(0, SEQ // 40, chunk, (zero, zero))
            acc = a0 + a1
            fold_v[...] = acc
            acc = acc + plsc.load_gather(fold_v, [perm8])
            fold_v[...] = acc
            acc = acc + plsc.load_gather(fold_v, [perm4])
            return acc

        def quad_body(q, c):
            accs = [row_sum((q * 4 + rr) * ROW_PITCH + 1) for rr in range(4)]
            out16 = jnp.where(m0, accs[0],
                              jnp.where(m1, accs[1],
                                        jnp.where(m2, accs[2], accs[3])))
            out_v[pl.ds(g * (GROUP * NUM_CLASSES) + q * LANES, LANES)] = out16
            return c

        lax.fori_loop(0, GROUP // 4, quad_body, 0)

    fire(0, idx_a, rows_a, sem_a)

    def pair_body(gp, carry):
        g = gp * 2
        fire(g + 1, idx_b, rows_b, sem_b)
        drain(idx_a, rows_a, sem_a)
        accumulate(g, rows_a)

        @pl.when(gp < NGROUPS // 2 - 1)
        def _():
            fire(g + 2, idx_a, rows_a, sem_a)

        drain(idx_b, rows_b, sem_b)
        accumulate(g + 1, rows_b)
        return carry

    lax.fori_loop(0, NGROUPS // 2, pair_body, 0)
    pltpu.sync_copy(
        out_v,
        out_hbm.at[pl.ds(wid * (ROWS_PER_W * NUM_CLASSES),
                         ROWS_PER_W * NUM_CLASSES)],
    )


def kernel(x_batch, emb_table, fc_w, fc_b):
    text = x_batch.astype(jnp.int32)
    scale = jnp.float32(1.0 / SEQ)
    w16 = jnp.tile(fc_w.T * scale, (1, 4))
    b16 = jnp.tile(fc_b * scale, 4).reshape(1, LANES)
    p16 = _project(emb_table, w16, b16)
    out = _pool_kernel(text, p16)
    return out.reshape(BATCH, NUM_CLASSES)

# --- scband reference (transcript-rebuilt; emitter-appended) ---
"""Pipeline reference for scband-text-classifier-10599979287017 (READ-ONLY COPY).

The authoritative reference and input builder live on the scoring server;
editing this copy changes nothing except your own understanding.
"""

import jax, jax.numpy as jnp
import numpy as np

VOCAB = 100000
EMBED_DIM = 64
NUM_CLASSES = 4
BATCH = 16384
SEQ = 200

def setup_inputs(seed: int = 0) -> dict:
    key = jax.random.key(seed)
    k1, k2, k3, k4 = jax.random.split(key, 4)
    x_batch = jax.random.randint(k1, (BATCH, SEQ + 1), 0, VOCAB, dtype=jnp.int64) if jax.config.jax_enable_x64 else jax.random.randint(k1, (BATCH, SEQ + 1), 0, VOCAB, dtype=jnp.int32)
    emb_table = jax.random.normal(k2, (VOCAB, EMBED_DIM), dtype=jnp.float32)
    fc_w = jax.random.normal(k3, (NUM_CLASSES, EMBED_DIM), dtype=jnp.float32) * (1.0 / np.sqrt(EMBED_DIM))
    fc_b = jax.random.normal(k4, (NUM_CLASSES,), dtype=jnp.float32) * 0.01
    return {"x_batch": x_batch, "emb_table": emb_table, "fc_w": fc_w, "fc_b": fc_b}

def reference(x_batch, emb_table, fc_w, fc_b):
    # text_lengths = x_batch[:, 0]  (unused in with_rnn=False path)
    text = x_batch[:, 1:]
    embedded = jnp.take(emb_table, text, axis=0)      # [B, S, D] gather
    embedded = embedded.mean(axis=1)                   # [B, D]
    out = embedded @ fc_w.T + fc_b                     # [B, num_classes]
    return out

if __name__ == "__main__":
    import jax
    _d = setup_inputs()
    print(jax.jit(kernel)(*tuple(_d.values())))

</pallas_src>

<mosaic_0001>
#map = affine_map<(d0, d1) -> (0, 0)>
#map1 = affine_map<(d0, d1) -> (0)>
module attributes {stable_mosaic.version = 14 : i64} {
  func.func @_pool_kernel(%arg0: i32, %arg1: i32, %arg2: memref<16384x201xi32, #tpu.memory_space<hbm>>, %arg3: memref<100000x16xf32, #tpu.memory_space<hbm>>, %arg4: memref<65536xf32, #tpu.memory_space<hbm>>, %arg5: memref<16x201xi32, #tpu.memory_space<vmem>>, %arg6: memref<16x201xi32, #tpu.memory_space<vmem>>, %arg7: memref<3328x16xf32, #tpu.memory_space<vmem>>, %arg8: memref<3328x16xf32, #tpu.memory_space<vmem>>, %arg9: memref<2048xf32, #tpu.memory_space<vmem>>, %arg10: memref<16xf32, #tpu.memory_space<vmem>>, %arg11: memref<!tpu.dma_semaphore, #tpu.memory_space<semaphore_mem>>, %arg12: memref<!tpu.dma_semaphore, #tpu.memory_space<semaphore_mem>>) attributes {dimension_semantics = [#tpu.dimension_semantics<core_parallel>, #tpu.dimension_semantics<subcore_parallel>], iteration_bounds = array<i64: 2, 16>, scalar_prefetch = 0 : i64, scratch_operands = 8 : i64, tpu.core_type = #tpu.core_type<sc_vector_subcore>, window_params = [{transform_indices = #map}, {transform_indices = #map}, {transform_indices = #map1}]} {
    %mul3A = arith.constant 2 : i32
    %mul3A_0 = arith.muli %arg1, %mul3A : i32
    %add3A = arith.addi %mul3A_0, %arg0 : i32
    %mul3A_1 = arith.constant 512 : i32
    %mul3A_2 = arith.muli %add3A, %mul3A_1 : i32
    %iota3A = tpu.iota {dimensions = array<i32: 0>} : vector<16xi32>
    %lt3A = arith.constant 4 : i32
    %lt3A_3 = vector.broadcast %lt3A : i32 to vector<16xi32>
    %lt3A_4 = arith.cmpi slt, %iota3A, %lt3A_3 : vector<16xi32>
    %lt3A_5 = arith.constant 8 : i32
    %lt3A_6 = vector.broadcast %lt3A_5 : i32 to vector<16xi32>
    %lt3A_7 = arith.cmpi slt, %iota3A, %lt3A_6 : vector<16xi32>
    %lt3A_8 = arith.constant 12 : i32
    %lt3A_9 = vector.broadcast %lt3A_8 : i32 to vector<16xi32>
    %lt3A_10 = arith.cmpi slt, %iota3A, %lt3A_9 : vector<16xi32>
    %shift_right_arithmetic3A = arith.constant 2 : i32
    %shift_right_arithmetic3A_11 = vector.broadcast %shift_right_arithmetic3A : i32 to vector<16xi32>
    %shift_right_arithmetic3A_12 = arith.shrsi %iota3A, %shift_right_arithmetic3A_11 : vector<16xi32>
    %and3A = arith.constant 3 : i32
    %and3A_13 = vector.broadcast %and3A : i32 to vector<16xi32>
    %and3A_14 = arith.andi %iota3A, %and3A_13 : vector<16xi32>
    %add3A_15 = arith.constant 8 : i32
    %add3A_16 = vector.broadcast %add3A_15 : i32 to vector<16xi32>
    %add3A_17 = arith.addi %iota3A, %add3A_16 : vector<16xi32>
    %and3A_18 = arith.constant 15 : i32
    %and3A_19 = vector.broadcast %and3A_18 : i32 to vector<16xi32>
    %and3A_20 = arith.andi %add3A_17, %and3A_19 : vector<16xi32>
    %add3A_21 = arith.constant 4 : i32
    %add3A_22 = vector.broadcast %add3A_21 : i32 to vector<16xi32>
    %add3A_23 = arith.addi %iota3A, %add3A_22 : vector<16xi32>
    %and3A_24 = arith.constant 15 : i32
    %and3A_25 = vector.broadcast %and3A_24 : i32 to vector<16xi32>
    %and3A_26 = arith.andi %add3A_23, %and3A_25 : vector<16xi32>
    %add3A_27 = arith.constant 0 : i32
    %add3A_28 = arith.addi %mul3A_2, %add3A_27 : i32
    "tpu.region"() ({
      %run_scoped3A = tpu.sem_alloc : memref<!tpu.dma_semaphore, #tpu.memory_space<semaphore_mem>>
      %dma_start3A = arith.constant 0 : i32
      %dma_start3A_42 = tpu.memref_slice %arg2[%add3A_28, %dma_start3A] : memref<16384x201xi32, #tpu.memory_space<hbm>> -> memref<16x201xi32, #tpu.memory_space<hbm>>
      %dma_start3A_43 = arith.constant 0 : i32
      %dma_start3A_44 = tpu.memref_slice %arg2[%add3A_28, %dma_start3A_43] : memref<16384x201xi32, #tpu.memory_space<hbm>> -> memref<16x201xi32, #tpu.memory_space<hbm>>
      tpu.enqueue_dma source(%dma_start3A_44 : memref<16x201xi32, #tpu.memory_space<hbm>>) target(%arg5 : memref<16x201xi32, #tpu.memory_space<vmem>>) target_semaphore(%run_scoped3A : memref<!tpu.dma_semaphore, #tpu.memory_space<semaphore_mem>>)
      %dma_wait3A = arith.constant 0 : i32
      %dma_wait3A_45 = tpu.memref_slice %arg2[%add3A_28, %dma_wait3A] : memref<16384x201xi32, #tpu.memory_space<hbm>> -> memref<16x201xi32, #tpu.memory_space<hbm>>
      %dma_wait3A_46 = arith.constant 0 : i32
      %dma_wait3A_47 = tpu.memref_slice %arg2[%add3A_28, %dma_wait3A_46] : memref<16384x201xi32, #tpu.memory_space<hbm>> -> memref<16x201xi32, #tpu.memory_space<hbm>>
      tpu.wait_dma2 semaphore(%run_scoped3A : memref<!tpu.dma_semaphore, #tpu.memory_space<semaphore_mem>>) src(%dma_wait3A_47 : memref<16x201xi32, #tpu.memory_space<hbm>>) dst(%arg5 : memref<16x201xi32, #tpu.memory_space<vmem>>)
      tpu.yield
    }) : () -> ()
    %scan3A = arith.constant 0 : i32
    %scan3A_29 = arith.constant 0 : i32
    %scan3A_30 = arith.constant 16 : i32
    %scan3A_31 = arith.addi %scan3A_29, %scan3A_30 : i32
    %scan3A_32 = arith.constant 1 : i32
    scf.for %scan3A_42 = %scan3A_29 to %scan3A_31 step %scan3A_32  : i32 {
      %mul3A_43 = arith.constant 208 : i32
      %mul3A_44 = arith.muli %scan3A_42, %mul3A_43 : i32
      %dma_start3A = arith.constant 0 : i32
      %dma_start3A_45 = tpu.memref_slice %arg7[%mul3A_44, %dma_start3A] : memref<3328x16xf32, #tpu.memory_space<vmem>> -> memref<128x16xf32, #tpu.memory_space<vmem>>
      %dma_start3A_46 = arith.constant 0 : i32
      %dma_start3A_47 = tpu.memref_slice %arg5[%scan3A_42, %dma_start3A_46] : memref<16x201xi32, #tpu.memory_space<vmem>> -> memref<1x128xi32, #tpu.memory_space<vmem>>
      %dma_start3A_48 = tpu.memref_squeeze %dma_start3A_47 : memref<1x128xi32, #tpu.memory_space<vmem>> -> memref<128xi32, #tpu.memory_space<vmem>>
      %dma_start3A_49 = arith.constant 0 : i32
      %dma_start3A_50 = arith.constant 0 : i32
      %dma_start3A_51 = tpu.memref_slice %arg3[%dma_start3A_49, %dma_start3A_50] : memref<100000x16xf32, #tpu.memory_space<hbm>> -> memref<100000x16xf32, #tpu.memory_space<hbm>>
      tpu.enqueue_indirect_dma source(%dma_start3A_51 : memref<100000x16xf32, #tpu.memory_space<hbm>>) target(%dma_start3A_45 : memref<128x16xf32, #tpu.memory_space<vmem>>) offsets(%dma_start3A_48 : memref<128xi32, #tpu.memory_space<vmem>>) semaphore(%arg11 : memref<!tpu.dma_semaphore, #tpu.memory_space<semaphore_mem>>)
      %mul3A_52 = arith.constant 208 : i32
      %mul3A_53 = arith.muli %scan3A_42, %mul3A_52 : i32
      %add3A_54 = arith.constant 128 : i32
      %add3A_55 = arith.addi %mul3A_53, %add3A_54 : i32
      %dma_start3A_56 = arith.constant 0 : i32
      %dma_start3A_57 = tpu.memref_slice %arg7[%add3A_55, %dma_start3A_56] : memref<3328x16xf32, #tpu.memory_space<vmem>> -> memref<73x16xf32, #tpu.memory_space<vmem>>
      %dma_start3A_58 = arith.constant 128 : i32
      %dma_start3A_59 = tpu.memref_slice %arg5[%scan3A_42, %dma_start3A_58] : memref<16x201xi32, #tpu.memory_space<vmem>> -> memref<1x73xi32, #tpu.memory_space<vmem>>
      %dma_start3A_60 = tpu.memref_squeeze %dma_start3A_59 : memref<1x73xi32, #tpu.memory_space<vmem>> -> memref<73xi32, #tpu.memory_space<vmem>>
      %dma_start3A_61 = arith.constant 0 : i32
      %dma_start3A_62 = arith.constant 0 : i32
      %dma_start3A_63 = tpu.memref_slice %arg3[%dma_start3A_61, %dma_start3A_62] : memref<100000x16xf32, #tpu.memory_space<hbm>> -> memref<100000x16xf32, #tpu.memory_space<hbm>>
      tpu.enqueue_indirect_dma source(%dma_start3A_63 : memref<100000x16xf32, #tpu.memory_space<hbm>>) target(%dma_start3A_57 : memref<73x16xf32, #tpu.memory_space<vmem>>) offsets(%dma_start3A_60 : memref<73xi32, #tpu.memory_space<vmem>>) semaphore(%arg11 : memref<!tpu.dma_semaphore, #tpu.memory_space<semaphore_mem>>)
    }
    %scan3A_33 = arith.constant 16 : i32
    %scan3A_34 = arith.constant 0 : i32
    %scan3A_35 = arith.constant 0 : i32
    %scan3A_36 = arith.constant 16 : i32
    %scan3A_37 = arith.addi %scan3A_35, %scan3A_36 : i32
    %scan3A_38 = arith.constant 1 : i32
    scf.for %scan3A_42 = %scan3A_35 to %scan3A_37 step %scan3A_38  : i32 {
      %mul3A_43 = arith.constant 2 : i32
      %mul3A_44 = arith.muli %scan3A_42, %mul3A_43 : i32
      %add3A_45 = arith.constant 1 : i32
      %add3A_46 = arith.addi %mul3A_44, %add3A_45 : i32
      %mul3A_47 = arith.constant 16 : i32
      %mul3A_48 = arith.muli %add3A_46, %mul3A_47 : i32
      %add3A_49 = arith.addi %mul3A_2, %mul3A_48 : i32
      "tpu.region"() ({
        %run_scoped3A = tpu.sem_alloc : memref<!tpu.dma_semaphore, #tpu.memory_space<semaphore_mem>>
        %dma_start3A = arith.constant 0 : i32
        %dma_start3A_85 = tpu.memref_slice %arg2[%add3A_49, %dma_start3A] : memref<16384x201xi32, #tpu.memory_space<hbm>> -> memref<16x201xi32, #tpu.memory_space<hbm>>
        %dma_start3A_86 = arith.constant 0 : i32
        %dma_start3A_87 = tpu.memref_slice %arg2[%add3A_49, %dma_start3A_86] : memref<16384x201xi32, #tpu.memory_space<hbm>> -> memref<16x201xi32, #tpu.memory_space<hbm>>
        tpu.enqueue_dma source(%dma_start3A_87 : memref<16x201xi32, #tpu.memory_space<hbm>>) target(%arg6 : memref<16x201xi32, #tpu.memory_space<vmem>>) target_semaphore(%run_scoped3A : memref<!tpu.dma_semaphore, #tpu.memory_space<semaphore_mem>>)
        %dma_wait3A = arith.constant 0 : i32
        %dma_wait3A_88 = tpu.memref_slice %arg2[%add3A_49, %dma_wait3A] : memref<16384x201xi32, #tpu.memory_space<hbm>> -> memref<16x201xi32, #tpu.memory_space<hbm>>
        %dma_wait3A_89 = arith.constant 0 : i32
        %dma_wait3A_90 = tpu.memref_slice %arg2[%add3A_49, %dma_wait3A_89] : memref<16384x201xi32, #tpu.memory_space<hbm>> -> memref<16x201xi32, #tpu.memory_space<hbm>>
        tpu.wait_dma2 semaphore(%run_scoped3A : memref<!tpu.dma_semaphore, #tpu.memory_space<semaphore_mem>>) src(%dma_wait3A_90 : memref<16x201xi32, #tpu.memory_space<hbm>>) dst(%arg6 : memref<16x201xi32, #tpu.memory_space<vmem>>)
        tpu.yield
      }) : () -> ()
      %scan3A_50 = arith.constant 0 : i32
      %scan3A_51 = arith.constant 0 : i32
      %scan3A_52 = arith.constant 16 : i32
      %scan3A_53 = arith.addi %scan3A_51, %scan3A_52 : i32
      %scan3A_54 = arith.constant 1 : i32
      scf.for %scan3A_85 = %scan3A_51 to %scan3A_53 step %scan3A_54  : i32 {
        %mul3A_86 = arith.constant 208 : i32
        %mul3A_87 = arith.muli %scan3A_85, %mul3A_86 : i32
        %dma_start3A = arith.constant 0 : i32
        %dma_start3A_88 = tpu.memref_slice %arg8[%mul3A_87, %dma_start3A] : memref<3328x16xf32, #tpu.memory_space<vmem>> -> memref<128x16xf32, #tpu.memory_space<vmem>>
        %dma_start3A_89 = arith.constant 0 : i32
        %dma_start3A_90 = tpu.memref_slice %arg6[%scan3A_85, %dma_start3A_89] : memref<16x201xi32, #tpu.memory_space<vmem>> -> memref<1x128xi32, #tpu.memory_space<vmem>>
        %dma_start3A_91 = tpu.memref_squeeze %dma_start3A_90 : memref<1x128xi32, #tpu.memory_space<vmem>> -> memref<128xi32, #tpu.memory_space<vmem>>
        %dma_start3A_92 = arith.constant 0 : i32
        %dma_start3A_93 = arith.constant 0 : i32
        %dma_start3A_94 = tpu.memref_slice %arg3[%dma_start3A_92, %dma_start3A_93] : memref<100000x16xf32, #tpu.memory_space<hbm>> -> memref<100000x16xf32, #tpu.memory_space<hbm>>
        tpu.enqueue_indirect_dma source(%dma_start3A_94 : memref<100000x16xf32, #tpu.memory_space<hbm>>) target(%dma_start3A_88 : memref<128x16xf32, #tpu.memory_space<vmem>>) offsets(%dma_start3A_91 : memref<128xi32, #tpu.memory_space<vmem>>) semaphore(%arg12 : memref<!tpu.dma_semaphore, #tpu.memory_space<semaphore_mem>>)
        %mul3A_95 = arith.constant 208 : i32
        %mul3A_96 = arith.muli %scan3A_85, %mul3A_95 : i32
        %add3A_97 = arith.constant 128 : i32
        %add3A_98 = arith.addi %mul3A_96, %add3A_97 : i32
        %dma_start3A_99 = arith.constant 0 : i32
        %dma_start3A_100 = tpu.memref_slice %arg8[%add3A_98, %dma_start3A_99] : memref<3328x16xf32, #tpu.memory_space<vmem>> -> memref<73x16xf32, #tpu.memory_space<vmem>>
        %dma_start3A_101 = arith.constant 128 : i32
        %dma_start3A_102 = tpu.memref_slice %arg6[%scan3A_85, %dma_start3A_101] : memref<16x201xi32, #tpu.memory_space<vmem>> -> memref<1x73xi32, #tpu.memory_space<vmem>>
        %dma_start3A_103 = tpu.memref_squeeze %dma_start3A_102 : memref<1x73xi32, #tpu.memory_space<vmem>> -> memref<73xi32, #tpu.memory_space<vmem>>
        %dma_start3A_104 = arith.constant 0 : i32
        %dma_start3A_105 = arith.constant 0 : i32
        %dma_start3A_106 = tpu.memref_slice %arg3[%dma_start3A_104, %dma_start3A_105] : memref<100000x16xf32, #tpu.memory_space<hbm>> -> memref<100000x16xf32, #tpu.memory_space<hbm>>
        tpu.enqueue_indirect_dma source(%dma_start3A_106 : memref<100000x16xf32, #tpu.memory_space<hbm>>) target(%dma_start3A_100 : memref<73x16xf32, #tpu.memory_space<vmem>>) offsets(%dma_start3A_103 : memref<73xi32, #tpu.memory_space<vmem>>) semaphore(%arg12 : memref<!tpu.dma_semaphore, #tpu.memory_space<semaphore_mem>>)
      }
      %scan3A_55 = arith.constant 16 : i32
      %scan3A_56 = arith.constant 0 : i32
      %scan3A_57 = arith.constant 0 : i32
      %scan3A_58 = arith.constant 16 : i32
      %scan3A_59 = arith.addi %scan3A_57, %scan3A_58 : i32
      %scan3A_60 = arith.constant 1 : i32
      scf.for %scan3A_85 = %scan3A_57 to %scan3A_59 step %scan3A_60  : i32 {
        %mul3A_86 = arith.constant 208 : i32
        %mul3A_87 = arith.muli %scan3A_85, %mul3A_86 : i32
        %dma_wait3A = arith.constant 0 : i32
        %dma_wait3A_88 = tpu.memref_slice %arg7[%mul3A_87, %dma_wait3A] : memref<3328x16xf32, #tpu.memory_space<vmem>> -> memref<128x16xf32, #tpu.memory_space<vmem>>
        %dma_wait3A_89 = arith.constant 0 : i32
        %dma_wait3A_90 = tpu.memref_slice %arg5[%scan3A_85, %dma_wait3A_89] : memref<16x201xi32, #tpu.memory_space<vmem>> -> memref<1x128xi32, #tpu.memory_space<vmem>>
        %dma_wait3A_91 = tpu.memref_squeeze %dma_wait3A_90 : memref<1x128xi32, #tpu.memory_space<vmem>> -> memref<128xi32, #tpu.memory_space<vmem>>
        %dma_wait3A_92 = arith.constant 0 : i32
        %dma_wait3A_93 = arith.constant 0 : i32
        %dma_wait3A_94 = tpu.memref_slice %arg3[%dma_wait3A_92, %dma_wait3A_93] : memref<100000x16xf32, #tpu.memory_space<hbm>> -> memref<100000x16xf32, #tpu.memory_space<hbm>>
        tpu.wait_indirect_dma semaphore(%arg11 : memref<!tpu.dma_semaphore, #tpu.memory_space<semaphore_mem>>) src(%dma_wait3A_94 : memref<100000x16xf32, #tpu.memory_space<hbm>>) dst(%dma_wait3A_88 : memref<128x16xf32, #tpu.memory_space<vmem>>)
        %mul3A_95 = arith.constant 208 : i32
        %mul3A_96 = arith.muli %scan3A_85, %mul3A_95 : i32
        %add3A_97 = arith.constant 128 : i32
        %add3A_98 = arith.addi %mul3A_96, %add3A_97 : i32
        %dma_wait3A_99 = arith.constant 0 : i32
        %dma_wait3A_100 = tpu.memref_slice %arg7[%add3A_98, %dma_wait3A_99] : memref<3328x16xf32, #tpu.memory_space<vmem>> -> memref<73x16xf32, #tpu.memory_space<vmem>>
        %dma_wait3A_101 = arith.constant 128 : i32
        %dma_wait3A_102 = tpu.memref_slice %arg5[%scan3A_85, %dma_wait3A_101] : memref<16x201xi32, #tpu.memory_space<vmem>> -> memref<1x73xi32, #tpu.memory_space<vmem>>
        %dma_wait3A_103 = tpu.memref_squeeze %dma_wait3A_102 : memref<1x73xi32, #tpu.memory_space<vmem>> -> memref<73xi32, #tpu.memory_space<vmem>>
        %dma_wait3A_104 = arith.constant 0 : i32
        %dma_wait3A_105 = arith.constant 0 : i32
        %dma_wait3A_106 = tpu.memref_slice %arg3[%dma_wait3A_104, %dma_wait3A_105] : memref<100000x16xf32, #tpu.memory_space<hbm>> -> memref<100000x16xf32, #tpu.memory_space<hbm>>
        tpu.wait_indirect_dma semaphore(%arg11 : memref<!tpu.dma_semaphore, #tpu.memory_space<semaphore_mem>>) src(%dma_wait3A_106 : memref<100000x16xf32, #tpu.memory_space<hbm>>) dst(%dma_wait3A_100 : memref<73x16xf32, #tpu.memory_space<vmem>>)
      }
      %scan3A_61 = arith.constant 16 : i32
      %scan3A_62 = arith.constant 0 : i32
      %scan3A_63 = arith.constant 0 : i32
      %scan3A_64 = arith.constant 4 : i32
      %scan3A_65 = arith.addi %scan3A_63, %scan3A_64 : i32
      %scan3A_66 = arith.constant 1 : i32
      scf.for %scan3A_85 = %scan3A_63 to %scan3A_65 step %scan3A_66  : i32 {
        %mul3A_86 = arith.constant 4 : i32
        %mul3A_87 = arith.muli %scan3A_85, %mul3A_86 : i32
        %add3A_88 = arith.constant 0 : i32
        %add3A_89 = arith.addi %mul3A_87, %add3A_88 : i32
        %mul3A_90 = arith.constant 208 : i32
        %mul3A_91 = arith.muli %add3A_89, %mul3A_90 : i32
        %add3A_92 = arith.constant 1 : i32
        %add3A_93 = arith.addi %mul3A_91, %add3A_92 : i32
        %broadcast_in_dim3A = arith.constant 0.000000e+00 : f32
        %broadcast_in_dim3A_94 = vector.broadcast %broadcast_in_dim3A : f32 to vector<16xf32>
        %scan3A_95 = arith.constant 0 : i32
        %scan3A_96 = arith.constant 5 : i32
        %scan3A_97 = arith.addi %scan3A_95, %scan3A_96 : i32
        %scan3A_98 = arith.constant 1 : i32
        %scan3A_99:2 = scf.for %scan3A_192 = %scan3A_95 to %scan3A_97 step %scan3A_98 iter_args(%scan3A_193 = %broadcast_in_dim3A_94, %scan3A_194 = %broadcast_in_dim3A_94) -> (vector<16xf32>, vector<16xf32>)  : i32 {
          %mul3A_195 = arith.constant 40 : i32
          %mul3A_196 = arith.muli %scan3A_192, %mul3A_195 : i32
          %add3A_197 = arith.addi %add3A_93, %mul3A_196 : i32
          %add3A_198 = arith.constant 0 : i32
          %add3A_199 = arith.addi %add3A_197, %add3A_198 : i32
          %add3A_200 = vector.broadcast %add3A_199 : i32 to vector<16xi32>
          %add3A_201 = arith.addi %shift_right_arithmetic3A_12, %add3A_200 : vector<16xi32>
          %add3A_202 = arith.constant 0 : i32
          %add3A_203 = arith.addi %add3A_197, %add3A_202 : i32
          %add3A_204 = arith.constant 4 : i32
          %add3A_205 = arith.addi %add3A_203, %add3A_204 : i32
          %add3A_206 = vector.broadcast %add3A_205 : i32 to vector<16xi32>
          %add3A_207 = arith.addi %shift_right_arithmetic3A_12, %add3A_206 : vector<16xi32>
          %gather3A_208 = tpu.vector_load_idx %arg7[%add3A_201, %and3A_14] : memref<3328x16xf32, #tpu.memory_space<vmem>>[vector<16xi32>, vector<16xi32>], vector<16xf32>,
          %add3A_209 = arith.addf %scan3A_193, %gather3A_208 : vector<16xf32>
          %gather3A_210 = tpu.vector_load_idx %arg7[%add3A_207, %and3A_14] : memref<3328x16xf32, #tpu.memory_space<vmem>>[vector<16xi32>, vector<16xi32>], vector<16xf32>,
          %add3A_211 = arith.addf %scan3A_194, %gather3A_210 : vector<16xf32>
          %add3A_212 = arith.constant 8 : i32
          %add3A_213 = arith.addi %add3A_197, %add3A_212 : i32
          %add3A_214 = vector.broadcast %add3A_213 : i32 to vector<16xi32>
          %add3A_215 = arith.addi %shift_right_arithmetic3A_12, %add3A_214 : vector<16xi32>
          %add3A_216 = arith.constant 8 : i32
          %add3A_217 = arith.addi %add3A_197, %add3A_216 : i32
          %add3A_218 = arith.constant 4 : i32
          %add3A_219 = arith.addi %add3A_217, %add3A_218 : i32
          %add3A_220 = vector.broadcast %add3A_219 : i32 to vector<16xi32>
          %add3A_221 = arith.addi %shift_right_arithmetic3A_12, %add3A_220 : vector<16xi32>
          %gather3A_222 = tpu.vector_load_idx %arg7[%add3A_215, %and3A_14] : memref<3328x16xf32, #tpu.memory_space<vmem>>[vector<16xi32>, vector<16xi32>], vector<16xf32>,
          %add3A_223 = arith.addf %add3A_209, %gather3A_222 : vector<16xf32>
          %gather3A_224 = tpu.vector_load_idx %arg7[%add3A_221, %and3A_14] : memref<3328x16xf32, #tpu.memory_space<vmem>>[vector<16xi32>, vector<16xi32>], vector<16xf32>,
          %add3A_225 = arith.addf %add3A_211, %gather3A_224 : vector<16xf32>
          %add3A_226 = arith.constant 16 : i32
          %add3A_227 = arith.addi %add3A_197, %add3A_226 : i32
          %add3A_228 = vector.broadcast %add3A_227 : i32 to vector<16xi32>
          %add3A_229 = arith.addi %shift_right_arithmetic3A_12, %add3A_228 : vector<16xi32>
          %add3A_230 = arith.constant 16 : i32
          %add3A_231 = arith.addi %add3A_197, %add3A_230 : i32
          %add3A_232 = arith.constant 4 : i32
          %add3A_233 = arith.addi %add3A_231, %add3A_232 : i32
          %add3A_234 = vector.broadcast %add3A_233 : i32 to vector<16xi32>
          %add3A_235 = arith.addi %shift_right_arithmetic3A_12, %add3A_234 : vector<16xi32>
          %gather3A_236 = tpu.vector_load_idx %arg7[%add3A_229, %and3A_14] : memref<3328x16xf32, #tpu.memory_space<vmem>>[vector<16xi32>, vector<16xi32>], vector<16xf32>,
          %add3A_237 = arith.addf %add3A_223, %gather3A_236 : vector<16xf32>
          %gather3A_238 = tpu.vector_load_idx %arg7[%add3A_235, %and3A_14] : memref<3328x16xf32, #tpu.memory_space<vmem>>[vector<16xi32>, vector<16xi32>], vector<16xf32>,
          %add3A_239 = arith.addf %add3A_225, %gather3A_238 : vector<16xf32>
          %add3A_240 = arith.constant 24 : i32
          %add3A_241 = arith.addi %add3A_197, %add3A_240 : i32
          %add3A_242 = vector.broadcast %add3A_241 : i32 to vector<16xi32>
          %add3A_243 = arith.addi %shift_right_arithmetic3A_12, %add3A_242 : vector<16xi32>
          %add3A_244 = arith.constant 24 : i32
          %add3A_245 = arith.addi %add3A_197, %add3A_244 : i32
          %add3A_246 = arith.constant 4 : i32
          %add3A_247 = arith.addi %add3A_245, %add3A_246 : i32
          %add3A_248 = vector.broadcast %add3A_247 : i32 to vector<16xi32>
          %add3A_249 = arith.addi %shift_right_arithmetic3A_12, %add3A_248 : vector<16xi32>
          %gather3A_250 = tpu.vector_load_idx %arg7[%add3A_243, %and3A_14] : memref<3328x16xf32, #tpu.memory_space<vmem>>[vector<16xi32>, vector<16xi32>], vector<16xf32>,
          %add3A_251 = arith.addf %add3A_237, %gather3A_250 : vector<16xf32>
          %gather3A_252 = tpu.vector_load_idx %arg7[%add3A_249, %and3A_14] : memref<3328x16xf32, #tpu.memory_space<vmem>>[vector<16xi32>, vector<16xi32>], vector<16xf32>,
          %add3A_253 = arith.addf %add3A_239, %gather3A_252 : vector<16xf32>
          %add3A_254 = arith.constant 32 : i32
          %add3A_255 = arith.addi %add3A_197, %add3A_254 : i32
          %add3A_256 = vector.broadcast %add3A_255 : i32 to vector<16xi32>
          %add3A_257 = arith.addi %shift_right_arithmetic3A_12, %add3A_256 : vector<16xi32>
          %add3A_258 = arith.constant 32 : i32
          %add3A_259 = arith.addi %add3A_197, %add3A_258 : i32
          %add3A_260 = arith.constant 4 : i32
          %add3A_261 = arith.addi %add3A_259, %add3A_260 : i32
          %add3A_262 = vector.broadcast %add3A_261 : i32 to vector<16xi32>
          %add3A_263 = arith.addi %shift_right_arithmetic3A_12, %add3A_262 : vector<16xi32>
          %gather3A_264 = tpu.vector_load_idx %arg7[%add3A_257, %and3A_14] : memref<3328x16xf32, #tpu.memory_space<vmem>>[vector<16xi32>, vector<16xi32>], vector<16xf32>,
          %add3A_265 = arith.addf %add3A_251, %gather3A_264 : vector<16xf32>
          %gather3A_266 = tpu.vector_load_idx %arg7[%add3A_263, %and3A_14] : memref<3328x16xf32, #tpu.memory_space<vmem>>[vector<16xi32>, vector<16xi32>], vector<16xf32>,
          %add3A_267 = arith.addf %add3A_253, %gather3A_266 : vector<16xf32>
          scf.yield %add3A_265, %add3A_267 : vector<16xf32>, vector<16xf32>
        }
        %scan3A_100 = arith.constant 5 : i32
        %add3A_101 = arith.addf %scan3A_99#0, %scan3A_99#1 : vector<16xf32>
        %swap3A = arith.constant 0 : index
        %swap3A_102 = tpu.vector_load %arg10[%swap3A] {strides = array<i32>} : memref<16xf32, #tpu.memory_space<vmem>>, vector<16xf32>,
        tpu.vector_store %arg10[%swap3A], %add3A_101 {strides = array<i32>} : memref<16xf32, #tpu.memory_space<vmem>>, vector<16xf32>,
        %gather3A = tpu.vector_load_idx %arg10[%and3A_20] : memref<16xf32, #tpu.memory_space<vmem>>[vector<16xi32>], vector<16xf32>,
        %add3A_103 = arith.addf %add3A_101, %gather3A : vector<16xf32>
        %swap3A_104 = arith.constant 0 : index
        %swap3A_105 = tpu.vector_load %arg10[%swap3A_104] {strides = array<i32>} : memref<16xf32, #tpu.memory_space<vmem>>, vector<16xf32>,
        tpu.vector_store %arg10[%swap3A_104], %add3A_103 {strides = array<i32>} : memref<16xf32, #tpu.memory_space<vmem>>, vector<16xf32>,
        %gather3A_106 = tpu.vector_load_idx %arg10[%and3A_26] : memref<16xf32, #tpu.memory_space<vmem>>[vector<16xi32>], vector<16xf32>,
        %add3A_107 = arith.addf %add3A_103, %gather3A_106 : vector<16xf32>
        %mul3A_108 = arith.constant 4 : i32
        %mul3A_109 = arith.muli %scan3A_85, %mul3A_108 : i32
        %add3A_110 = arith.constant 1 : i32
        %add3A_111 = arith.addi %mul3A_109, %add3A_110 : i32
        %mul3A_112 = arith.constant 208 : i32
        %mul3A_113 = arith.muli %add3A_111, %mul3A_112 : i32
        %add3A_114 = arith.constant 1 : i32
        %add3A_115 = arith.addi %mul3A_113, %add3A_114 : i32
        %broadcast_in_dim3A_116 = arith.constant 0.000000e+00 : f32
        %broadcast_in_dim3A_117 = vector.broadcast %broadcast_in_dim3A_116 : f32 to vector<16xf32>
        %scan3A_118 = arith.constant 0 : i32
        %scan3A_119 = arith.constant 5 : i32
        %scan3A_120 = arith.addi %scan3A_118, %scan3A_119 : i32
        %scan3A_121 = arith.constant 1 : i32
        %scan3A_122:2 = scf.for %scan3A_192 = %scan3A_118 to %scan3A_120 step %scan3A_121 iter_args(%scan3A_193 = %broadcast_in_dim3A_117, %scan3A_194 = %broadcast_in_dim3A_117) -> (vector<16xf32>, vector<16xf32>)  : i32 {
          %mul3A_195 = arith.constant 40 : i32
          %mul3A_196 = arith.muli %scan3A_192, %mul3A_195 : i32
          %add3A_197 = arith.addi %add3A_115, %mul3A_196 : i32
          %add3A_198 = arith.constant 0 : i32
          %add3A_199 = arith.addi %add3A_197, %add3A_198 : i32
          %add3A_200 = vector.broadcast %add3A_199 : i32 to vector<16xi32>
          %add3A_201 = arith.addi %shift_right_arithmetic3A_12, %add3A_200 : vector<16xi32>
          %add3A_202 = arith.constant 0 : i32
          %add3A_203 = arith.addi %add3A_197, %add3A_202 : i32
          %add3A_204 = arith.constant 4 : i32
          %add3A_205 = arith.addi %add3A_203, %add3A_204 : i32
          %add3A_206 = vector.broadcast %add3A_205 : i32 to vector<16xi32>
          %add3A_207 = arith.addi %shift_right_arithmetic3A_12, %add3A_206 : vector<16xi32>
          %gather3A_208 = tpu.vector_load_idx %arg7[%add3A_201, %and3A_14] : memref<3328x16xf32, #tpu.memory_space<vmem>>[vector<16xi32>, vector<16xi32>], vector<16xf32>,
          %add3A_209 = arith.addf %scan3A_193, %gather3A_208 : vector<16xf32>
          %gather3A_210 = tpu.vector_load_idx %arg7[%add3A_207, %and3A_14] : memref<3328x16xf32, #tpu.memory_space<vmem>>[vector<16xi32>, vector<16xi32>], vector<16xf32>,
          %add3A_211 = arith.addf %scan3A_194, %gather3A_210 : vector<16xf32>
          %add3A_212 = arith.constant 8 : i32
          %add3A_213 = arith.addi %add3A_197, %add3A_212 : i32
          %add3A_214 = vector.broadcast %add3A_213 : i32 to vector<16xi32>
          %add3A_215 = arith.addi %shift_right_arithmetic3A_12, %add3A_214 : vector<16xi32>
          %add3A_216 = arith.constant 8 : i32
          %add3A_217 = arith.addi %add3A_197, %add3A_216 : i32
          %add3A_218 = arith.constant 4 : i32
          %add3A_219 = arith.addi %add3A_217, %add3A_218 : i32
          %add3A_220 = vector.broadcast %add3A_219 : i32 to vector<16xi32>
          %add3A_221 = arith.addi %shift_right_arithmetic3A_12, %add3A_220 : vector<16xi32>
          %gather3A_222 = tpu.vector_load_idx %arg7[%add3A_215, %and3A_14] : memref<3328x16xf32, #tpu.memory_space<vmem>>[vector<16xi32>, vector<16xi32>], vector<16xf32>,
          %add3A_223 = arith.addf %add3A_209, %gather3A_222 : vector<16xf32>
          %gather3A_224 = tpu.vector_load_idx %arg7[%add3A_221, %and3A_14] : memref<3328x16xf32, #tpu.memory_space<vmem>>[vector<16xi32>, vector<16xi32>], vector<16xf32>,
          %add3A_225 = arith.addf %add3A_211, %gather3A_224 : vector<16xf32>
          %add3A_226 = arith.constant 16 : i32
          %add3A_227 = arith.addi %add3A_197, %add3A_226 : i32
          %add3A_228 = vector.broadcast %add3A_227 : i32 to vector<16xi32>
          %add3A_229 = arith.addi %shift_right_arithmetic3A_12, %add3A_228 : vector<16xi32>
          %add3A_230 = arith.constant 16 : i32
          %add3A_231 = arith.addi %add3A_197, %add3A_230 : i32
          %add3A_232 = arith.constant 4 : i32
          %add3A_233 = arith.addi %add3A_231, %add3A_232 : i32
          %add3A_234 = vector.broadcast %add3A_233 : i32 to vector<16xi32>
          %add3A_235 = arith.addi %shift_right_arithmetic3A_12, %add3A_234 : vector<16xi32>
          %gather3A_236 = tpu.vector_load_idx %arg7[%add3A_229, %and3A_14] : memref<3328x16xf32, #tpu.memory_space<vmem>>[vector<16xi32>, vector<16xi32>], vector<16xf32>,
          %add3A_237 = arith.addf %add3A_223, %gather3A_236 : vector<16xf32>
          %gather3A_238 = tpu.vector_load_idx %arg7[%add3A_235, %and3A_14] : memref<3328x16xf32, #tpu.memory_space<vmem>>[vector<16xi32>, vector<16xi32>], vector<16xf32>,
          %add3A_239 = arith.addf %add3A_225, %gather3A_238 : vector<16xf32>
          %add3A_240 = arith.constant 24 : i32
          %add3A_241 = arith.addi %add3A_197, %add3A_240 : i32
          %add3A_242 = vector.broadcast %add3A_241 : i32 to vector<16xi32>
          %add3A_243 = arith.addi %shift_right_arithmetic3A_12, %add3A_242 : vector<16xi32>
          %add3A_244 = arith.constant 24 : i32
          %add3A_245 = arith.addi %add3A_197, %add3A_244 : i32
          %add3A_246 = arith.constant 4 : i32
          %add3A_247 = arith.addi %add3A_245, %add3A_246 : i32
          %add3A_248 = vector.broadcast %add3A_247 : i32 to vector<16xi32>
          %add3A_249 = arith.addi %shift_right_arithmetic3A_12, %add3A_248 : vector<16xi32>
          %gather3A_250 = tpu.vector_load_idx %arg7[%add3A_243, %and3A_14] : memref<3328x16xf32, #tpu.memory_space<vmem>>[vector<16xi32>, vector<16xi32>], vector<16xf32>,
          %add3A_251 = arith.addf %add3A_237, %gather3A_250 : vector<16xf32>
          %gather3A_252 = tpu.vector_load_idx %arg7[%add3A_249, %and3A_14] : memref<3328x16xf32, #tpu.memory_space<vmem>>[vector<16xi32>, vector<16xi32>], vector<16xf32>,
          %add3A_253 = arith.addf %add3A_239, %gather3A_252 : vector<16xf32>
          %add3A_254 = arith.constant 32 : i32
          %add3A_255 = arith.addi %add3A_197, %add3A_254 : i32
          %add3A_256 = vector.broadcast %add3A_255 : i32 to vector<16xi32>
          %add3A_257 = arith.addi %shift_right_arithmetic3A_12, %add3A_256 : vector<16xi32>
          %add3A_258 = arith.constant 32 : i32
          %add3A_259 = arith.addi %add3A_197, %add3A_258 : i32
          %add3A_260 = arith.constant 4 : i32
          %add3A_261 = arith.addi %add3A_259, %add3A_260 : i32
          %add3A_262 = vector.broadcast %add3A_261 : i32 to vector<16xi32>
          %add3A_263 = arith.addi %shift_right_arithmetic3A_12, %add3A_262 : vector<16xi32>
          %gather3A_264 = tpu.vector_load_idx %arg7[%add3A_257, %and3A_14] : memref<3328x16xf32, #tpu.memory_space<vmem>>[vector<16xi32>, vector<16xi32>], vector<16xf32>,
          %add3A_265 = arith.addf %add3A_251, %gather3A_264 : vector<16xf32>
          %gather3A_266 = tpu.vector_load_idx %arg7[%add3A_263, %and3A_14] : memref<3328x16xf32, #tpu.memory_space<vmem>>[vector<16xi32>, vector<16xi32>], vector<16xf32>,
          %add3A_267 = arith.addf %add3A_253, %gather3A_266 : vector<16xf32>
          scf.yield %add3A_265, %add3A_267 : vector<16xf32>, vector<16xf32>
        }
        %scan3A_123 = arith.constant 5 : i32
        %add3A_124 = arith.addf %scan3A_122#0, %scan3A_122#1 : vector<16xf32>
        %swap3A_125 = arith.constant 0 : index
        %swap3A_126 = tpu.vector_load %arg10[%swap3A_125] {strides = array<i32>} : memref<16xf32, #tpu.memory_space<vmem>>, vector<16xf32>,
        tpu.vector_store %arg10[%swap3A_125], %add3A_124 {strides = array<i32>} : memref<16xf32, #tpu.memory_space<vmem>>, vector<16xf32>,
        %gather3A_127 = tpu.vector_load_idx %arg10[%and3A_20] : memref<16xf32, #tpu.memory_space<vmem>>[vector<16xi32>], vector<16xf32>,
        %add3A_128 = arith.addf %add3A_124, %gather3A_127 : vector<16xf32>
        %swap3A_129 = arith.constant 0 : index
        %swap3A_130 = tpu.vector_load %arg10[%swap3A_129] {strides = array<i32>} : memref<16xf32, #tpu.memory_space<vmem>>, vector<16xf32>,
        tpu.vector_store %arg10[%swap3A_129], %add3A_128 {strides = array<i32>} : memref<16xf32, #tpu.memory_space<vmem>>, vector<16xf32>,
        %gather3A_131 = tpu.vector_load_idx %arg10[%and3A_26] : memref<16xf32, #tpu.memory_space<vmem>>[vector<16xi32>], vector<16xf32>,
        %add3A_132 = arith.addf %add3A_128, %gather3A_131 : vector<16xf32>
        %mul3A_133 = arith.constant 4 : i32
        %mul3A_134 = arith.muli %scan3A_85, %mul3A_133 : i32
        %add3A_135 = arith.constant 2 : i32
        %add3A_136 = arith.addi %mul3A_134, %add3A_135 : i32
        %mul3A_137 = arith.constant 208 : i32
        %mul3A_138 = arith.muli %add3A_136, %mul3A_137 : i32
        %add3A_139 = arith.constant 1 : i32
        %add3A_140 = arith.addi %mul3A_138, %add3A_139 : i32
        %broadcast_in_dim3A_141 = arith.constant 0.000000e+00 : f32
        %broadcast_in_dim3A_142 = vector.broadcast %broadcast_in_dim3A_141 : f32 to vector<16xf32>
        %scan3A_143 = arith.constant 0 : i32
        %scan3A_144 = arith.constant 5 : i32
        %scan3A_145 = arith.addi %scan3A_143, %scan3A_144 : i32
        %scan3A_146 = arith.constant 1 : i32
        %scan3A_147:2 = scf.for %scan3A_192 = %scan3A_143 to %scan3A_145 step %scan3A_146 iter_args(%scan3A_193 = %broadcast_in_dim3A_142, %scan3A_194 = %broadcast_in_dim3A_142) -> (vector<16xf32>, vector<16xf32>)  : i32 {
          %mul3A_195 = arith.constant 40 : i32
          %mul3A_196 = arith.muli %scan3A_192, %mul3A_195 : i32
          %add3A_197 = arith.addi %add3A_140, %mul3A_196 : i32
          %add3A_198 = arith.constant 0 : i32
          %add3A_199 = arith.addi %add3A_197, %add3A_198 : i32
          %add3A_200 = vector.broadcast %add3A_199 : i32 to vector<16xi32>
          %add3A_201 = arith.addi %shift_right_arithmetic3A_12, %add3A_200 : vector<16xi32>
          %add3A_202 = arith.constant 0 : i32
          %add3A_203 = arith.addi %add3A_197, %add3A_202 : i32
          %add3A_204 = arith.constant 4 : i32
          %add3A_205 = arith.addi %add3A_203, %add3A_204 : i32
          %add3A_206 = vector.broadcast %add3A_205 : i32 to vector<16xi32>
          %add3A_207 = arith.addi %shift_right_arithmetic3A_12, %add3A_206 : vector<16xi32>
          %gather3A_208 = tpu.vector_load_idx %arg7[%add3A_201, %and3A_14] : memref<3328x16xf32, #tpu.memory_space<vmem>>[vector<16xi32>, vector<16xi32>], vector<16xf32>,
          %add3A_209 = arith.addf %scan3A_193, %gather3A_208 : vector<16xf32>
          %gather3A_210 = tpu.vector_load_idx %arg7[%add3A_207, %and3A_14] : memref<3328x16xf32, #tpu.memory_space<vmem>>[vector<16xi32>, vector<16xi32>], vector<16xf32>,
          %add3A_211 = arith.addf %scan3A_194, %gather3A_210 : vector<16xf32>
          %add3A_212 = arith.constant 8 : i32
          %add3A_213 = arith.addi %add3A_197, %add3A_212 : i32
          %add3A_214 = vector.broadcast %add3A_213 : i32 to vector<16xi32>
          %add3A_215 = arith.addi %shift_right_arithmetic3A_12, %add3A_214 : vector<16xi32>
          %add3A_216 = arith.constant 8 : i32
          %add3A_217 = arith.addi %add3A_197, %add3A_216 : i32
          %add3A_218 = arith.constant 4 : i32
          %add3A_219 = arith.addi %add3A_217, %add3A_218 : i32
          %add3A_220 = vector.broadcast %add3A_219 : i32 to vector<16xi32>
          %add3A_221 = arith.addi %shift_right_arithmetic3A_12, %add3A_220 : vector<16xi32>
          %gather3A_222 = tpu.vector_load_idx %arg7[%add3A_215, %and3A_14] : memref<3328x16xf32, #tpu.memory_space<vmem>>[vector<16xi32>, vector<16xi32>], vector<16xf32>,
          %add3A_223 = arith.addf %add3A_209, %gather3A_222 : vector<16xf32>
          %gather3A_224 = tpu.vector_load_idx %arg7[%add3A_221, %and3A_14] : memref<3328x16xf32, #tpu.memory_space<vmem>>[vector<16xi32>, vector<16xi32>], vector<16xf32>,
          %add3A_225 = arith.addf %add3A_211, %gather3A_224 : vector<16xf32>
          %add3A_226 = arith.constant 16 : i32
          %add3A_227 = arith.addi %add3A_197, %add3A_226 : i32
          %add3A_228 = vector.broadcast %add3A_227 : i32 to vector<16xi32>
          %add3A_229 = arith.addi %shift_right_arithmetic3A_12, %add3A_228 : vector<16xi32>
          %add3A_230 = arith.constant 16 : i32
          %add3A_231 = arith.addi %add3A_197, %add3A_230 : i32
          %add3A_232 = arith.constant 4 : i32
          %add3A_233 = arith.addi %add3A_231, %add3A_232 : i32
          %add3A_234 = vector.broadcast %add3A_233 : i32 to vector<16xi32>
          %add3A_235 = arith.addi %shift_right_arithmetic3A_12, %add3A_234 : vector<16xi32>
          %gather3A_236 = tpu.vector_load_idx %arg7[%add3A_229, %and3A_14] : memref<3328x16xf32, #tpu.memory_space<vmem>>[vector<16xi32>, vector<16xi32>], vector<16xf32>,
          %add3A_237 = arith.addf %add3A_223, %gather3A_236 : vector<16xf32>
          %gather3A_238 = tpu.vector_load_idx %arg7[%add3A_235, %and3A_14] : memref<3328x16xf32, #tpu.memory_space<vmem>>[vector<16xi32>, vector<16xi32>], vector<16xf32>,
          %add3A_239 = arith.addf %add3A_225, %gather3A_238 : vector<16xf32>
          %add3A_240 = arith.constant 24 : i32
          %add3A_241 = arith.addi %add3A_197, %add3A_240 : i32
          %add3A_242 = vector.broadcast %add3A_241 : i32 to vector<16xi32>
          %add3A_243 = arith.addi %shift_right_arithmetic3A_12, %add3A_242 : vector<16xi32>
          %add3A_244 = arith.constant 24 : i32
          %add3A_245 = arith.addi %add3A_197, %add3A_244 : i32
          %add3A_246 = arith.constant 4 : i32
          %add3A_247 = arith.addi %add3A_245, %add3A_246 : i32
          %add3A_248 = vector.broadcast %add3A_247 : i32 to vector<16xi32>
          %add3A_249 = arith.addi %shift_right_arithmetic3A_12, %add3A_248 : vector<16xi32>
          %gather3A_250 = tpu.vector_load_idx %arg7[%add3A_243, %and3A_14] : memref<3328x16xf32, #tpu.memory_space<vmem>>[vector<16xi32>, vector<16xi32>], vector<16xf32>,
          %add3A_251 = arith.addf %add3A_237, %gather3A_250 : vector<16xf32>
          %gather3A_252 = tpu.vector_load_idx %arg7[%add3A_249, %and3A_14] : memref<3328x16xf32, #tpu.memory_space<vmem>>[vector<16xi32>, vector<16xi32>], vector<16xf32>,
          %add3A_253 = arith.addf %add3A_239, %gather3A_252 : vector<16xf32>
          %add3A_254 = arith.constant 32 : i32
          %add3A_255 = arith.addi %add3A_197, %add3A_254 : i32
          %add3A_256 = vector.broadcast %add3A_255 : i32 to vector<16xi32>
          %add3A_257 = arith.addi %shift_right_arithmetic3A_12, %add3A_256 : vector<16xi32>
          %add3A_258 = arith.constant 32 : i32
          %add3A_259 = arith.addi %add3A_197, %add3A_258 : i32
          %add3A_260 = arith.constant 4 : i32
          %add3A_261 = arith.addi %add3A_259, %add3A_260 : i32
          %add3A_262 = vector.broadcast %add3A_261 : i32 to vector<16xi32>
          %add3A_263 = arith.addi %shift_right_arithmetic3A_12, %add3A_262 : vector<16xi32>
          %gather3A_264 = tpu.vector_load_idx %arg7[%add3A_257, %and3A_14] : memref<3328x16xf32, #tpu.memory_space<vmem>>[vector<16xi32>, vector<16xi32>], vector<16xf32>,
          %add3A_265 = arith.addf %add3A_251, %gather3A_264 : vector<16xf32>
          %gather3A_266 = tpu.vector_load_idx %arg7[%add3A_263, %and3A_14] : memref<3328x16xf32, #tpu.memory_space<vmem>>[vector<16xi32>, vector<16xi32>], vector<16xf32>,
          %add3A_267 = arith.addf %add3A_253, %gather3A_266 : vector<16xf32>
          scf.yield %add3A_265, %add3A_267 : vector<16xf32>, vector<16xf32>
        }
        %scan3A_148 = arith.constant 5 : i32
        %add3A_149 = arith.addf %scan3A_147#0, %scan3A_147#1 : vector<16xf32>
        %swap3A_150 = arith.constant 0 : index
        %swap3A_151 = tpu.vector_load %arg10[%swap3A_150] {strides = array<i32>} : memref<16xf32, #tpu.memory_space<vmem>>, vector<16xf32>,
        tpu.vector_store %arg10[%swap3A_150], %add3A_149 {strides = array<i32>} : memref<16xf32, #tpu.memory_space<vmem>>, vector<16xf32>,
        %gather3A_152 = tpu.vector_load_idx %arg10[%and3A_20] : memref<16xf32, #tpu.memory_space<vmem>>[vector<16xi32>], vector<16xf32>,
        %add3A_153 = arith.addf %add3A_149, %gather3A_152 : vector<16xf32>
        %swap3A_154 = arith.constant 0 : index
        %swap3A_155 = tpu.vector_load %arg10[%swap3A_154] {strides = array<i32>} : memref<16xf32, #tpu.memory_space<vmem>>, vector<16xf32>,
        tpu.vector_store %arg10[%swap3A_154], %add3A_153 {strides = array<i32>} : memref<16xf32, #tpu.memory_space<vmem>>, vector<16xf32>,
        %gather3A_156 = tpu.vector_load_idx %arg10[%and3A_26] : memref<16xf32, #tpu.memory_space<vmem>>[vector<16xi32>], vector<16xf32>,
        %add3A_157 = arith.addf %add3A_153, %gather3A_156 : vector<16xf32>
        %mul3A_158 = arith.constant 4 : i32
        %mul3A_159 = arith.muli %scan3A_85, %mul3A_158 : i32
        %add3A_160 = arith.constant 3 : i32
        %add3A_161 = arith.addi %mul3A_159, %add3A_160 : i32
        %mul3A_162 = arith.constant 208 : i32
        %mul3A_163 = arith.muli %add3A_161, %mul3A_162 : i32
        %add3A_164 = arith.constant 1 : i32
        %add3A_165 = arith.addi %mul3A_163, %add3A_164 : i32
        %broadcast_in_dim3A_166 = arith.constant 0.000000e+00 : f32
        %broadcast_in_dim3A_167 = vector.broadcast %broadcast_in_dim3A_166 : f32 to vector<16xf32>
        %scan3A_168 = arith.constant 0 : i32
        %scan3A_169 = arith.constant 5 : i32
        %scan3A_170 = arith.addi %scan3A_168, %scan3A_169 : i32
        %scan3A_171 = arith.constant 1 : i32
        %scan3A_172:2 = scf.for %scan3A_192 = %scan3A_168 to %scan3A_170 step %scan3A_171 iter_args(%scan3A_193 = %broadcast_in_dim3A_167, %scan3A_194 = %broadcast_in_dim3A_167) -> (vector<16xf32>, vector<16xf32>)  : i32 {
          %mul3A_195 = arith.constant 40 : i32
          %mul3A_196 = arith.muli %scan3A_192, %mul3A_195 : i32
          %add3A_197 = arith.addi %add3A_165, %mul3A_196 : i32
          %add3A_198 = arith.constant 0 : i32
          %add3A_199 = arith.addi %add3A_197, %add3A_198 : i32
          %add3A_200 = vector.broadcast %add3A_199 : i32 to vector<16xi32>
          %add3A_201 = arith.addi %shift_right_arithmetic3A_12, %add3A_200 : vector<16xi32>
          %add3A_202 = arith.constant 0 : i32
          %add3A_203 = arith.addi %add3A_197, %add3A_202 : i32
          %add3A_204 = arith.constant 4 : i32
          %add3A_205 = arith.addi %add3A_203, %add3A_204 : i32
          %add3A_206 = vector.broadcast %add3A_205 : i32 to vector<16xi32>
          %add3A_207 = arith.addi %shift_right_arithmetic3A_12, %add3A_206 : vector<16xi32>
          %gather3A_208 = tpu.vector_load_idx %arg7[%add3A_201, %and3A_14] : memref<3328x16xf32, #tpu.memory_space<vmem>>[vector<16xi32>, vector<16xi32>], vector<16xf32>,
          %add3A_209 = arith.addf %scan3A_193, %gather3A_208 : vector<16xf32>
          %gather3A_210 = tpu.vector_load_idx %arg7[%add3A_207, %and3A_14] : memref<3328x16xf32, #tpu.memory_space<vmem>>[vector<16xi32>, vector<16xi32>], vector<16xf32>,
          %add3A_211 = arith.addf %scan3A_194, %gather3A_210 : vector<16xf32>
          %add3A_212 = arith.constant 8 : i32
          %add3A_213 = arith.addi %add3A_197, %add3A_212 : i32
          %add3A_214 = vector.broadcast %add3A_213 : i32 to vector<16xi32>
          %add3A_215 = arith.addi %shift_right_arithmetic3A_12, %add3A_214 : vector<16xi32>
          %add3A_216 = arith.constant 8 : i32
          %add3A_217 = arith.addi %add3A_197, %add3A_216 : i32
          %add3A_218 = arith.constant 4 : i32
          %add3A_219 = arith.addi %add3A_217, %add3A_218 : i32
          %add3A_220 = vector.broadcast %add3A_219 : i32 to vector<16xi32>
          %add3A_221 = arith.addi %shift_right_arithmetic3A_12, %add3A_220 : vector<16xi32>
          %gather3A_222 = tpu.vector_load_idx %arg7[%add3A_215, %and3A_14] : memref<3328x16xf32, #tpu.memory_space<vmem>>[vector<16xi32>, vector<16xi32>], vector<16xf32>,
          %add3A_223 = arith.addf %add3A_209, %gather3A_222 : vector<16xf32>
          %gather3A_224 = tpu.vector_load_idx %arg7[%add3A_221, %and3A_14] : memref<3328x16xf32, #tpu.memory_space<vmem>>[vector<16xi32>, vector<16xi32>], vector<16xf32>,
          %add3A_225 = arith.addf %add3A_211, %gather3A_224 : vector<16xf32>
          %add3A_226 = arith.constant 16 : i32
          %add3A_227 = arith.addi %add3A_197, %add3A_226 : i32
          %add3A_228 = vector.broadcast %add3A_227 : i32 to vector<16xi32>
          %add3A_229 = arith.addi %shift_right_arithmetic3A_12, %add3A_228 : vector<16xi32>
          %add3A_230 = arith.constant 16 : i32
          %add3A_231 = arith.addi %add3A_197, %add3A_230 : i32
          %add3A_232 = arith.constant 4 : i32
          %add3A_233 = arith.addi %add3A_231, %add3A_232 : i32
          %add3A_234 = vector.broadcast %add3A_233 : i32 to vector<16xi32>
          %add3A_235 = arith.addi %shift_right_arithmetic3A_12, %add3A_234 : vector<16xi32>
          %gather3A_236 = tpu.vector_load_idx %arg7[%add3A_229, %and3A_14] : memref<3328x16xf32, #tpu.memory_space<vmem>>[vector<16xi32>, vector<16xi32>], vector<16xf32>,
          %add3A_237 = arith.addf %add3A_223, %gather3A_236 : vector<16xf32>
          %gather3A_238 = tpu.vector_load_idx %arg7[%add3A_235, %and3A_14] : memref<3328x16xf32, #tpu.memory_space<vmem>>[vector<16xi32>, vector<16xi32>], vector<16xf32>,
          %add3A_239 = arith.addf %add3A_225, %gather3A_238 : vector<16xf32>
          %add3A_240 = arith.constant 24 : i32
          %add3A_241 = arith.addi %add3A_197, %add3A_240 : i32
          %add3A_242 = vector.broadcast %add3A_241 : i32 to vector<16xi32>
          %add3A_243 = arith.addi %shift_right_arithmetic3A_12, %add3A_242 : vector<16xi32>
          %add3A_244 = arith.constant 24 : i32
          %add3A_245 = arith.addi %add3A_197, %add3A_244 : i32
          %add3A_246 = arith.constant 4 : i32
          %add3A_247 = arith.addi %add3A_245, %add3A_246 : i32
          %add3A_248 = vector.broadcast %add3A_247 : i32 to vector<16xi32>
          %add3A_249 = arith.addi %shift_right_arithmetic3A_12, %add3A_248 : vector<16xi32>
          %gather3A_250 = tpu.vector_load_idx %arg7[%add3A_243, %and3A_14] : memref<3328x16xf32, #tpu.memory_space<vmem>>[vector<16xi32>, vector<16xi32>], vector<16xf32>,
          %add3A_251 = arith.addf %add3A_237, %gather3A_250 : vector<16xf32>
          %gather3A_252 = tpu.vector_load_idx %arg7[%add3A_249, %and3A_14] : memref<3328x16xf32, #tpu.memory_space<vmem>>[vector<16xi32>, vector<16xi32>], vector<16xf32>,
          %add3A_253 = arith.addf %add3A_239, %gather3A_252 : vector<16xf32>
          %add3A_254 = arith.constant 32 : i32
          %add3A_255 = arith.addi %add3A_197, %add3A_254 : i32
          %add3A_256 = vector.broadcast %add3A_255 : i32 to vector<16xi32>
          %add3A_257 = arith.addi %shift_right_arithmetic3A_12, %add3A_256 : vector<16xi32>
          %add3A_258 = arith.constant 32 : i32
          %add3A_259 = arith.addi %add3A_197, %add3A_258 : i32
          %add3A_260 = arith.constant 4 : i32
          %add3A_261 = arith.addi %add3A_259, %add3A_260 : i32
          %add3A_262 = vector.broadcast %add3A_261 : i32 to vector<16xi32>
          %add3A_263 = arith.addi %shift_right_arithmetic3A_12, %add3A_262 : vector<16xi32>
          %gather3A_264 = tpu.vector_load_idx %arg7[%add3A_257, %and3A_14] : memref<3328x16xf32, #tpu.memory_space<vmem>>[vector<16xi32>, vector<16xi32>], vector<16xf32>,
          %add3A_265 = arith.addf %add3A_251, %gather3A_264 : vector<16xf32>
          %gather3A_266 = tpu.vector_load_idx %arg7[%add3A_263, %and3A_14] : memref<3328x16xf32, #tpu.memory_space<vmem>>[vector<16xi32>, vector<16xi32>], vector<16xf32>,
          %add3A_267 = arith.addf %add3A_253, %gather3A_266 : vector<16xf32>
          scf.yield %add3A_265, %add3A_267 : vector<16xf32>, vector<16xf32>
        }
        %scan3A_173 = arith.constant 5 : i32
        %add3A_174 = arith.addf %scan3A_172#0, %scan3A_172#1 : vector<16xf32>
        %swap3A_175 = arith.constant 0 : index
        %swap3A_176 = tpu.vector_load %arg10[%swap3A_175] {strides = array<i32>} : memref<16xf32, #tpu.memory_space<vmem>>, vector<16xf32>,
        tpu.vector_store %arg10[%swap3A_175], %add3A_174 {strides = array<i32>} : memref<16xf32, #tpu.memory_space<vmem>>, vector<16xf32>,
        %gather3A_177 = tpu.vector_load_idx %arg10[%and3A_20] : memref<16xf32, #tpu.memory_space<vmem>>[vector<16xi32>], vector<16xf32>,
        %add3A_178 = arith.addf %add3A_174, %gather3A_177 : vector<16xf32>
        %swap3A_179 = arith.constant 0 : index
        %swap3A_180 = tpu.vector_load %arg10[%swap3A_179] {strides = array<i32>} : memref<16xf32, #tpu.memory_space<vmem>>, vector<16xf32>,
        tpu.vector_store %arg10[%swap3A_179], %add3A_178 {strides = array<i32>} : memref<16xf32, #tpu.memory_space<vmem>>, vector<16xf32>,
        %gather3A_181 = tpu.vector_load_idx %arg10[%and3A_26] : memref<16xf32, #tpu.memory_space<vmem>>[vector<16xi32>], vector<16xf32>,
        %add3A_182 = arith.addf %add3A_178, %gather3A_181 : vector<16xf32>
        %select_n3A = arith.select %lt3A_10, %add3A_157, %add3A_182 : vector<16xi1>, vector<16xf32>
        %select_n3A_183 = arith.select %lt3A_7, %add3A_132, %select_n3A : vector<16xi1>, vector<16xf32>
        %select_n3A_184 = arith.select %lt3A_4, %add3A_107, %select_n3A_183 : vector<16xi1>, vector<16xf32>
        %mul3A_185 = arith.constant 64 : i32
        %mul3A_186 = arith.muli %mul3A_44, %mul3A_185 : i32
        %mul3A_187 = arith.constant 16 : i32
        %mul3A_188 = arith.muli %scan3A_85, %mul3A_187 : i32
        %add3A_189 = arith.addi %mul3A_186, %mul3A_188 : i32
        %swap3A_190 = arith.index_cast %add3A_189 : i32 to index
        %swap3A_191 = tpu.vector_load %arg9[%swap3A_190] {strides = array<i32>} : memref<2048xf32, #tpu.memory_space<vmem>>, vector<16xf32>,
        tpu.vector_store %arg9[%swap3A_190], %select_n3A_184 {strides = array<i32>} : memref<2048xf32, #tpu.memory_space<vmem>>, vector<16xf32>,
      }
      %scan3A_67 = arith.constant 4 : i32
      %lt3A_68 = arith.constant 15 : i32
      %lt3A_69 = arith.cmpi slt, %scan3A_42, %lt3A_68 : i32
      %convert_element_type3A = arith.extui %lt3A_69 : i1 to i32
      %cond3A = arith.constant 0 : i32
      %cond3A_70 = arith.cmpi ne, %convert_element_type3A, %cond3A : i32
      scf.if %cond3A_70 {
        %add3A_85 = arith.constant 2 : i32
        %add3A_86 = arith.addi %mul3A_44, %add3A_85 : i32
        %mul3A_87 = arith.constant 16 : i32
        %mul3A_88 = arith.muli %add3A_86, %mul3A_87 : i32
        %add3A_89 = arith.addi %mul3A_2, %mul3A_88 : i32
        "tpu.region"() ({
          %run_scoped3A = tpu.sem_alloc : memref<!tpu.dma_semaphore, #tpu.memory_space<semaphore_mem>>
          %dma_start3A = arith.constant 0 : i32
          %dma_start3A_96 = tpu.memref_slice %arg2[%add3A_89, %dma_start3A] : memref<16384x201xi32, #tpu.memory_space<hbm>> -> memref<16x201xi32, #tpu.memory_space<hbm>>
          %dma_start3A_97 = arith.constant 0 : i32
          %dma_start3A_98 = tpu.memref_slice %arg2[%add3A_89, %dma_start3A_97] : memref<16384x201xi32, #tpu.memory_space<hbm>> -> memref<16x201xi32, #tpu.memory_space<hbm>>
          tpu.enqueue_dma source(%dma_start3A_98 : memref<16x201xi32, #tpu.memory_space<hbm>>) target(%arg5 : memref<16x201xi32, #tpu.memory_space<vmem>>) target_semaphore(%run_scoped3A : memref<!tpu.dma_semaphore, #tpu.memory_space<semaphore_mem>>)
          %dma_wait3A = arith.constant 0 : i32
          %dma_wait3A_99 = tpu.memref_slice %arg2[%add3A_89, %dma_wait3A] : memref<16384x201xi32, #tpu.memory_space<hbm>> -> memref<16x201xi32, #tpu.memory_space<hbm>>
          %dma_wait3A_100 = arith.constant 0 : i32
          %dma_wait3A_101 = tpu.memref_slice %arg2[%add3A_89, %dma_wait3A_100] : memref<16384x201xi32, #tpu.memory_space<hbm>> -> memref<16x201xi32, #tpu.memory_space<hbm>>
          tpu.wait_dma2 semaphore(%run_scoped3A : memref<!tpu.dma_semaphore, #tpu.memory_space<semaphore_mem>>) src(%dma_wait3A_101 : memref<16x201xi32, #tpu.memory_space<hbm>>) dst(%arg5 : memref<16x201xi32, #tpu.memory_space<vmem>>)
          tpu.yield
        }) : () -> ()
        %scan3A_90 = arith.constant 0 : i32
        %scan3A_91 = arith.constant 0 : i32
        %scan3A_92 = arith.constant 16 : i32
        %scan3A_93 = arith.addi %scan3A_91, %scan3A_92 : i32
        %scan3A_94 = arith.constant 1 : i32
        scf.for %scan3A_96 = %scan3A_91 to %scan3A_93 step %scan3A_94  : i32 {
          %mul3A_97 = arith.constant 208 : i32
          %mul3A_98 = arith.muli %scan3A_96, %mul3A_97 : i32
          %dma_start3A = arith.constant 0 : i32
          %dma_start3A_99 = tpu.memref_slice %arg7[%mul3A_98, %dma_start3A] : memref<3328x16xf32, #tpu.memory_space<vmem>> -> memref<128x16xf32, #tpu.memory_space<vmem>>
          %dma_start3A_100 = arith.constant 0 : i32
          %dma_start3A_101 = tpu.memref_slice %arg5[%scan3A_96, %dma_start3A_100] : memref<16x201xi32, #tpu.memory_space<vmem>> -> memref<1x128xi32, #tpu.memory_space<vmem>>
          %dma_start3A_102 = tpu.memref_squeeze %dma_start3A_101 : memref<1x128xi32, #tpu.memory_space<vmem>> -> memref<128xi32, #tpu.memory_space<vmem>>
          %dma_start3A_103 = arith.constant 0 : i32
          %dma_start3A_104 = arith.constant 0 : i32
          %dma_start3A_105 = tpu.memref_slice %arg3[%dma_start3A_103, %dma_start3A_104] : memref<100000x16xf32, #tpu.memory_space<hbm>> -> memref<100000x16xf32, #tpu.memory_space<hbm>>
          tpu.enqueue_indirect_dma source(%dma_start3A_105 : memref<100000x16xf32, #tpu.memory_space<hbm>>) target(%dma_start3A_99 : memref<128x16xf32, #tpu.memory_space<vmem>>) offsets(%dma_start3A_102 : memref<128xi32, #tpu.memory_space<vmem>>) semaphore(%arg11 : memref<!tpu.dma_semaphore, #tpu.memory_space<semaphore_mem>>)
          %mul3A_106 = arith.constant 208 : i32
          %mul3A_107 = arith.muli %scan3A_96, %mul3A_106 : i32
          %add3A_108 = arith.constant 128 : i32
          %add3A_109 = arith.addi %mul3A_107, %add3A_108 : i32
          %dma_start3A_110 = arith.constant 0 : i32
          %dma_start3A_111 = tpu.memref_slice %arg7[%add3A_109, %dma_start3A_110] : memref<3328x16xf32, #tpu.memory_space<vmem>> -> memref<73x16xf32, #tpu.memory_space<vmem>>
          %dma_start3A_112 = arith.constant 128 : i32
          %dma_start3A_113 = tpu.memref_slice %arg5[%scan3A_96, %dma_start3A_112] : memref<16x201xi32, #tpu.memory_space<vmem>> -> memref<1x73xi32, #tpu.memory_space<vmem>>
          %dma_start3A_114 = tpu.memref_squeeze %dma_start3A_113 : memref<1x73xi32, #tpu.memory_space<vmem>> -> memref<73xi32, #tpu.memory_space<vmem>>
          %dma_start3A_115 = arith.constant 0 : i32
          %dma_start3A_116 = arith.constant 0 : i32
          %dma_start3A_117 = tpu.memref_slice %arg3[%dma_start3A_115, %dma_start3A_116] : memref<100000x16xf32, #tpu.memory_space<hbm>> -> memref<100000x16xf32, #tpu.memory_space<hbm>>
          tpu.enqueue_indirect_dma source(%dma_start3A_117 : memref<100000x16xf32, #tpu.memory_space<hbm>>) target(%dma_start3A_111 : memref<73x16xf32, #tpu.memory_space<vmem>>) offsets(%dma_start3A_114 : memref<73xi32, #tpu.memory_space<vmem>>) semaphore(%arg11 : memref<!tpu.dma_semaphore, #tpu.memory_space<semaphore_mem>>)
        }
        %scan3A_95 = arith.constant 16 : i32
      } else {
      }
      %scan3A_71 = arith.constant 0 : i32
      %scan3A_72 = arith.constant 0 : i32
      %scan3A_73 = arith.constant 16 : i32
      %scan3A_74 = arith.addi %scan3A_72, %scan3A_73 : i32
      %scan3A_75 = arith.constant 1 : i32
      scf.for %scan3A_85 = %scan3A_72 to %scan3A_74 step %scan3A_75  : i32 {
        %mul3A_86 = arith.constant 208 : i32
        %mul3A_87 = arith.muli %scan3A_85, %mul3A_86 : i32
        %dma_wait3A = arith.constant 0 : i32
        %dma_wait3A_88 = tpu.memref_slice %arg8[%mul3A_87, %dma_wait3A] : memref<3328x16xf32, #tpu.memory_space<vmem>> -> memref<128x16xf32, #tpu.memory_space<vmem>>
        %dma_wait3A_89 = arith.constant 0 : i32
        %dma_wait3A_90 = tpu.memref_slice %arg6[%scan3A_85, %dma_wait3A_89] : memref<16x201xi32, #tpu.memory_space<vmem>> -> memref<1x128xi32, #tpu.memory_space<vmem>>
        %dma_wait3A_91 = tpu.memref_squeeze %dma_wait3A_90 : memref<1x128xi32, #tpu.memory_space<vmem>> -> memref<128xi32, #tpu.memory_space<vmem>>
        %dma_wait3A_92 = arith.constant 0 : i32
        %dma_wait3A_93 = arith.constant 0 : i32
        %dma_wait3A_94 = tpu.memref_slice %arg3[%dma_wait3A_92, %dma_wait3A_93] : memref<100000x16xf32, #tpu.memory_space<hbm>> -> memref<100000x16xf32, #tpu.memory_space<hbm>>
        tpu.wait_indirect_dma semaphore(%arg12 : memref<!tpu.dma_semaphore, #tpu.memory_space<semaphore_mem>>) src(%dma_wait3A_94 : memref<100000x16xf32, #tpu.memory_space<hbm>>) dst(%dma_wait3A_88 : memref<128x16xf32, #tpu.memory_space<vmem>>)
        %mul3A_95 = arith.constant 208 : i32
        %mul3A_96 = arith.muli %scan3A_85, %mul3A_95 : i32
        %add3A_97 = arith.constant 128 : i32
        %add3A_98 = arith.addi %mul3A_96, %add3A_97 : i32
        %dma_wait3A_99 = arith.constant 0 : i32
        %dma_wait3A_100 = tpu.memref_slice %arg8[%add3A_98, %dma_wait3A_99] : memref<3328x16xf32, #tpu.memory_space<vmem>> -> memref<73x16xf32, #tpu.memory_space<vmem>>
        %dma_wait3A_101 = arith.constant 128 : i32
        %dma_wait3A_102 = tpu.memref_slice %arg6[%scan3A_85, %dma_wait3A_101] : memref<16x201xi32, #tpu.memory_space<vmem>> -> memref<1x73xi32, #tpu.memory_space<vmem>>
        %dma_wait3A_103 = tpu.memref_squeeze %dma_wait3A_102 : memref<1x73xi32, #tpu.memory_space<vmem>> -> memref<73xi32, #tpu.memory_space<vmem>>
        %dma_wait3A_104 = arith.constant 0 : i32
        %dma_wait3A_105 = arith.constant 0 : i32
        %dma_wait3A_106 = tpu.memref_slice %arg3[%dma_wait3A_104, %dma_wait3A_105] : memref<100000x16xf32, #tpu.memory_space<hbm>> -> memref<100000x16xf32, #tpu.memory_space<hbm>>
        tpu.wait_indirect_dma semaphore(%arg12 : memref<!tpu.dma_semaphore, #tpu.memory_space<semaphore_mem>>) src(%dma_wait3A_106 : memref<100000x16xf32, #tpu.memory_space<hbm>>) dst(%dma_wait3A_100 : memref<73x16xf32, #tpu.memory_space<vmem>>)
      }
      %scan3A_76 = arith.constant 16 : i32
      %add3A_77 = arith.constant 1 : i32
      %add3A_78 = arith.addi %mul3A_44, %add3A_77 : i32
      %scan3A_79 = arith.constant 0 : i32
      %scan3A_80 = arith.constant 0 : i32
      %scan3A_81 = arith.constant 4 : i32
      %scan3A_82 = arith.addi %scan3A_80, %scan3A_81 : i32
      %scan3A_83 = arith.constant 1 : i32
      scf.for %scan3A_85 = %scan3A_80 to %scan3A_82 step %scan3A_83  : i32 {
        %mul3A_86 = arith.constant 4 : i32
        %mul3A_87 = arith.muli %scan3A_85, %mul3A_86 : i32
        %add3A_88 = arith.constant 0 : i32
        %add3A_89 = arith.addi %mul3A_87, %add3A_88 : i32
        %mul3A_90 = arith.constant 208 : i32
        %mul3A_91 = arith.muli %add3A_89, %mul3A_90 : i32
        %add3A_92 = arith.constant 1 : i32
        %add3A_93 = arith.addi %mul3A_91, %add3A_92 : i32
        %broadcast_in_dim3A = arith.constant 0.000000e+00 : f32
        %broadcast_in_dim3A_94 = vector.broadcast %broadcast_in_dim3A : f32 to vector<16xf32>
        %scan3A_95 = arith.constant 0 : i32
        %scan3A_96 = arith.constant 5 : i32
        %scan3A_97 = arith.addi %scan3A_95, %scan3A_96 : i32
        %scan3A_98 = arith.constant 1 : i32
        %scan3A_99:2 = scf.for %scan3A_192 = %scan3A_95 to %scan3A_97 step %scan3A_98 iter_args(%scan3A_193 = %broadcast_in_dim3A_94, %scan3A_194 = %broadcast_in_dim3A_94) -> (vector<16xf32>, vector<16xf32>)  : i32 {
          %mul3A_195 = arith.constant 40 : i32
          %mul3A_196 = arith.muli %scan3A_192, %mul3A_195 : i32
          %add3A_197 = arith.addi %add3A_93, %mul3A_196 : i32
          %add3A_198 = arith.constant 0 : i32
          %add3A_199 = arith.addi %add3A_197, %add3A_198 : i32
          %add3A_200 = vector.broadcast %add3A_199 : i32 to vector<16xi32>
          %add3A_201 = arith.addi %shift_right_arithmetic3A_12, %add3A_200 : vector<16xi32>
          %add3A_202 = arith.constant 0 : i32
          %add3A_203 = arith.addi %add3A_197, %add3A_202 : i32
          %add3A_204 = arith.constant 4 : i32
          %add3A_205 = arith.addi %add3A_203, %add3A_204 : i32
          %add3A_206 = vector.broadcast %add3A_205 : i32 to vector<16xi32>
          %add3A_207 = arith.addi %shift_right_arithmetic3A_12, %add3A_206 : vector<16xi32>
          %gather3A_208 = tpu.vector_load_idx %arg8[%add3A_201, %and3A_14] : memref<3328x16xf32, #tpu.memory_space<vmem>>[vector<16xi32>, vector<16xi32>], vector<16xf32>,
          %add3A_209 = arith.addf %scan3A_193, %gather3A_208 : vector<16xf32>
          %gather3A_210 = tpu.vector_load_idx %arg8[%add3A_207, %and3A_14] : memref<3328x16xf32, #tpu.memory_space<vmem>>[vector<16xi32>, vector<16xi32>], vector<16xf32>,
          %add3A_211 = arith.addf %scan3A_194, %gather3A_210 : vector<16xf32>
          %add3A_212 = arith.constant 8 : i32
          %add3A_213 = arith.addi %add3A_197, %add3A_212 : i32
          %add3A_214 = vector.broadcast %add3A_213 : i32 to vector<16xi32>
          %add3A_215 = arith.addi %shift_right_arithmetic3A_12, %add3A_214 : vector<16xi32>
          %add3A_216 = arith.constant 8 : i32
          %add3A_217 = arith.addi %add3A_197, %add3A_216 : i32
          %add3A_218 = arith.constant 4 : i32
          %add3A_219 = arith.addi %add3A_217, %add3A_218 : i32
          %add3A_220 = vector.broadcast %add3A_219 : i32 to vector<16xi32>
          %add3A_221 = arith.addi %shift_right_arithmetic3A_12, %add3A_220 : vector<16xi32>
          %gather3A_222 = tpu.vector_load_idx %arg8[%add3A_215, %and3A_14] : memref<3328x16xf32, #tpu.memory_space<vmem>>[vector<16xi32>, vector<16xi32>], vector<16xf32>,
          %add3A_223 = arith.addf %add3A_209, %gather3A_222 : vector<16xf32>
          %gather3A_224 = tpu.vector_load_idx %arg8[%add3A_221, %and3A_14] : memref<3328x16xf32, #tpu.memory_space<vmem>>[vector<16xi32>, vector<16xi32>], vector<16xf32>,
          %add3A_225 = arith.addf %add3A_211, %gather3A_224 : vector<16xf32>
          %add3A_226 = arith.constant 16 : i32
          %add3A_227 = arith.addi %add3A_197, %add3A_226 : i32
          %add3A_228 = vector.broadcast %add3A_227 : i32 to vector<16xi32>
          %add3A_229 = arith.addi %shift_right_arithmetic3A_12, %add3A_228 : vector<16xi32>
          %add3A_230 = arith.constant 16 : i32
          %add3A_231 = arith.addi %add3A_197, %add3A_230 : i32
          %add3A_232 = arith.constant 4 : i32
          %add3A_233 = arith.addi %add3A_231, %add3A_232 : i32
          %add3A_234 = vector.broadcast %add3A_233 : i32 to vector<16xi32>
          %add3A_235 = arith.addi %shift_right_arithmetic3A_12, %add3A_234 : vector<16xi32>
          %gather3A_236 = tpu.vector_load_idx %arg8[%add3A_229, %and3A_14] : memref<3328x16xf32, #tpu.memory_space<vmem>>[vector<16xi32>, vector<16xi32>], vector<16xf32>,
          %add3A_237 = arith.addf %add3A_223, %gather3A_236 : vector<16xf32>
          %gather3A_238 = tpu.vector_load_idx %arg8[%add3A_235, %and3A_14] : memref<3328x16xf32, #tpu.memory_space<vmem>>[vector<16xi32>, vector<16xi32>], vector<16xf32>,
          %add3A_239 = arith.addf %add3A_225, %gather3A_238 : vector<16xf32>
          %add3A_240 = arith.constant 24 : i32
          %add3A_241 = arith.addi %add3A_197, %add3A_240 : i32
          %add3A_242 = vector.broadcast %add3A_241 : i32 to vector<16xi32>
          %add3A_243 = arith.addi %shift_right_arithmetic3A_12, %add3A_242 : vector<16xi32>
          %add3A_244 = arith.constant 24 : i32
          %add3A_245 = arith.addi %add3A_197, %add3A_244 : i32
          %add3A_246 = arith.constant 4 : i32
          %add3A_247 = arith.addi %add3A_245, %add3A_246 : i32
          %add3A_248 = vector.broadcast %add3A_247 : i32 to vector<16xi32>
          %add3A_249 = arith.addi %shift_right_arithmetic3A_12, %add3A_248 : vector<16xi32>
          %gather3A_250 = tpu.vector_load_idx %arg8[%add3A_243, %and3A_14] : memref<3328x16xf32, #tpu.memory_space<vmem>>[vector<16xi32>, vector<16xi32>], vector<16xf32>,
          %add3A_251 = arith.addf %add3A_237, %gather3A_250 : vector<16xf32>
          %gather3A_252 = tpu.vector_load_idx %arg8[%add3A_249, %and3A_14] : memref<3328x16xf32, #tpu.memory_space<vmem>>[vector<16xi32>, vector<16xi32>], vector<16xf32>,
          %add3A_253 = arith.addf %add3A_239, %gather3A_252 : vector<16xf32>
          %add3A_254 = arith.constant 32 : i32
          %add3A_255 = arith.addi %add3A_197, %add3A_254 : i32
          %add3A_256 = vector.broadcast %add3A_255 : i32 to vector<16xi32>
          %add3A_257 = arith.addi %shift_right_arithmetic3A_12, %add3A_256 : vector<16xi32>
          %add3A_258 = arith.constant 32 : i32
          %add3A_259 = arith.addi %add3A_197, %add3A_258 : i32
          %add3A_260 = arith.constant 4 : i32
          %add3A_261 = arith.addi %add3A_259, %add3A_260 : i32
          %add3A_262 = vector.broadcast %add3A_261 : i32 to vector<16xi32>
          %add3A_263 = arith.addi %shift_right_arithmetic3A_12, %add3A_262 : vector<16xi32>
          %gather3A_264 = tpu.vector_load_idx %arg8[%add3A_257, %and3A_14] : memref<3328x16xf32, #tpu.memory_space<vmem>>[vector<16xi32>, vector<16xi32>], vector<16xf32>,
          %add3A_265 = arith.addf %add3A_251, %gather3A_264 : vector<16xf32>
          %gather3A_266 = tpu.vector_load_idx %arg8[%add3A_263, %and3A_14] : memref<3328x16xf32, #tpu.memory_space<vmem>>[vector<16xi32>, vector<16xi32>], vector<16xf32>,
          %add3A_267 = arith.addf %add3A_253, %gather3A_266 : vector<16xf32>
          scf.yield %add3A_265, %add3A_267 : vector<16xf32>, vector<16xf32>
        }
        %scan3A_100 = arith.constant 5 : i32
        %add3A_101 = arith.addf %scan3A_99#0, %scan3A_99#1 : vector<16xf32>
        %swap3A = arith.constant 0 : index
        %swap3A_102 = tpu.vector_load %arg10[%swap3A] {strides = array<i32>} : memref<16xf32, #tpu.memory_space<vmem>>, vector<16xf32>,
        tpu.vector_store %arg10[%swap3A], %add3A_101 {strides = array<i32>} : memref<16xf32, #tpu.memory_space<vmem>>, vector<16xf32>,
        %gather3A = tpu.vector_load_idx %arg10[%and3A_20] : memref<16xf32, #tpu.memory_space<vmem>>[vector<16xi32>], vector<16xf32>,
        %add3A_103 = arith.addf %add3A_101, %gather3A : vector<16xf32>
        %swap3A_104 = arith.constant 0 : index
        %swap3A_105 = tpu.vector_load %arg10[%swap3A_104] {strides = array<i32>} : memref<16xf32, #tpu.memory_space<vmem>>, vector<16xf32>,
        tpu.vector_store %arg10[%swap3A_104], %add3A_103 {strides = array<i32>} : memref<16xf32, #tpu.memory_space<vmem>>, vector<16xf32>,
        %gather3A_106 = tpu.vector_load_idx %arg10[%and3A_26] : memref<16xf32, #tpu.memory_space<vmem>>[vector<16xi32>], vector<16xf32>,
        %add3A_107 = arith.addf %add3A_103, %gather3A_106 : vector<16xf32>
        %mul3A_108 = arith.constant 4 : i32
        %mul3A_109 = arith.muli %scan3A_85, %mul3A_108 : i32
        %add3A_110 = arith.constant 1 : i32
        %add3A_111 = arith.addi %mul3A_109, %add3A_110 : i32
        %mul3A_112 = arith.constant 208 : i32
        %mul3A_113 = arith.muli %add3A_111, %mul3A_112 : i32
        %add3A_114 = arith.constant 1 : i32
        %add3A_115 = arith.addi %mul3A_113, %add3A_114 : i32
        %broadcast_in_dim3A_116 = arith.constant 0.000000e+00 : f32
        %broadcast_in_dim3A_117 = vector.broadcast %broadcast_in_dim3A_116 : f32 to vector<16xf32>
        %scan3A_118 = arith.constant 0 : i32
        %scan3A_119 = arith.constant 5 : i32
        %scan3A_120 = arith.addi %scan3A_118, %scan3A_119 : i32
        %scan3A_121 = arith.constant 1 : i32
        %scan3A_122:2 = scf.for %scan3A_192 = %scan3A_118 to %scan3A_120 step %scan3A_121 iter_args(%scan3A_193 = %broadcast_in_dim3A_117, %scan3A_194 = %broadcast_in_dim3A_117) -> (vector<16xf32>, vector<16xf32>)  : i32 {
          %mul3A_195 = arith.constant 40 : i32
          %mul3A_196 = arith.muli %scan3A_192, %mul3A_195 : i32
          %add3A_197 = arith.addi %add3A_115, %mul3A_196 : i32
          %add3A_198 = arith.constant 0 : i32
          %add3A_199 = arith.addi %add3A_197, %add3A_198 : i32
          %add3A_200 = vector.broadcast %add3A_199 : i32 to vector<16xi32>
          %add3A_201 = arith.addi %shift_right_arithmetic3A_12, %add3A_200 : vector<16xi32>
          %add3A_202 = arith.constant 0 : i32
          %add3A_203 = arith.addi %add3A_197, %add3A_202 : i32
          %add3A_204 = arith.constant 4 : i32
          %add3A_205 = arith.addi %add3A_203, %add3A_204 : i32
          %add3A_206 = vector.broadcast %add3A_205 : i32 to vector<16xi32>
          %add3A_207 = arith.addi %shift_right_arithmetic3A_12, %add3A_206 : vector<16xi32>
          %gather3A_208 = tpu.vector_load_idx %arg8[%add3A_201, %and3A_14] : memref<3328x16xf32, #tpu.memory_space<vmem>>[vector<16xi32>, vector<16xi32>], vector<16xf32>,
          %add3A_209 = arith.addf %scan3A_193, %gather3A_208 : vector<16xf32>
          %gather3A_210 = tpu.vector_load_idx %arg8[%add3A_207, %and3A_14] : memref<3328x16xf32, #tpu.memory_space<vmem>>[vector<16xi32>, vector<16xi32>], vector<16xf32>,
          %add3A_211 = arith.addf %scan3A_194, %gather3A_210 : vector<16xf32>
          %add3A_212 = arith.constant 8 : i32
          %add3A_213 = arith.addi %add3A_197, %add3A_212 : i32
          %add3A_214 = vector.broadcast %add3A_213 : i32 to vector<16xi32>
          %add3A_215 = arith.addi %shift_right_arithmetic3A_12, %add3A_214 : vector<16xi32>
          %add3A_216 = arith.constant 8 : i32
          %add3A_217 = arith.addi %add3A_197, %add3A_216 : i32
          %add3A_218 = arith.constant 4 : i32
          %add3A_219 = arith.addi %add3A_217, %add3A_218 : i32
          %add3A_220 = vector.broadcast %add3A_219 : i32 to vector<16xi32>
          %add3A_221 = arith.addi %shift_right_arithmetic3A_12, %add3A_220 : vector<16xi32>
          %gather3A_222 = tpu.vector_load_idx %arg8[%add3A_215, %and3A_14] : memref<3328x16xf32, #tpu.memory_space<vmem>>[vector<16xi32>, vector<16xi32>], vector<16xf32>,
          %add3A_223 = arith.addf %add3A_209, %gather3A_222 : vector<16xf32>
          %gather3A_224 = tpu.vector_load_idx %arg8[%add3A_221, %and3A_14] : memref<3328x16xf32, #tpu.memory_space<vmem>>[vector<16xi32>, vector<16xi32>], vector<16xf32>,
          %add3A_225 = arith.addf %add3A_211, %gather3A_224 : vector<16xf32>
          %add3A_226 = arith.constant 16 : i32
          %add3A_227 = arith.addi %add3A_197, %add3A_226 : i32
          %add3A_228 = vector.broadcast %add3A_227 : i32 to vector<16xi32>
          %add3A_229 = arith.addi %shift_right_arithmetic3A_12, %add3A_228 : vector<16xi32>
          %add3A_230 = arith.constant 16 : i32
          %add3A_231 = arith.addi %add3A_197, %add3A_230 : i32
          %add3A_232 = arith.constant 4 : i32
          %add3A_233 = arith.addi %add3A_231, %add3A_232 : i32
          %add3A_234 = vector.broadcast %add3A_233 : i32 to vector<16xi32>
          %add3A_235 = arith.addi %shift_right_arithmetic3A_12, %add3A_234 : vector<16xi32>
          %gather3A_236 = tpu.vector_load_idx %arg8[%add3A_229, %and3A_14] : memref<3328x16xf32, #tpu.memory_space<vmem>>[vector<16xi32>, vector<16xi32>], vector<16xf32>,
          %add3A_237 = arith.addf %add3A_223, %gather3A_236 : vector<16xf32>
          %gather3A_238 = tpu.vector_load_idx %arg8[%add3A_235, %and3A_14] : memref<3328x16xf32, #tpu.memory_space<vmem>>[vector<16xi32>, vector<16xi32>], vector<16xf32>,
          %add3A_239 = arith.addf %add3A_225, %gather3A_238 : vector<16xf32>
          %add3A_240 = arith.constant 24 : i32
          %add3A_241 = arith.addi %add3A_197, %add3A_240 : i32
          %add3A_242 = vector.broadcast %add3A_241 : i32 to vector<16xi32>
          %add3A_243 = arith.addi %shift_right_arithmetic3A_12, %add3A_242 : vector<16xi32>
          %add3A_244 = arith.constant 24 : i32
          %add3A_245 = arith.addi %add3A_197, %add3A_244 : i32
          %add3A_246 = arith.constant 4 : i32
          %add3A_247 = arith.addi %add3A_245, %add3A_246 : i32
          %add3A_248 = vector.broadcast %add3A_247 : i32 to vector<16xi32>
          %add3A_249 = arith.addi %shift_right_arithmetic3A_12, %add3A_248 : vector<16xi32>
          %gather3A_250 = tpu.vector_load_idx %arg8[%add3A_243, %and3A_14] : memref<3328x16xf32, #tpu.memory_space<vmem>>[vector<16xi32>, vector<16xi32>], vector<16xf32>,
          %add3A_251 = arith.addf %add3A_237, %gather3A_250 : vector<16xf32>
          %gather3A_252 = tpu.vector_load_idx %arg8[%add3A_249, %and3A_14] : memref<3328x16xf32, #tpu.memory_space<vmem>>[vector<16xi32>, vector<16xi32>], vector<16xf32>,
          %add3A_253 = arith.addf %add3A_239, %gather3A_252 : vector<16xf32>
          %add3A_254 = arith.constant 32 : i32
          %add3A_255 = arith.addi %add3A_197, %add3A_254 : i32
          %add3A_256 = vector.broadcast %add3A_255 : i32 to vector<16xi32>
          %add3A_257 = arith.addi %shift_right_arithmetic3A_12, %add3A_256 : vector<16xi32>
          %add3A_258 = arith.constant 32 : i32
          %add3A_259 = arith.addi %add3A_197, %add3A_258 : i32
          %add3A_260 = arith.constant 4 : i32
          %add3A_261 = arith.addi %add3A_259, %add3A_260 : i32
          %add3A_262 = vector.broadcast %add3A_261 : i32 to vector<16xi32>
          %add3A_263 = arith.addi %shift_right_arithmetic3A_12, %add3A_262 : vector<16xi32>
          %gather3A_264 = tpu.vector_load_idx %arg8[%add3A_257, %and3A_14] : memref<3328x16xf32, #tpu.memory_space<vmem>>[vector<16xi32>, vector<16xi32>], vector<16xf32>,
          %add3A_265 = arith.addf %add3A_251, %gather3A_264 : vector<16xf32>
          %gather3A_266 = tpu.vector_load_idx %arg8[%add3A_263, %and3A_14] : memref<3328x16xf32, #tpu.memory_space<vmem>>[vector<16xi32>, vector<16xi32>], vector<16xf32>,
          %add3A_267 = arith.addf %add3A_253, %gather3A_266 : vector<16xf32>
          scf.yield %add3A_265, %add3A_267 : vector<16xf32>, vector<16xf32>
        }
        %scan3A_123 = arith.constant 5 : i32
        %add3A_124 = arith.addf %scan3A_122#0, %scan3A_122#1 : vector<16xf32>
        %swap3A_125 = arith.constant 0 : index
        %swap3A_126 = tpu.vector_load %arg10[%swap3A_125] {strides = array<i32>} : memref<16xf32, #tpu.memory_space<vmem>>, vector<16xf32>,
        tpu.vector_store %arg10[%swap3A_125], %add3A_124 {strides = array<i32>} : memref<16xf32, #tpu.memory_space<vmem>>, vector<16xf32>,
        %gather3A_127 = tpu.vector_load_idx %arg10[%and3A_20] : memref<16xf32, #tpu.memory_space<vmem>>[vector<16xi32>], vector<16xf32>,
        %add3A_128 = arith.addf %add3A_124, %gather3A_127 : vector<16xf32>
        %swap3A_129 = arith.constant 0 : index
        %swap3A_130 = tpu.vector_load %arg10[%swap3A_129] {strides = array<i32>} : memref<16xf32, #tpu.memory_space<vmem>>, vector<16xf32>,
        tpu.vector_store %arg10[%swap3A_129], %add3A_128 {strides = array<i32>} : memref<16xf32, #tpu.memory_space<vmem>>, vector<16xf32>,
        %gather3A_131 = tpu.vector_load_idx %arg10[%and3A_26] : memref<16xf32, #tpu.memory_space<vmem>>[vector<16xi32>], vector<16xf32>,
        %add3A_132 = arith.addf %add3A_128, %gather3A_131 : vector<16xf32>
        %mul3A_133 = arith.constant 4 : i32
        %mul3A_134 = arith.muli %scan3A_85, %mul3A_133 : i32
        %add3A_135 = arith.constant 2 : i32
        %add3A_136 = arith.addi %mul3A_134, %add3A_135 : i32
        %mul3A_137 = arith.constant 208 : i32
        %mul3A_138 = arith.muli %add3A_136, %mul3A_137 : i32
        %add3A_139 = arith.constant 1 : i32
        %add3A_140 = arith.addi %mul3A_138, %add3A_139 : i32
        %broadcast_in_dim3A_141 = arith.constant 0.000000e+00 : f32
        %broadcast_in_dim3A_142 = vector.broadcast %broadcast_in_dim3A_141 : f32 to vector<16xf32>
        %scan3A_143 = arith.constant 0 : i32
        %scan3A_144 = arith.constant 5 : i32
        %scan3A_145 = arith.addi %scan3A_143, %scan3A_144 : i32
        %scan3A_146 = arith.constant 1 : i32
        %scan3A_147:2 = scf.for %scan3A_192 = %scan3A_143 to %scan3A_145 step %scan3A_146 iter_args(%scan3A_193 = %broadcast_in_dim3A_142, %scan3A_194 = %broadcast_in_dim3A_142) -> (vector<16xf32>, vector<16xf32>)  : i32 {
          %mul3A_195 = arith.constant 40 : i32
          %mul3A_196 = arith.muli %scan3A_192, %mul3A_195 : i32
          %add3A_197 = arith.addi %add3A_140, %mul3A_196 : i32
          %add3A_198 = arith.constant 0 : i32
          %add3A_199 = arith.addi %add3A_197, %add3A_198 : i32
          %add3A_200 = vector.broadcast %add3A_199 : i32 to vector<16xi32>
          %add3A_201 = arith.addi %shift_right_arithmetic3A_12, %add3A_200 : vector<16xi32>
          %add3A_202 = arith.constant 0 : i32
          %add3A_203 = arith.addi %add3A_197, %add3A_202 : i32
          %add3A_204 = arith.constant 4 : i32
          %add3A_205 = arith.addi %add3A_203, %add3A_204 : i32
          %add3A_206 = vector.broadcast %add3A_205 : i32 to vector<16xi32>
          %add3A_207 = arith.addi %shift_right_arithmetic3A_12, %add3A_206 : vector<16xi32>
          %gather3A_208 = tpu.vector_load_idx %arg8[%add3A_201, %and3A_14] : memref<3328x16xf32, #tpu.memory_space<vmem>>[vector<16xi32>, vector<16xi32>], vector<16xf32>,
          %add3A_209 = arith.addf %scan3A_193, %gather3A_208 : vector<16xf32>
          %gather3A_210 = tpu.vector_load_idx %arg8[%add3A_207, %and3A_14] : memref<3328x16xf32, #tpu.memory_space<vmem>>[vector<16xi32>, vector<16xi32>], vector<16xf32>,
          %add3A_211 = arith.addf %scan3A_194, %gather3A_210 : vector<16xf32>
          %add3A_212 = arith.constant 8 : i32
          %add3A_213 = arith.addi %add3A_197, %add3A_212 : i32
          %add3A_214 = vector.broadcast %add3A_213 : i32 to vector<16xi32>
          %add3A_215 = arith.addi %shift_right_arithmetic3A_12, %add3A_214 : vector<16xi32>
          %add3A_216 = arith.constant 8 : i32
          %add3A_217 = arith.addi %add3A_197, %add3A_216 : i32
          %add3A_218 = arith.constant 4 : i32
          %add3A_219 = arith.addi %add3A_217, %add3A_218 : i32
          %add3A_220 = vector.broadcast %add3A_219 : i32 to vector<16xi32>
          %add3A_221 = arith.addi %shift_right_arithmetic3A_12, %add3A_220 : vector<16xi32>
          %gather3A_222 = tpu.vector_load_idx %arg8[%add3A_215, %and3A_14] : memref<3328x16xf32, #tpu.memory_space<vmem>>[vector<16xi32>, vector<16xi32>], vector<16xf32>,
          %add3A_223 = arith.addf %add3A_209, %gather3A_222 : vector<16xf32>
          %gather3A_224 = tpu.vector_load_idx %arg8[%add3A_221, %and3A_14] : memref<3328x16xf32, #tpu.memory_space<vmem>>[vector<16xi32>, vector<16xi32>], vector<16xf32>,
          %add3A_225 = arith.addf %add3A_211, %gather3A_224 : vector<16xf32>
          %add3A_226 = arith.constant 16 : i32
          %add3A_227 = arith.addi %add3A_197, %add3A_226 : i32
          %add3A_228 = vector.broadcast %add3A_227 : i32 to vector<16xi32>
          %add3A_229 = arith.addi %shift_right_arithmetic3A_12, %add3A_228 : vector<16xi32>
          %add3A_230 = arith.constant 16 : i32
          %add3A_231 = arith.addi %add3A_197, %add3A_230 : i32
          %add3A_232 = arith.constant 4 : i32
          %add3A_233 = arith.addi %add3A_231, %add3A_232 : i32
          %add3A_234 = vector.broadcast %add3A_233 : i32 to vector<16xi32>
          %add3A_235 = arith.addi %shift_right_arithmetic3A_12, %add3A_234 : vector<16xi32>
          %gather3A_236 = tpu.vector_load_idx %arg8[%add3A_229, %and3A_14] : memref<3328x16xf32, #tpu.memory_space<vmem>>[vector<16xi32>, vector<16xi32>], vector<16xf32>,
          %add3A_237 = arith.addf %add3A_223, %gather3A_236 : vector<16xf32>
          %gather3A_238 = tpu.vector_load_idx %arg8[%add3A_235, %and3A_14] : memref<3328x16xf32, #tpu.memory_space<vmem>>[vector<16xi32>, vector<16xi32>], vector<16xf32>,
          %add3A_239 = arith.addf %add3A_225, %gather3A_238 : vector<16xf32>
          %add3A_240 = arith.constant 24 : i32
          %add3A_241 = arith.addi %add3A_197, %add3A_240 : i32
          %add3A_242 = vector.broadcast %add3A_241 : i32 to vector<16xi32>
          %add3A_243 = arith.addi %shift_right_arithmetic3A_12, %add3A_242 : vector<16xi32>
          %add3A_244 = arith.constant 24 : i32
          %add3A_245 = arith.addi %add3A_197, %add3A_244 : i32
          %add3A_246 = arith.constant 4 : i32
          %add3A_247 = arith.addi %add3A_245, %add3A_246 : i32
          %add3A_248 = vector.broadcast %add3A_247 : i32 to vector<16xi32>
          %add3A_249 = arith.addi %shift_right_arithmetic3A_12, %add3A_248 : vector<16xi32>
          %gather3A_250 = tpu.vector_load_idx %arg8[%add3A_243, %and3A_14] : memref<3328x16xf32, #tpu.memory_space<vmem>>[vector<16xi32>, vector<16xi32>], vector<16xf32>,
          %add3A_251 = arith.addf %add3A_237, %gather3A_250 : vector<16xf32>
          %gather3A_252 = tpu.vector_load_idx %arg8[%add3A_249, %and3A_14] : memref<3328x16xf32, #tpu.memory_space<vmem>>[vector<16xi32>, vector<16xi32>], vector<16xf32>,
          %add3A_253 = arith.addf %add3A_239, %gather3A_252 : vector<16xf32>
          %add3A_254 = arith.constant 32 : i32
          %add3A_255 = arith.addi %add3A_197, %add3A_254 : i32
          %add3A_256 = vector.broadcast %add3A_255 : i32 to vector<16xi32>
          %add3A_257 = arith.addi %shift_right_arithmetic3A_12, %add3A_256 : vector<16xi32>
          %add3A_258 = arith.constant 32 : i32
          %add3A_259 = arith.addi %add3A_197, %add3A_258 : i32
          %add3A_260 = arith.constant 4 : i32
          %add3A_261 = arith.addi %add3A_259, %add3A_260 : i32
          %add3A_262 = vector.broadcast %add3A_261 : i32 to vector<16xi32>
          %add3A_263 = arith.addi %shift_right_arithmetic3A_12, %add3A_262 : vector<16xi32>
          %gather3A_264 = tpu.vector_load_idx %arg8[%add3A_257, %and3A_14] : memref<3328x16xf32, #tpu.memory_space<vmem>>[vector<16xi32>, vector<16xi32>], vector<16xf32>,
          %add3A_265 = arith.addf %add3A_251, %gather3A_264 : vector<16xf32>
          %gather3A_266 = tpu.vector_load_idx %arg8[%add3A_263, %and3A_14] : memref<3328x16xf32, #tpu.memory_space<vmem>>[vector<16xi32>, vector<16xi32>], vector<16xf32>,
          %add3A_267 = arith.addf %add3A_253, %gather3A_266 : vector<16xf32>
          scf.yield %add3A_265, %add3A_267 : vector<16xf32>, vector<16xf32>
        }
        %scan3A_148 = arith.constant 5 : i32
        %add3A_149 = arith.addf %scan3A_147#0, %scan3A_147#1 : vector<16xf32>
        %swap3A_150 = arith.constant 0 : index
        %swap3A_151 = tpu.vector_load %arg10[%swap3A_150] {strides = array<i32>} : memref<16xf32, #tpu.memory_space<vmem>>, vector<16xf32>,
        tpu.vector_store %arg10[%swap3A_150], %add3A_149 {strides = array<i32>} : memref<16xf32, #tpu.memory_space<vmem>>, vector<16xf32>,
        %gather3A_152 = tpu.vector_load_idx %arg10[%and3A_20] : memref<16xf32, #tpu.memory_space<vmem>>[vector<16xi32>], vector<16xf32>,
        %add3A_153 = arith.addf %add3A_149, %gather3A_152 : vector<16xf32>
        %swap3A_154 = arith.constant 0 : index
        %swap3A_155 = tpu.vector_load %arg10[%swap3A_154] {strides = array<i32>} : memref<16xf32, #tpu.memory_space<vmem>>, vector<16xf32>,
        tpu.vector_store %arg10[%swap3A_154], %add3A_153 {strides = array<i32>} : memref<16xf32, #tpu.memory_space<vmem>>, vector<16xf32>,
        %gather3A_156 = tpu.vector_load_idx %arg10[%and3A_26] : memref<16xf32, #tpu.memory_space<vmem>>[vector<16xi32>], vector<16xf32>,
        %add3A_157 = arith.addf %add3A_153, %gather3A_156 : vector<16xf32>
        %mul3A_158 = arith.constant 4 : i32
        %mul3A_159 = arith.muli %scan3A_85, %mul3A_158 : i32
        %add3A_160 = arith.constant 3 : i32
        %add3A_161 = arith.addi %mul3A_159, %add3A_160 : i32
        %mul3A_162 = arith.constant 208 : i32
        %mul3A_163 = arith.muli %add3A_161, %mul3A_162 : i32
        %add3A_164 = arith.constant 1 : i32
        %add3A_165 = arith.addi %mul3A_163, %add3A_164 : i32
        %broadcast_in_dim3A_166 = arith.constant 0.000000e+00 : f32
        %broadcast_in_dim3A_167 = vector.broadcast %broadcast_in_dim3A_166 : f32 to vector<16xf32>
        %scan3A_168 = arith.constant 0 : i32
        %scan3A_169 = arith.constant 5 : i32
        %scan3A_170 = arith.addi %scan3A_168, %scan3A_169 : i32
        %scan3A_171 = arith.constant 1 : i32
        %scan3A_172:2 = scf.for %scan3A_192 = %scan3A_168 to %scan3A_170 step %scan3A_171 iter_args(%scan3A_193 = %broadcast_in_dim3A_167, %scan3A_194 = %broadcast_in_dim3A_167) -> (vector<16xf32>, vector<16xf32>)  : i32 {
          %mul3A_195 = arith.constant 40 : i32
          %mul3A_196 = arith.muli %scan3A_192, %mul3A_195 : i32
          %add3A_197 = arith.addi %add3A_165, %mul3A_196 : i32
          %add3A_198 = arith.constant 0 : i32
          %add3A_199 = arith.addi %add3A_197, %add3A_198 : i32
          %add3A_200 = vector.broadcast %add3A_199 : i32 to vector<16xi32>
          %add3A_201 = arith.addi %shift_right_arithmetic3A_12, %add3A_200 : vector<16xi32>
          %add3A_202 = arith.constant 0 : i32
          %add3A_203 = arith.addi %add3A_197, %add3A_202 : i32
          %add3A_204 = arith.constant 4 : i32
          %add3A_205 = arith.addi %add3A_203, %add3A_204 : i32
          %add3A_206 = vector.broadcast %add3A_205 : i32 to vector<16xi32>
          %add3A_207 = arith.addi %shift_right_arithmetic3A_12, %add3A_206 : vector<16xi32>
          %gather3A_208 = tpu.vector_load_idx %arg8[%add3A_201, %and3A_14] : memref<3328x16xf32, #tpu.memory_space<vmem>>[vector<16xi32>, vector<16xi32>], vector<16xf32>,
          %add3A_209 = arith.addf %scan3A_193, %gather3A_208 : vector<16xf32>
          %gather3A_210 = tpu.vector_load_idx %arg8[%add3A_207, %and3A_14] : memref<3328x16xf32, #tpu.memory_space<vmem>>[vector<16xi32>, vector<16xi32>], vector<16xf32>,
          %add3A_211 = arith.addf %scan3A_194, %gather3A_210 : vector<16xf32>
          %add3A_212 = arith.constant 8 : i32
          %add3A_213 = arith.addi %add3A_197, %add3A_212 : i32
          %add3A_214 = vector.broadcast %add3A_213 : i32 to vector<16xi32>
          %add3A_215 = arith.addi %shift_right_arithmetic3A_12, %add3A_214 : vector<16xi32>
          %add3A_216 = arith.constant 8 : i32
          %add3A_217 = arith.addi %add3A_197, %add3A_216 : i32
          %add3A_218 = arith.constant 4 : i32
          %add3A_219 = arith.addi %add3A_217, %add3A_218 : i32
          %add3A_220 = vector.broadcast %add3A_219 : i32 to vector<16xi32>
          %add3A_221 = arith.addi %shift_right_arithmetic3A_12, %add3A_220 : vector<16xi32>
          %gather3A_222 = tpu.vector_load_idx %arg8[%add3A_215, %and3A_14] : memref<3328x16xf32, #tpu.memory_space<vmem>>[vector<16xi32>, vector<16xi32>], vector<16xf32>,
          %add3A_223 = arith.addf %add3A_209, %gather3A_222 : vector<16xf32>
          %gather3A_224 = tpu.vector_load_idx %arg8[%add3A_221, %and3A_14] : memref<3328x16xf32, #tpu.memory_space<vmem>>[vector<16xi32>, vector<16xi32>], vector<16xf32>,
          %add3A_225 = arith.addf %add3A_211, %gather3A_224 : vector<16xf32>
          %add3A_226 = arith.constant 16 : i32
          %add3A_227 = arith.addi %add3A_197, %add3A_226 : i32
          %add3A_228 = vector.broadcast %add3A_227 : i32 to vector<16xi32>
          %add3A_229 = arith.addi %shift_right_arithmetic3A_12, %add3A_228 : vector<16xi32>
          %add3A_230 = arith.constant 16 : i32
          %add3A_231 = arith.addi %add3A_197, %add3A_230 : i32
          %add3A_232 = arith.constant 4 : i32
          %add3A_233 = arith.addi %add3A_231, %add3A_232 : i32
          %add3A_234 = vector.broadcast %add3A_233 : i32 to vector<16xi32>
          %add3A_235 = arith.addi %shift_right_arithmetic3A_12, %add3A_234 : vector<16xi32>
          %gather3A_236 = tpu.vector_load_idx %arg8[%add3A_229, %and3A_14] : memref<3328x16xf32, #tpu.memory_space<vmem>>[vector<16xi32>, vector<16xi32>], vector<16xf32>,
          %add3A_237 = arith.addf %add3A_223, %gather3A_236 : vector<16xf32>
          %gather3A_238 = tpu.vector_load_idx %arg8[%add3A_235, %and3A_14] : memref<3328x16xf32, #tpu.memory_space<vmem>>[vector<16xi32>, vector<16xi32>], vector<16xf32>,
          %add3A_239 = arith.addf %add3A_225, %gather3A_238 : vector<16xf32>
          %add3A_240 = arith.constant 24 : i32
          %add3A_241 = arith.addi %add3A_197, %add3A_240 : i32
          %add3A_242 = vector.broadcast %add3A_241 : i32 to vector<16xi32>
          %add3A_243 = arith.addi %shift_right_arithmetic3A_12, %add3A_242 : vector<16xi32>
          %add3A_244 = arith.constant 24 : i32
          %add3A_245 = arith.addi %add3A_197, %add3A_244 : i32
          %add3A_246 = arith.constant 4 : i32
          %add3A_247 = arith.addi %add3A_245, %add3A_246 : i32
          %add3A_248 = vector.broadcast %add3A_247 : i32 to vector<16xi32>
          %add3A_249 = arith.addi %shift_right_arithmetic3A_12, %add3A_248 : vector<16xi32>
          %gather3A_250 = tpu.vector_load_idx %arg8[%add3A_243, %and3A_14] : memref<3328x16xf32, #tpu.memory_space<vmem>>[vector<16xi32>, vector<16xi32>], vector<16xf32>,
          %add3A_251 = arith.addf %add3A_237, %gather3A_250 : vector<16xf32>
          %gather3A_252 = tpu.vector_load_idx %arg8[%add3A_249, %and3A_14] : memref<3328x16xf32, #tpu.memory_space<vmem>>[vector<16xi32>, vector<16xi32>], vector<16xf32>,
          %add3A_253 = arith.addf %add3A_239, %gather3A_252 : vector<16xf32>
          %add3A_254 = arith.constant 32 : i32
          %add3A_255 = arith.addi %add3A_197, %add3A_254 : i32
          %add3A_256 = vector.broadcast %add3A_255 : i32 to vector<16xi32>
          %add3A_257 = arith.addi %shift_right_arithmetic3A_12, %add3A_256 : vector<16xi32>
          %add3A_258 = arith.constant 32 : i32
          %add3A_259 = arith.addi %add3A_197, %add3A_258 : i32
          %add3A_260 = arith.constant 4 : i32
          %add3A_261 = arith.addi %add3A_259, %add3A_260 : i32
          %add3A_262 = vector.broadcast %add3A_261 : i32 to vector<16xi32>
          %add3A_263 = arith.addi %shift_right_arithmetic3A_12, %add3A_262 : vector<16xi32>
          %gather3A_264 = tpu.vector_load_idx %arg8[%add3A_257, %and3A_14] : memref<3328x16xf32, #tpu.memory_space<vmem>>[vector<16xi32>, vector<16xi32>], vector<16xf32>,
          %add3A_265 = arith.addf %add3A_251, %gather3A_264 : vector<16xf32>
          %gather3A_266 = tpu.vector_load_idx %arg8[%add3A_263, %and3A_14] : memref<3328x16xf32, #tpu.memory_space<vmem>>[vector<16xi32>, vector<16xi32>], vector<16xf32>,
          %add3A_267 = arith.addf %add3A_253, %gather3A_266 : vector<16xf32>
          scf.yield %add3A_265, %add3A_267 : vector<16xf32>, vector<16xf32>
        }
        %scan3A_173 = arith.constant 5 : i32
        %add3A_174 = arith.addf %scan3A_172#0, %scan3A_172#1 : vector<16xf32>
        %swap3A_175 = arith.constant 0 : index
        %swap3A_176 = tpu.vector_load %arg10[%swap3A_175] {strides = array<i32>} : memref<16xf32, #tpu.memory_space<vmem>>, vector<16xf32>,
        tpu.vector_store %arg10[%swap3A_175], %add3A_174 {strides = array<i32>} : memref<16xf32, #tpu.memory_space<vmem>>, vector<16xf32>,
        %gather3A_177 = tpu.vector_load_idx %arg10[%and3A_20] : memref<16xf32, #tpu.memory_space<vmem>>[vector<16xi32>], vector<16xf32>,
        %add3A_178 = arith.addf %add3A_174, %gather3A_177 : vector<16xf32>
        %swap3A_179 = arith.constant 0 : index
        %swap3A_180 = tpu.vector_load %arg10[%swap3A_179] {strides = array<i32>} : memref<16xf32, #tpu.memory_space<vmem>>, vector<16xf32>,
        tpu.vector_store %arg10[%swap3A_179], %add3A_178 {strides = array<i32>} : memref<16xf32, #tpu.memory_space<vmem>>, vector<16xf32>,
        %gather3A_181 = tpu.vector_load_idx %arg10[%and3A_26] : memref<16xf32, #tpu.memory_space<vmem>>[vector<16xi32>], vector<16xf32>,
        %add3A_182 = arith.addf %add3A_178, %gather3A_181 : vector<16xf32>
        %select_n3A = arith.select %lt3A_10, %add3A_157, %add3A_182 : vector<16xi1>, vector<16xf32>
        %select_n3A_183 = arith.select %lt3A_7, %add3A_132, %select_n3A : vector<16xi1>, vector<16xf32>
        %select_n3A_184 = arith.select %lt3A_4, %add3A_107, %select_n3A_183 : vector<16xi1>, vector<16xf32>
        %mul3A_185 = arith.constant 64 : i32
        %mul3A_186 = arith.muli %add3A_78, %mul3A_185 : i32
        %mul3A_187 = arith.constant 16 : i32
        %mul3A_188 = arith.muli %scan3A_85, %mul3A_187 : i32
        %add3A_189 = arith.addi %mul3A_186, %mul3A_188 : i32
        %swap3A_190 = arith.index_cast %add3A_189 : i32 to index
        %swap3A_191 = tpu.vector_load %arg9[%swap3A_190] {strides = array<i32>} : memref<2048xf32, #tpu.memory_space<vmem>>, vector<16xf32>,
        tpu.vector_store %arg9[%swap3A_190], %select_n3A_184 {strides = array<i32>} : memref<2048xf32, #tpu.memory_space<vmem>>, vector<16xf32>,
      }
      %scan3A_84 = arith.constant 4 : i32
    }
    %scan3A_39 = arith.constant 16 : i32
    %mul3A_40 = arith.constant 2048 : i32
    %mul3A_41 = arith.muli %add3A, %mul3A_40 : i32
    "tpu.region"() ({
      %run_scoped3A = tpu.sem_alloc : memref<!tpu.dma_semaphore, #tpu.memory_space<semaphore_mem>>
      %dma_start3A = tpu.memref_slice %arg4[%mul3A_41] : memref<65536xf32, #tpu.memory_space<hbm>> -> memref<2048xf32, #tpu.memory_space<hbm>>
      %dma_start3A_42 = tpu.memref_slice %arg4[%mul3A_41] : memref<65536xf32, #tpu.memory_space<hbm>> -> memref<2048xf32, #tpu.memory_space<hbm>>
      tpu.enqueue_dma source(%arg9 : memref<2048xf32, #tpu.memory_space<vmem>>) target(%dma_start3A_42 : memref<2048xf32, #tpu.memory_space<hbm>>) target_semaphore(%run_scoped3A : memref<!tpu.dma_semaphore, #tpu.memory_space<semaphore_mem>>)
      %dma_wait3A = tpu.memref_slice %arg4[%mul3A_41] : memref<65536xf32, #tpu.memory_space<hbm>> -> memref<2048xf32, #tpu.memory_space<hbm>>
      %dma_wait3A_43 = tpu.memref_slice %arg4[%mul3A_41] : memref<65536xf32, #tpu.memory_space<hbm>> -> memref<2048xf32, #tpu.memory_space<hbm>>
      tpu.wait_dma2 semaphore(%run_scoped3A : memref<!tpu.dma_semaphore, #tpu.memory_space<semaphore_mem>>) src(%arg9 : memref<2048xf32, #tpu.memory_space<vmem>>) dst(%dma_wait3A_43 : memref<2048xf32, #tpu.memory_space<hbm>>)
      tpu.yield
    }) : () -> ()
    return
  }
}

module attributes {stable_mosaic.version = 14 : i64} {
  func.func @_project_body(%arg0: i32, %arg1: memref<10000x64xf32, #tpu.memory_space<vmem>>, %arg2: memref<64x16xf32, #tpu.memory_space<vmem>>, %arg3: memref<1x16xf32, #tpu.memory_space<vmem>>, %arg4: memref<10000x16xf32, #tpu.memory_space<vmem>>) attributes {dimension_semantics = [#tpu.dimension_semantics<arbitrary>], iteration_bounds = array<i64: 10>, scalar_prefetch = 0 : i64, scratch_operands = 0 : i64, tpu.core_type = #tpu.core_type<tc>, window_params = [{transform_indices = @transform_0, window_bounds = array<i64: 10000, 64>}, {pipeline_mode = #tpu.pipeline_mode<synchronous>, transform_indices = @transform_1, window_bounds = array<i64: 64, 16>}, {pipeline_mode = #tpu.pipeline_mode<synchronous>, transform_indices = @transform_2, window_bounds = array<i64: 1, 16>}, {transform_indices = @transform_3, window_bounds = array<i64: 10000, 16>}]} {
    %get3A = arith.constant 0 : index
    %get3A_0 = arith.constant 0 : index
    %get3A_1 = vector.load %arg1[%get3A, %get3A_0] : memref<10000x64xf32, #tpu.memory_space<vmem>>, vector<10000x64xf32>
    %get3A_2 = arith.constant 0 : index
    %get3A_3 = arith.constant 0 : index
    %get3A_4 = vector.load %arg2[%get3A_2, %get3A_3] : memref<64x16xf32, #tpu.memory_space<vmem>>, vector<64x16xf32>
    %dot_general3A = arith.constant dense<0.000000e+00> : vector<10000x16xf32>
    %dot_general3A_5 = tpu.matmul %get3A_1, %get3A_4, %dot_general3A {dimension_numbers = #tpu.dot_dimension_numbers<[1], [0], [0], [1], [0, 0, 1, 1], [], []>, transpose_lhs_hint = false} : vector<10000x64xf32>, vector<64x16xf32>, vector<10000x16xf32> -> vector<10000x16xf32>
    %get3A_6 = arith.constant 0 : index
    %get3A_7 = arith.constant 0 : index
    %get3A_8 = vector.load %arg3[%get3A_6, %get3A_7] : memref<1x16xf32, #tpu.memory_space<vmem>>, vector<1x16xf32>
    %add3A = vector.broadcast %get3A_8 : vector<1x16xf32> to vector<10000x16xf32>
    %add3A_9 = arith.addf %dot_general3A_5, %add3A : vector<10000x16xf32>
    %swap3A = arith.constant 0 : index
    %swap3A_10 = arith.constant 0 : index
    %swap3A_11 = vector.load %arg4[%swap3A, %swap3A_10] : memref<10000x16xf32, #tpu.memory_space<vmem>>, vector<10000x16xf32>
    tpu.vector_store %arg4[%swap3A, %swap3A_10], %add3A_9 {strides = array<i32>} : memref<10000x16xf32, #tpu.memory_space<vmem>>, vector<10000x16xf32>,
    return
  }
  func.func @transform_0(%arg0: i32) -> (i32, i32) {
    %c0_i32 = arith.constant 0 : i32
    %c0_i32_0 = arith.constant 0 : i32
    return %arg0, %c0_i32 : i32, i32
  }
  func.func @transform_1(%arg0: i32) -> (i32, i32) {
    %c0_i32 = arith.constant 0 : i32
    %c0_i32_0 = arith.constant 0 : i32
    %c0_i32_1 = arith.constant 0 : i32
    return %c0_i32, %c0_i32_0 : i32, i32
  }
  func.func @transform_2(%arg0: i32) -> (i32, i32) {
    %c0_i32 = arith.constant 0 : i32
    %c0_i32_0 = arith.constant 0 : i32
    %c0_i32_1 = arith.constant 0 : i32
    return %c0_i32, %c0_i32_0 : i32, i32
  }
  func.func @transform_3(%arg0: i32) -> (i32, i32) {
    %c0_i32 = arith.constant 0 : i32
    %c0_i32_0 = arith.constant 0 : i32
    return %arg0, %c0_i32 : i32, i32
  }
}

</mosaic_0001>

<sc_bundles>
// kernel: kernel.4.cloned.1.call-start
scs
__scs_entry_jumppad:
0x0: {  	(pc) =	sbr.rel $0x88, $3  }
0x1: {  	(tag) =	ssettag $0x0;
	lr =	simm.s32 $0x1  }
0x2: {  	[smem:$0x3F9D] =	sst lr;
	_ =	strace $0xD0000000  }
0x3: {  	_ = 	snop  }
0x4: {  	_ = 	snop  }
0x5: {  	_ = 	snop  }
0x6: {  	_ = 	snop  }
0x7: {  	_ = 	snop  }
__scs_overlays_trampoline_lowered:
0x8: {  	[smem:$0x3FAC] =	sst s0  }
0x9: {  	[smem:$0x3FAD] =	sst s1  }
0xa: {  	[smem:$0x3FAE] =	sst s2  }
0xb: {  	[smem:$0x3FAF] =	sst s3  }
0xc: {  	[smem:$0x3FB0] =	sst s4  }
0xd: {  	[smem:$0x3FB1] =	sst s5  }
0xe: {  	[smem:$0x3FB2] =	sst s6  }
0xf: {  	[smem:$0x3FB3] =	sst s7  }
0x10: {  	[smem:$0x3FB4] =	sst s8  }
0x11: {  	[smem:$0x3FB5] =	sst s9;
	s0 =	simm.s32 @!p0 $0x0  }
0x12: {  	s1 =	sld [smem:$0x3F9B];
	s0 =	simm.s32 @p0 $0x1  }
0x13: {  	[smem:$0x3FB6] =	sst s0;
	s0 =	simm.s32 @!p1 $0x0  }
0x14: {  	s2 =	sld [smem:$0x3F9A];
	s0 =	simm.s32 @p1 $0x1  }
0x15: {  	[smem:$0x3FB7] =	sst s0;
	s0 =	simm.s32 @!p2 $0x0  }
0x16: {  	s3 =	sld [smem:$0x3FDB];
	s0 =	simm.s32 @p2 $0x1  }
0x17: {  	s4 =	simm.s32 $0x1BF5;
	[smem:$0x3FB9] =	sst s0  }
0x18: {  	s0 =	sld [smem:$0x3F9C];
	_ =	swait.ge [sflag:s4], $0x0  }
0x19: {  	s7 =	sld [smem:$0x3F9D]  }
0x1a: {  	s8 =	sadd.s32 $0xFFFFE003, lr  }
0x1b: {  	s9 =	sadd.s32 $0xFFFFFEF7, lr;
	s5 =	simm.s32 $0xFFFFFFFF;
	p2 =	slt.u32 s8, $0xFFFFF086  }
0x1c: {  	p1 =	slt.u32 s9, $0xF7A;
	s5 =	simm.s32 @!p2 $0x0  }
0x1d: {  	s5 =	simm.s32 @p1 $0x1;
	p0 =	seq.s32 s7, s2  }
0x1e: {  	s7 =	smul.u32 @!p0 $0xF7A, s2;
	p2 =	seq.s32 @!p0 s5, $0x0  }
0x1f: {  	s9 =	smul.u32 $0xF7A, s1;
	s8 =	simm.s32 @!p0 $0x1BF5;
	p2 =	por !p2, p0  }
0x20: {  	[sflag:s8] =	ssyncset.s32 @!p0 $0xFFFFF086;
	s6 =	sadd.s32 @!p0 s3, s7;
	s7 =	simm.s32 @!p0 $0x108  }
0x21: {  	s3 =	sadd.s32 s3, s9;
	s6 =	sadd.s32 @!p0 $0x88, s6;
	s7 =	simm.s32 @p2 $0x1082  }
0x22: {  	[simem:s7], [sflag:s8] =	dma.local @!p0 [hbm:s6], $0xF7A  }
0x23: {  	s9 =	sor.u32 $0xD0000000, s2;
	s6 =	simm.s32 $0x108;
	_ =	swait.ge @!p0 [sflag:s8], $0x0  }
0x24: {  	s3 =	sadd.s32 $0x88, s3;
	s6 =	simm.s32 @!p1 $0x1082;
	[sflag:s4] =	ssyncset.s32 $0xFFFFF086  }
0x25: {  	[simem:s6], [sflag:s4] =	dma.local [hbm:s3], $0xF7A  }
0x26: {  	[smem:$0x3F9D] =	sst s1;
	(tag) =	ssettag s2;
	_ =	strace s9  }
0x27: {  	s1 =	sld [smem:$0x3FAD]  }
0x28: {  	s2 =	sld [smem:$0x3FAE]  }
0x29: {  	s4 =	sld [smem:$0x3FB0]  }
0x2a: {  	p0 =	seq.s32 s5, $0x0;
	s5 =	sld [smem:$0x3FB1]  }
0x2b: {  	s6 =	sld [smem:$0x3FB2]  }
0x2c: {  	s7 =	sld [smem:$0x3FB3]  }
0x2d: {  	s3 =	simm.s32 $0x108;
	s8 =	sld [smem:$0x3FB4]  }
0x2e: {  	s3 =	simm.s32 @!p0 $0x1082;
	s9 =	sld [smem:$0x3FB5]  }
0x2f: {  	lr =	sadd.s32 s0, s3;
	s0 =	sld [smem:$0x3FAC]  }
0x30: {  	s3 =	sld [smem:$0x3FAF]  }
0x31: {  	[smem:$0x3FB8] =	sst s10  }
0x32: {  	s10 =	sld [smem:$0x3FB6];
	_ =	sdelay $0x3  }
0x33: {  	p0 =	seq.s32 s10, $0x1;
	s10 =	sld [smem:$0x3FB8];
	_ =	sdelay $0x3  }
0x34: {  	[smem:$0x3FB8] =	sst s10  }
0x35: {  	s10 =	sld [smem:$0x3FB7];
	_ =	sdelay $0x3  }
0x36: {  	p1 =	seq.s32 s10, $0x1;
	s10 =	sld [smem:$0x3FB8];
	_ =	sdelay $0x3  }
0x37: {  	[smem:$0x3FB8] =	sst s10  }
0x38: {  	s10 =	sld [smem:$0x3FB9]  }
0x39: {  	_ = 	snop;
	(pc) =	sbr.ind lr, $3  }
0x3a: {  	_ = 	snop  }
0x3b: {  	_ = 	snop  }
0x3c: {  	p2 =	seq.s32 s10, $0x1;
	s10 =	sld [smem:$0x3FB8]  }
0x3d: {  	_ =	shalt  }
0x3e: {  	_ =	shalt  }
0x3f: {  	_ =	shalt  }
0x40: {  	_ =	shalt  }
0x41: {  	_ =	shalt  }
0x42: {  	_ =	shalt  }
0x43: {  	_ =	shalt  }
0x44: {  	_ =	shalt  }
0x45: {  	_ =	shalt  }
0x46: {  	_ =	shalt  }
0x47: {  	_ =	shalt  }
0x48: {  	_ =	shalt  }
0x49: {  	_ =	shalt  }
0x4a: {  	_ =	shalt  }
0x4b: {  	_ =	shalt  }
0x4c: {  	_ =	shalt  }
0x4d: {  	_ =	shalt  }
0x4e: {  	_ =	shalt  }
0x4f: {  	_ =	shalt  }
0x50: {  	_ =	shalt  }
0x51: {  	_ =	shalt  }
0x52: {  	_ =	shalt  }
0x53: {  	_ =	shalt  }
0x54: {  	_ =	shalt  }
0x55: {  	_ =	shalt  }
0x56: {  	_ =	shalt  }
0x57: {  	_ =	shalt  }
0x58: {  	_ =	shalt  }
0x59: {  	_ =	shalt  }
0x5a: {  	_ =	shalt  }
0x5b: {  	_ =	shalt  }
0x5c: {  	_ =	shalt  }
0x5d: {  	_ =	shalt  }
0x5e: {  	_ =	shalt  }
0x5f: {  	_ =	shalt  }
0x60: {  	_ =	shalt  }
0x61: {  	_ =	shalt  }
0x62: {  	_ =	shalt  }
0x63: {  	_ =	shalt  }
0x64: {  	_ =	shalt  }
0x65: {  	_ =	shalt  }
0x66: {  	_ =	shalt  }
0x67: {  	_ =	shalt  }
0x68: {  	_ =	shalt  }
0x69: {  	_ =	shalt  }
0x6a: {  	_ =	shalt  }
0x6b: {  	_ =	shalt  }
0x6c: {  	_ =	shalt  }
0x6d: {  	_ =	shalt  }
0x6e: {  	_ =	shalt  }
0x6f: {  	_ =	shalt  }
0x70: {  	_ =	shalt  }
0x71: {  	_ =	shalt  }
0x72: {  	_ =	shalt  }
0x73: {  	_ =	shalt  }
0x74: {  	_ =	shalt  }
0x75: {  	_ =	shalt  }
0x76: {  	_ =	shalt  }
0x77: {  	_ =	shalt  }
0x78: {  	_ =	shalt  }
0x79: {  	_ =	shalt  }
0x7a: {  	_ =	shalt  }
0x7b: {  	_ =	shalt  }
0x7c: {  	_ =	shalt  }
0x7d: {  	_ =	shalt  }
0x7e: {  	_ =	shalt  }
0x7f: {  	_ =	shalt  }
0x80: {  	_ =	shalt  }
0x81: {  	_ =	shalt  }
0x82: {  	_ =	shalt  }
0x83: {  	_ =	shalt  }
0x84: {  	_ =	shalt  }
0x85: {  	_ =	shalt  }
0x86: {  	_ =	shalt  }
0x87: {  	_ =	shalt  }
.Lfunc_end0:
.L_simem_size_0:
called_computation_lowered:
.L_overlay_start_0:
0x88: {  	s2 =	sld [smem:$0x3FD9]  }
0x89: {  	s3 =	sld [smem:$0x3FFE];
	_ =	sdelay $0x1  }
0x8a: {  	s1 =	srdreg.scid  }
0x8b: {  	s0 =	sand.u32 $0x1, s1  }
0x8c: {  	s17 =	sshll.u32 s0, $0xA;
	s2 =	sadd.s32 s3, s2  }
0x8d: {  	s2 =	sadd.s32 s2, s17  }
0x8e: {  	[smem:$0x3FC4] =	sst s2  }
0x8f: {  	_ = 	snop  }
0x90: {  	s2 =	sld [smem:$0x3FD0];
	(tm) =	ssettm $0x1  }
0x91: {  	s18 =	sld [smem:$0x3FFB];
	_ =	sdelay $0x3  }
0x92: {  	_ =	strace s18  }
0x93: {  	s3 =	sld [smem:$0x3FFC];
	_ =	sdelay $0x3  }
0x94: {  	_ =	strace s3  }
0x95: {  	s3 =	sld [smem:$0x3FFD];
	_ =	sdelay $0x3  }
0x96: {  	_ =	strace s3  }
0x97: {  	_ =	strace $0x8FFFFFFF  }
0x98: {  	s19 =	sld [smem:$0x3FDB];
	_ =	sdelay $0x1  }
0x99: {  	s4 =	simm.s32 $_scs_section_size  }
0x9a: {  	s5 =	simm.s32 $_size__tile_overlayer_lowered;
	s6 =	simm.s32 $_tile_overlayer_lowered  }
0x9b: {  	s22 =	simm.s32 $0x1BFF;
	s21 =	sshll.u32 s6, $0x1;
	s3 =	sadd.s32 s4, s19  }
0x9c: {  	s7 =	simm.s32 $0x0;
	s20 =	sshll.u32 s5, $0x1;
	s5 =	sadd.s32 s21, s3  }
0x9d: {  	[timem:s7], [sflag:s22] =	dma.local [hbm:s5], s20  }
0x9e: {  	_ =	swait.ge [sflag:s22], s20  }
0x9f: {  	s4 =	ssub.s32 $0x0, s20;
	[sflag:s22] =	ssyncset.done $0x0  }
0xa0: {  	[sflag:s22] =	ssyncadd.s32 s4;
	_ =	sdelay $0x1  }
0xa1: {  	s23 =	simm.s32 $0x1B8B  }
0xa2: {  	_ =	swait.ge [sflag:s23], $0x1  }
0xa3: {  	[sflag:s23] =	ssyncset.done $0x0  }
0xa4: {  	s25 =	simm.s32 $0x1B8E;
	s24 =	sld [smem:$0x3FFE];
	[sflag:s23] =	ssyncadd.s32 $0xFFFFFFFF  }
0xa5: {  	s26 =	simm.s32 $execute0_lowered;
	[smem:$0x3FD2] =	sst s25  }
0xa6: {  	s5 =	sshll.u32 s26, $0x1;
	_ =	strace $0x80000046;
	[dreg:$0x1] =	wrdreg $0xFFFFFFFF  }
0xa7: {  	s28 =	simm.s32 $_size_execute0_lowered;
	s3 =	sadd.s32 s3, s5;
	[dreg:$0x0] =	wrdreg $0x0  }
0xa8: {  	s5 =	sshll.u32 s28, $0x1;
	[dreg:$0x2] =	wrdreg s3  }
0xa9: {  	[dreg:$0x3] =	wrdreg s5  }
0xaa: {  	[dreg:$0x4] =	wrdreg $0xC0  }
0xab: {  	_ =	task [dreg:s7], $0x5FFFF  }
0xac: {  	[dreg:$0x1] =	wrdreg $0xFFFFFFFF  }
0xad: {  	[dreg:$0x0] =	wrdreg $0x60  }
0xae: {  	[dreg:$0x2] =	wrdreg s24  }
0xaf: {  	[dreg:$0x3] =	wrdreg s2  }
0xb0: {  	[dreg:$0x4] =	wrdreg $0x9  }
0xb1: {  	_ =	task.clear_ibuf [dreg:s7], $0x5FFFF;
	_ =	strace $0x90000046  }
0xb2: {  	s29 =	simm.s32 $0x9;
	_ =	strace $0x80000048  }
0xb3: {  	_ =	swait.ge [sflag:s29], $0x1  }
0xb4: {  	[sflag:s29] =	ssyncadd.s32 $0xFFFFFFFF  }
0xb5: {  	_ =	strace $0x90000048  }
0xb6: {  	_ =	sfence  }
0xb7: {  	s30 =	sld [smem:$0x0];
	_ =	sdelay $0x2  }
0xb8: {  	s31 =	sshll.u32 s1, $0xD;
	s1 =	sshrl.u32 s1, $0x2  }
0xb9: {  	s3 =	sand.u32 $0x4000, s31;
	s1 =	sadd.s32 s1, s30  }
0xba: {  	s0 =	sor.u32 s3, s0;
	s1 =	sshll.u32 s1, $0x11  }
0xbb: {  	s0 =	sor.u32 s1, s0  }
0xbc: {  	s0 =	sadd.s32 $0x8F2B, s0  }
0xbd: {  	[sflag:s0] =	ssyncadd.remote.s32 $0x1  }
0xbe: {  	_ =	sfence.sel $0xFFFF  }
0xbf: {  	[dreg:$0x0] =	wrdreg $0xFFFFFFFF;
	(pc) =	sbr.abs _section_cstart, $3  }
0xc0: {  	[dreg:$0x1] =	wrdreg $0xFFFFFFFF  }
0xc1: {  	_ =	task.clear_ibuf [dreg:s7], $0x2FFFF;
	_ =	strace $0x9FFFFFFF  }
0xc2: {  	(tm) =	ssettm $0x7FFFFFFF  }
0xc3: {  	_ =	shalt  }
tec
execute0_lowered:
.L_overlay_start_1:
0x0: {  	(tag) =	ssettag $0x1  }
0x1: {  	s0 =	rddreg [dreg:$0x0]  }
0x2: {  	s1 =	rddreg [dreg:$0x1];
	s2 =	simm.s32 $0x0;
	s3 =	srdreg.scid  }
0x3: {  	s5 =	stileid.u32;
	s10 =	simm.s32 $0x3;
	s11 =	simm.s32 $0x80  }
0x4: {  	s12 =	simm.s32 $0x1A00;
	s13 =	simm.s32 $0x49;
	s28 =	simm.s32 $0x1930  }
0x5: {  	s29 =	simm.s32 $0x1AD00;
	s30 =	simm.s32 $0x19B0;
	s31 =	simm.s32 $0x1B500  }
0x6: {  	s14 =	simm.s32 $0x0;
	[smem:$0x7FF] =	sst s2;
	s4 =	sand.u32 $0x1, s3  }
0x7: {  	s5 =	sshll.u32 s5, $0x1;
	s3 =	sadd.s32 $0x32600, s0;
	_ =	strace $0x80000047  }
0x8: {  	v0 =	vimm.s32 $0x3210FEDC;
	v1 =	vimm.s32 $0xBA987654;
	s6 =	ssub.s32 $0x2, s4;
	s7 =	sor.u32 s4, s5;
	s4 =	sadd.s32 $0x1800, s0  }
0x9: {  	v2 =	vimm.s32 $0xFEDCBA98;
	v0 =	vunpack.c.l.s4.s8 v0;
	v1 =	vunpack.c.l.s4.s8 v1;
	s23 =	sshrl.u32 s6, $0x1;
	s8 =	smul.u32 $0x3400, s7;
	s5 =	sshll.u32 s7, $0x9  }
0xa: {  	v3 =	vimm.s32 $0x76543210;
	v4 =	vlaneseq.u32;
	v2 =	vunpack.c.l.s4.s8 v2;
	s24 =	sshll.u32 s7, $0x8;
	s7 =	simm.s32 $0x1;
	s0 =	ssub.s32 s6, s23  }
0xb: {  	v3 =	vunpack.c.l.s4.s8 v3;
	v0 =	vunpack.c.0.s8.s32 v0;
	v1 =	vunpack.c.0.s8.s32 v1;
	s26 =	sor.u32 $0x20, s5;
	s1 =	sadd.s32 s1, s24;
	s24 =	simm.s32 $0x1A000  }
0xc: {  	vm0 =	vcmask $0x2F20;
	vm1 =	vcmask $0x1F10;
	v2 =	vunpack.c.0.s8.s32 v2;
	s6 =	simm.s32 $0x1C200;
	s25 =	sadd.s32 s3, s8;
	[dreg:$0x4] =	wrdreg s26  }
0xd: {  	vm2 =	vmmov $0xf;
	v3 =	vunpack.c.0.s8.s32 v3;
	[dreg:$0x5] =	wrdreg s1;
	s0 =	smax.u32 s0, $0x1;
	s1 =	simm.s32 $0xEA00;
	v5 =	vcombine.low v1, v0  }
0xe: {  	v0 =	vshrl.u32 v4, $0x2;
	s26 =	simm.s32 $0x1A800;
	v2 =	vand.u32 $0xF, v2;
	v1 =	vand.u32 $0x3, v4;
	s8 =	simm.s32 $0x2;
	[dreg:$0x3] =	wrdreg s25  }
0xf: {  	[dreg:$0x6] =	wrdreg s0;
	s0 =	simm.s32 $0xD00;
	s25 =	simm.s32 $0x18E0;
	v0 =	vmul.u32 $0x10, v0;
	v2 =	vcombine.low v2, v3;
	v3 =	vand.u32 $0xF, v5  }
.LBB2_1:
0x10: {  	[dreg:$0x7] =	wrdreg s14  }
0x11: {  	s9 =	rddreg [dreg:$0x3]  }
0x12: {  	[tilespmem:s2], [sflag:$0x3] =	stream.linear.gather [hbm4b:s9+s2], $0xD00, $0x38;
	[tilespmem:$0x1C210] =	vst v63  }
0x13: {  	_ =	swait.ge [sflag:s10], $0xD00  }
0x14: {  	[sflag:s10] =	ssyncset.done $0x0  }
0x15: {  	[sflag:s10] =	ssyncadd.s32 $0xFFFFF300  }
0x16: {  	[tilespmem:s12], [sflag:$0x1] =	stream.indirect.gather [hbm4b:s4+s11], $0x10, s2, s11, $0xb8;
	[tilespmem:$0x1C210] =	vst v63  }
0x17: {  	s23 =	simm.s32 $0x2200  }
0x18: {  	[tilespmem:s23], [sflag:$0x1] =	stream.indirect.gather [hbm4b:s4+s13], $0x10, s11, s13, $0xb8;
	[tilespmem:$0x1C210] =	vst v63  }
0x19: {  	s14 =	simm.s32 $0xD0;
	s15 =	simm.s32 $0x2700  }
0x1a: {  	[tilespmem:s15], [sflag:$0x1] =	stream.indirect.gather [hbm4b:s4+s11], $0x10, s14, s11, $0xb8;
	[tilespmem:$0x1C210] =	vst v63  }
0x1b: {  	s16 =	simm.s32 $0x150;
	s17 =	simm.s32 $0x2F00  }
0x1c: {  	[tilespmem:s17], [sflag:$0x1] =	stream.indirect.gather [hbm4b:s4+s13], $0x10, s16, s13, $0xb8;
	[tilespmem:$0x1C210] =	vst v63  }
0x1d: {  	s18 =	simm.s32 $0x1A0;
	s19 =	simm.s32 $0x3400  }
0x1e: {  	[tilespmem:s19], [sflag:$0x1] =	stream.indirect.gather [hbm4b:s4+s11], $0x10, s18, s11, $0xb8;
	[tilespmem:$0x1C210] =	vst v63  }
0x1f: {  	s20 =	simm.s32 $0x220;
	s21 =	simm.s32 $0x3C00  }
0x20: {  	[tilespmem:s21], [sflag:$0x1] =	stream.indirect.gather [hbm4b:s4+s13], $0x10, s20, s13, $0xb8;
	[tilespmem:$0x1C210] =	vst v63  }
0x21: {  	s22 =	simm.s32 $0x270;
	s23 =	simm.s32 $0x4100  }
0x22: {  	[tilespmem:s23], [sflag:$0x1] =	stream.indirect.gather [hbm4b:s4+s11], $0x10, s22, s11, $0xb8;
	[tilespmem:$0x1C210] =	vst v63  }
0x23: {  	s14 =	simm.s32 $0x2F0;
	s15 =	simm.s32 $0x4900  }
0x24: {  	[tilespmem:s15], [sflag:$0x1] =	stream.indirect.gather [hbm4b:s4+s13], $0x10, s14, s13, $0xb8;
	[tilespmem:$0x1C210] =	vst v63  }
0x25: {  	s16 =	simm.s32 $0x340;
	s17 =	simm.s32 $0x4E00  }
0x26: {  	[tilespmem:s17], [sflag:$0x1] =	stream.indirect.gather [hbm4b:s4+s11], $0x10, s16, s11, $0xb8;
	[tilespmem:$0x1C210] =	vst v63  }
0x27: {  	s18 =	simm.s32 $0x3C0;
	s19 =	simm.s32 $0x5600  }
0x28: {  	[tilespmem:s19], [sflag:$0x1] =	stream.indirect.gather [hbm4b:s4+s13], $0x10, s18, s13, $0xb8;
	[tilespmem:$0x1C210] =	vst v63  }
0x29: {  	s20 =	simm.s32 $0x410;
	s21 =	simm.s32 $0x5B00  }
0x2a: {  	[tilespmem:s21], [sflag:$0x1] =	stream.indirect.gather [hbm4b:s4+s11], $0x10, s20, s11, $0xb8;
	[tilespmem:$0x1C210] =	vst v63  }
0x2b: {  	s22 =	simm.s32 $0x490;
	s23 =	simm.s32 $0x6300  }
0x2c: {  	[tilespmem:s23], [sflag:$0x1] =	stream.indirect.gather [hbm4b:s4+s13], $0x10, s22, s13, $0xb8;
	[tilespmem:$0x1C210] =	vst v63  }
0x2d: {  	s14 =	simm.s32 $0x4E0;
	s15 =	simm.s32 $0x6800  }
0x2e: {  	[tilespmem:s15], [sflag:$0x1] =	stream.indirect.gather [hbm4b:s4+s11], $0x10, s14, s11, $0xb8;
	[tilespmem:$0x1C210] =	vst v63  }
0x2f: {  	s16 =	simm.s32 $0x560;
	s17 =	simm.s32 $0x7000  }
0x30: {  	[tilespmem:s17], [sflag:$0x1] =	stream.indirect.gather [hbm4b:s4+s13], $0x10, s16, s13, $0xb8;
	[tilespmem:$0x1C210] =	vst v63  }
0x31: {  	s18 =	simm.s32 $0x5B0;
	s19 =	simm.s32 $0x7500  }
0x32: {  	[tilespmem:s19], [sflag:$0x1] =	stream.indirect.gather [hbm4b:s4+s11], $0x10, s18, s11, $0xb8;
	[tilespmem:$0x1C210] =	vst v63  }
0x33: {  	s20 =	simm.s32 $0x630;
	s21 =	simm.s32 $0x7D00  }
0x34: {  	[tilespmem:s21], [sflag:$0x1] =	stream.indirect.gather [hbm4b:s4+s13], $0x10, s20, s13, $0xb8;
	[tilespmem:$0x1C210] =	vst v63  }
0x35: {  	s22 =	simm.s32 $0x680;
	s23 =	simm.s32 $0x8200  }
0x36: {  	[tilespmem:s23], [sflag:$0x1] =	stream.indirect.gather [hbm4b:s4+s11], $0x10, s22, s11, $0xb8;
	[tilespmem:$0x1C210] =	vst v63  }
0x37: {  	s14 =	simm.s32 $0x700;
	s15 =	simm.s32 $0x8A00  }
0x38: {  	[tilespmem:s15], [sflag:$0x1] =	stream.indirect.gather [hbm4b:s4+s13], $0x10, s14, s13, $0xb8;
	[tilespmem:$0x1C210] =	vst v63  }
0x39: {  	s16 =	simm.s32 $0x750;
	s17 =	simm.s32 $0x8F00  }
0x3a: {  	[tilespmem:s17], [sflag:$0x1] =	stream.indirect.gather [hbm4b:s4+s11], $0x10, s16, s11, $0xb8;
	[tilespmem:$0x1C210] =	vst v63  }
0x3b: {  	s18 =	simm.s32 $0x7D0;
	s19 =	simm.s32 $0x9700  }
0x3c: {  	[tilespmem:s19], [sflag:$0x1] =	stream.indirect.gather [hbm4b:s4+s13], $0x10, s18, s13, $0xb8;
	[tilespmem:$0x1C210] =	vst v63  }
0x3d: {  	s20 =	simm.s32 $0x820;
	s21 =	simm.s32 $0x9C00  }
0x3e: {  	[tilespmem:s21], [sflag:$0x1] =	stream.indirect.gather [hbm4b:s4+s11], $0x10, s20, s11, $0xb8;
	[tilespmem:$0x1C210] =	vst v63  }
0x3f: {  	s22 =	simm.s32 $0x8A0;
	s23 =	simm.s32 $0xA400  }
0x40: {  	[tilespmem:s23], [sflag:$0x1] =	stream.indirect.gather [hbm4b:s4+s13], $0x10, s22, s13, $0xb8;
	[tilespmem:$0x1C210] =	vst v63  }
0x41: {  	s14 =	simm.s32 $0x8F0;
	s15 =	simm.s32 $0xA900  }
0x42: {  	[tilespmem:s15], [sflag:$0x1] =	stream.indirect.gather [hbm4b:s4+s11], $0x10, s14, s11, $0xb8;
	[tilespmem:$0x1C210] =	vst v63  }
0x43: {  	s16 =	simm.s32 $0x970;
	s17 =	simm.s32 $0xB100  }
0x44: {  	[tilespmem:s17], [sflag:$0x1] =	stream.indirect.gather [hbm4b:s4+s13], $0x10, s16, s13, $0xb8;
	[tilespmem:$0x1C210] =	vst v63  }
0x45: {  	s18 =	simm.s32 $0x9C0;
	s19 =	simm.s32 $0xB600  }
0x46: {  	[tilespmem:s19], [sflag:$0x1] =	stream.indirect.gather [hbm4b:s4+s11], $0x10, s18, s11, $0xb8;
	[tilespmem:$0x1C210] =	vst v63  }
0x47: {  	s20 =	simm.s32 $0xA40;
	s21 =	simm.s32 $0xBE00  }
0x48: {  	[tilespmem:s21], [sflag:$0x1] =	stream.indirect.gather [hbm4b:s4+s13], $0x10, s20, s13, $0xb8;
	[tilespmem:$0x1C210] =	vst v63  }
0x49: {  	s22 =	simm.s32 $0xA90;
	s23 =	simm.s32 $0xC300  }
0x4a: {  	[tilespmem:s23], [sflag:$0x1] =	stream.indirect.gather [hbm4b:s4+s11], $0x10, s22, s11, $0xb8;
	[tilespmem:$0x1C210] =	vst v63  }
0x4b: {  	s14 =	simm.s32 $0xB10;
	s15 =	simm.s32 $0xCB00  }
0x4c: {  	[tilespmem:s15], [sflag:$0x1] =	stream.indirect.gather [hbm4b:s4+s13], $0x10, s14, s13, $0xb8;
	[tilespmem:$0x1C210] =	vst v63  }
0x4d: {  	s16 =	simm.s32 $0xB60;
	s17 =	simm.s32 $0xD000  }
0x4e: {  	[tilespmem:s17], [sflag:$0x1] =	stream.indirect.gather [hbm4b:s4+s11], $0x10, s16, s11, $0xb8;
	[tilespmem:$0x1C210] =	vst v63  }
0x4f: {  	s18 =	simm.s32 $0xBE0;
	s19 =	simm.s32 $0xD800  }
0x50: {  	[tilespmem:s19], [sflag:$0x1] =	stream.indirect.gather [hbm4b:s4+s13], $0x10, s18, s13, $0xb8;
	[tilespmem:$0x1C210] =	vst v63  }
0x51: {  	s20 =	simm.s32 $0xC30;
	s21 =	simm.s32 $0xDD00  }
0x52: {  	[tilespmem:s21], [sflag:$0x1] =	stream.indirect.gather [hbm4b:s4+s11], $0x10, s20, s11, $0xb8;
	[tilespmem:$0x1C210] =	vst v63  }
0x53: {  	s9 =	simm.s32 $0x0;
	s22 =	simm.s32 $0xCB0;
	s23 =	simm.s32 $0xE500  }
0x54: {  	[tilespmem:s23], [sflag:$0x1] =	stream.indirect.gather [hbm4b:s4+s13], $0x10, s22, s13, $0xb8;
	[tilespmem:$0x1C210] =	vst v63  }
.LBB2_2:
0x55: {  	s14 =	sshllo.u32 s9, $0x1  }
0x56: {  	s15 =	sshll.u32 s14, $0x4  }
0x57: {  	s15 =	sadd.s32 s5, s15  }
0x58: {  	s15 =	smul.u32 $0x1A, s15;
	_ =	sdelay $0x1  }
0x59: {  	s16 =	sadd.s32 s3, s15;
	s15 =	simm.s32 $0x0  }
0x5a: {  	[tilespmem:s0], [sflag:$0x3] =	stream.linear.gather [hbm4b:s16+s15], $0xD00, $0x38;
	[tilespmem:$0x1C210] =	vst v63  }
0x5b: {  	_ =	swait.ge [sflag:s10], $0xD00  }
0x5c: {  	[sflag:s10] =	ssyncset.done $0x0  }
0x5d: {  	[sflag:s10] =	ssyncadd.s32 $0xFFFFF300  }
0x5e: {  	[tilespmem:s1], [sflag:$0x2] =	stream.indirect.gather [hbm4b:s4+s11], $0x10, s0, s11, $0xb8;
	[tilespmem:$0x1C210] =	vst v63  }
0x5f: {  	s23 =	simm.s32 $0xD80;
	s17 =	simm.s32 $0xF200  }
0x60: {  	[tilespmem:s17], [sflag:$0x2] =	stream.indirect.gather [hbm4b:s4+s13], $0x10, s23, s13, $0xb8;
	[tilespmem:$0x1C210] =	vst v63  }
0x61: {  	s18 =	simm.s32 $0xDD0;
	s19 =	simm.s32 $0xF700  }
0x62: {  	[tilespmem:s19], [sflag:$0x2] =	stream.indirect.gather [hbm4b:s4+s11], $0x10, s18, s11, $0xb8;
	[tilespmem:$0x1C210] =	vst v63  }
0x63: {  	s20 =	simm.s32 $0xE50;
	s21 =	simm.s32 $0xFF00  }
0x64: {  	[tilespmem:s21], [sflag:$0x2] =	stream.indirect.gather [hbm4b:s4+s13], $0x10, s20, s13, $0xb8;
	[tilespmem:$0x1C210] =	vst v63  }
0x65: {  	s22 =	simm.s32 $0xEA0;
	s23 =	simm.s32 $0x10400  }
0x66: {  	[tilespmem:s23], [sflag:$0x2] =	stream.indirect.gather [hbm4b:s4+s11], $0x10, s22, s11, $0xb8;
	[tilespmem:$0x1C210] =	vst v63  }
0x67: {  	s18 =	simm.s32 $0xF20;
	s19 =	simm.s32 $0x10C00  }
0x68: {  	[tilespmem:s19], [sflag:$0x2] =	stream.indirect.gather [hbm4b:s4+s13], $0x10, s18, s13, $0xb8;
	[tilespmem:$0x1C210] =	vst v63  }
0x69: {  	s20 =	simm.s32 $0xF70;
	s21 =	simm.s32 $0x11100  }
0x6a: {  	[tilespmem:s21], [sflag:$0x2] =	stream.indirect.gather [hbm4b:s4+s11], $0x10, s20, s11, $0xb8;
	[tilespmem:$0x1C210] =	vst v63  }
0x6b: {  	s22 =	simm.s32 $0xFF0;
	s23 =	simm.s32 $0x11900  }
0x6c: {  	[tilespmem:s23], [sflag:$0x2] =	stream.indirect.gather [hbm4b:s4+s13], $0x10, s22, s13, $0xb8;
	[tilespmem:$0x1C210] =	vst v63  }
0x6d: {  	s18 =	simm.s32 $0x1040;
	s19 =	simm.s32 $0x11E00  }
0x6e: {  	[tilespmem:s19], [sflag:$0x2] =	stream.indirect.gather [hbm4b:s4+s11], $0x10, s18, s11, $0xb8;
	[tilespmem:$0x1C210] =	vst v63  }
0x6f: {  	s20 =	simm.s32 $0x10C0;
	s21 =	simm.s32 $0x12600  }
0x70: {  	[tilespmem:s21], [sflag:$0x2] =	stream.indirect.gather [hbm4b:s4+s13], $0x10, s20, s13, $0xb8;
	[tilespmem:$0x1C210] =	vst v63  }
0x71: {  	s22 =	simm.s32 $0x1110;
	s23 =	simm.s32 $0x12B00  }
0x72: {  	[tilespmem:s23], [sflag:$0x2] =	stream.indirect.gather [hbm4b:s4+s11], $0x10, s22, s11, $0xb8;
	[tilespmem:$0x1C210] =	vst v63  }
0x73: {  	s18 =	simm.s32 $0x1190;
	s19 =	simm.s32 $0x13300  }
0x74: {  	[tilespmem:s19], [sflag:$0x2] =	stream.indirect.gather [hbm4b:s4+s13], $0x10, s18, s13, $0xb8;
	[tilespmem:$0x1C210] =	vst v63  }
0x75: {  	s20 =	simm.s32 $0x11E0;
	s21 =	simm.s32 $0x13800  }
0x76: {  	[tilespmem:s21], [sflag:$0x2] =	stream.indirect.gather [hbm4b:s4+s11], $0x10, s20, s11, $0xb8;
	[tilespmem:$0x1C210] =	vst v63  }
0x77: {  	s22 =	simm.s32 $0x1260;
	s23 =	simm.s32 $0x14000  }
0x78: {  	[tilespmem:s23], [sflag:$0x2] =	stream.indirect.gather [hbm4b:s4+s13], $0x10, s22, s13, $0xb8;
	[tilespmem:$0x1C210] =	vst v63  }
0x79: {  	s18 =	simm.s32 $0x12B0;
	s19 =	simm.s32 $0x14500  }
0x7a: {  	[tilespmem:s19], [sflag:$0x2] =	stream.indirect.gather [hbm4b:s4+s11], $0x10, s18, s11, $0xb8;
	[tilespmem:$0x1C210] =	vst v63  }
0x7b: {  	s20 =	simm.s32 $0x1330;
	s21 =	simm.s32 $0x14D00  }
0x7c: {  	[tilespmem:s21], [sflag:$0x2] =	stream.indirect.gather [hbm4b:s4+s13], $0x10, s20, s13, $0xb8;
	[tilespmem:$0x1C210] =	vst v63  }
0x7d: {  	s22 =	simm.s32 $0x1380;
	s23 =	simm.s32 $0x15200  }
0x7e: {  	[tilespmem:s23], [sflag:$0x2] =	stream.indirect.gather [hbm4b:s4+s11], $0x10, s22, s11, $0xb8;
	[tilespmem:$0x1C210] =	vst v63  }
0x7f: {  	s18 =	simm.s32 $0x1400;
	s19 =	simm.s32 $0x15A00  }
0x80: {  	[tilespmem:s19], [sflag:$0x2] =	stream.indirect.gather [hbm4b:s4+s13], $0x10, s18, s13, $0xb8;
	[tilespmem:$0x1C210] =	vst v63  }
0x81: {  	s20 =	simm.s32 $0x1450;
	s21 =	simm.s32 $0x15F00  }
0x82: {  	[tilespmem:s21], [sflag:$0x2] =	stream.indirect.gather [hbm4b:s4+s11], $0x10, s20, s11, $0xb8;
	[tilespmem:$0x1C210] =	vst v63  }
0x83: {  	s22 =	simm.s32 $0x14D0;
	s23 =	simm.s32 $0x16700  }
0x84: {  	[tilespmem:s23], [sflag:$0x2] =	stream.indirect.gather [hbm4b:s4+s13], $0x10, s22, s13, $0xb8;
	[tilespmem:$0x1C210] =	vst v63  }
0x85: {  	s18 =	simm.s32 $0x1520;
	s19 =	simm.s32 $0x16C00  }
0x86: {  	[tilespmem:s19], [sflag:$0x2] =	stream.indirect.gather [hbm4b:s4+s11], $0x10, s18, s11, $0xb8;
	[tilespmem:$0x1C210] =	vst v63  }
0x87: {  	s20 =	simm.s32 $0x15A0;
	s21 =	simm.s32 $0x17400  }
0x88: {  	[tilespmem:s21], [sflag:$0x2] =	stream.indirect.gather [hbm4b:s4+s13], $0x10, s20, s13, $0xb8;
	[tilespmem:$0x1C210] =	vst v63  }
0x89: {  	s22 =	simm.s32 $0x15F0;
	s23 =	simm.s32 $0x17900  }
0x8a: {  	[tilespmem:s23], [sflag:$0x2] =	stream.indirect.gather [hbm4b:s4+s11], $0x10, s22, s11, $0xb8;
	[tilespmem:$0x1C210] =	vst v63  }
0x8b: {  	s18 =	simm.s32 $0x1670;
	s19 =	simm.s32 $0x18100  }
0x8c: {  	[tilespmem:s19], [sflag:$0x2] =	stream.indirect.gather [hbm4b:s4+s13], $0x10, s18, s13, $0xb8;
	[tilespmem:$0x1C210] =	vst v63  }
0x8d: {  	s20 =	simm.s32 $0x16C0;
	s21 =	simm.s32 $0x18600  }
0x8e: {  	[tilespmem:s21], [sflag:$0x2] =	stream.indirect.gather [hbm4b:s4+s11], $0x10, s20, s11, $0xb8;
	[tilespmem:$0x1C210] =	vst v63  }
0x8f: {  	s22 =	simm.s32 $0x1740;
	s23 =	simm.s32 $0x18E00  }
0x90: {  	[tilespmem:s23], [sflag:$0x2] =	stream.indirect.gather [hbm4b:s4+s13], $0x10, s22, s13, $0xb8;
	[tilespmem:$0x1C210] =	vst v63  }
0x91: {  	s18 =	simm.s32 $0x1790;
	s19 =	simm.s32 $0x19300  }
0x92: {  	[tilespmem:s19], [sflag:$0x2] =	stream.indirect.gather [hbm4b:s4+s11], $0x10, s18, s11, $0xb8;
	[tilespmem:$0x1C210] =	vst v63  }
0x93: {  	s20 =	simm.s32 $0x1810;
	s21 =	simm.s32 $0x19B00  }
0x94: {  	[tilespmem:s21], [sflag:$0x2] =	stream.indirect.gather [hbm4b:s4+s13], $0x10, s20, s13, $0xb8;
	[tilespmem:$0x1C210] =	vst v63  }
0x95: {  	s22 =	simm.s32 $0x1860  }
0x96: {  	[tilespmem:s24], [sflag:$0x2] =	stream.indirect.gather [hbm4b:s4+s11], $0x10, s22, s11, $0xb8;
	[tilespmem:$0x1C210] =	vst v63  }
0x97: {  	_ = 	snop  }
0x98: {  	[tilespmem:s26], [sflag:$0x2] =	stream.indirect.gather [hbm4b:s4+s13], $0x10, s25, s13, $0xb8;
	[tilespmem:$0x1C210] =	vst v63  }
0x99: {  	_ = 	snop  }
0x9a: {  	[tilespmem:s29], [sflag:$0x2] =	stream.indirect.gather [hbm4b:s4+s11], $0x10, s28, s11, $0xb8;
	[tilespmem:$0x1C210] =	vst v63  }
0x9b: {  	_ = 	snop  }
0x9c: {  	[tilespmem:s31], [sflag:$0x2] =	stream.indirect.gather [hbm4b:s4+s13], $0x10, s30, s13, $0xb8;
	[tilespmem:$0x1C210] =	vst v63  }
0x9d: {  	_ =	swait.ge [sflag:s7], $0x800  }
0x9e: {  	[sflag:s7] =	ssyncset.done $0x0  }
0x9f: {  	[sflag:s7] =	ssyncadd.s32 $0xFFFFF800  }
0xa0: {  	_ =	swait.ge [sflag:s7], $0x490  }
0xa1: {  	[sflag:s7] =	ssyncset.done $0x0  }
0xa2: {  	[sflag:s7] =	ssyncadd.s32 $0xFFFFFB70  }
0xa3: {  	_ =	swait.ge [sflag:s7], $0x800  }
0xa4: {  	[sflag:s7] =	ssyncset.done $0x0  }
0xa5: {  	[sflag:s7] =	ssyncadd.s32 $0xFFFFF800  }
0xa6: {  	_ =	swait.ge [sflag:s7], $0x490  }
0xa7: {  	[sflag:s7] =	ssyncset.done $0x0  }
0xa8: {  	[sflag:s7] =	ssyncadd.s32 $0xFFFFFB70  }
0xa9: {  	_ =	swait.ge [sflag:s7], $0x800  }
0xaa: {  	[sflag:s7] =	ssyncset.done $0x0  }
0xab: {  	[sflag:s7] =	ssyncadd.s32 $0xFFFFF800  }
0xac: {  	_ =	swait.ge [sflag:s7], $0x490  }
0xad: {  	[sflag:s7] =	ssyncset.done $0x0  }
0xae: {  	[sflag:s7] =	ssyncadd.s32 $0xFFFFFB70  }
0xaf: {  	_ =	swait.ge [sflag:s7], $0x800  }
0xb0: {  	[sflag:s7] =	ssyncset.done $0x0  }
0xb1: {  	[sflag:s7] =	ssyncadd.s32 $0xFFFFF800  }
0xb2: {  	_ =	swait.ge [sflag:s7], $0x490  }
0xb3: {  	[sflag:s7] =	ssyncset.done $0x0  }
0xb4: {  	[sflag:s7] =	ssyncadd.s32 $0xFFFFFB70  }
0xb5: {  	_ =	swait.ge [sflag:s7], $0x800  }
0xb6: {  	[sflag:s7] =	ssyncset.done $0x0  }
0xb7: {  	[sflag:s7] =	ssyncadd.s32 $0xFFFFF800  }
0xb8: {  	_ =	swait.ge [sflag:s7], $0x490  }
0xb9: {  	[sflag:s7] =	ssyncset.done $0x0  }
0xba: {  	[sflag:s7] =	ssyncadd.s32 $0xFFFFFB70  }
0xbb: {  	_ =	swait.ge [sflag:s7], $0x800  }
0xbc: {  	[sflag:s7] =	ssyncset.done $0x0  }
0xbd: {  	[sflag:s7] =	ssyncadd.s32 $0xFFFFF800  }
0xbe: {  	_ =	swait.ge [sflag:s7], $0x490  }
0xbf: {  	[sflag:s7] =	ssyncset.done $0x0  }
0xc0: {  	[sflag:s7] =	ssyncadd.s32 $0xFFFFFB70  }
0xc1: {  	_ =	swait.ge [sflag:s7], $0x800  }
0xc2: {  	[sflag:s7] =	ssyncset.done $0x0  }
0xc3: {  	[sflag:s7] =	ssyncadd.s32 $0xFFFFF800  }
0xc4: {  	_ =	swait.ge [sflag:s7], $0x490  }
0xc5: {  	[sflag:s7] =	ssyncset.done $0x0  }
0xc6: {  	[sflag:s7] =	ssyncadd.s32 $0xFFFFFB70  }
0xc7: {  	_ =	swait.ge [sflag:s7], $0x800  }
0xc8: {  	[sflag:s7] =	ssyncset.done $0x0  }
0xc9: {  	[sflag:s7] =	ssyncadd.s32 $0xFFFFF800  }
0xca: {  	_ =	swait.ge [sflag:s7], $0x490  }
0xcb: {  	[sflag:s7] =	ssyncset.done $0x0  }
0xcc: {  	[sflag:s7] =	ssyncadd.s32 $0xFFFFFB70  }
0xcd: {  	_ =	swait.ge [sflag:s7], $0x800  }
0xce: {  	[sflag:s7] =	ssyncset.done $0x0  }
0xcf: {  	[sflag:s7] =	ssyncadd.s32 $0xFFFFF800  }
0xd0: {  	_ =	swait.ge [sflag:s7], $0x490  }
0xd1: {  	[sflag:s7] =	ssyncset.done $0x0  }
0xd2: {  	[sflag:s7] =	ssyncadd.s32 $0xFFFFFB70  }
0xd3: {  	_ =	swait.ge [sflag:s7], $0x800  }
0xd4: {  	[sflag:s7] =	ssyncset.done $0x0  }
0xd5: {  	[sflag:s7] =	ssyncadd.s32 $0xFFFFF800  }
0xd6: {  	_ =	swait.ge [sflag:s7], $0x490  }
0xd7: {  	[sflag:s7] =	ssyncset.done $0x0  }
0xd8: {  	[sflag:s7] =	ssyncadd.s32 $0xFFFFFB70  }
0xd9: {  	_ =	swait.ge [sflag:s7], $0x800  }
0xda: {  	[sflag:s7] =	ssyncset.done $0x0  }
0xdb: {  	[sflag:s7] =	ssyncadd.s32 $0xFFFFF800  }
0xdc: {  	_ =	swait.ge [sflag:s7], $0x490  }
0xdd: {  	[sflag:s7] =	ssyncset.done $0x0  }
0xde: {  	[sflag:s7] =	ssyncadd.s32 $0xFFFFFB70  }
0xdf: {  	_ =	swait.ge [sflag:s7], $0x800  }
0xe0: {  	[sflag:s7] =	ssyncset.done $0x0  }
0xe1: {  	[sflag:s7] =	ssyncadd.s32 $0xFFFFF800  }
0xe2: {  	_ =	swait.ge [sflag:s7], $0x490  }
0xe3: {  	[sflag:s7] =	ssyncset.done $0x0  }
0xe4: {  	[sflag:s7] =	ssyncadd.s32 $0xFFFFFB70  }
0xe5: {  	_ =	swait.ge [sflag:s7], $0x800  }
0xe6: {  	[sflag:s7] =	ssyncset.done $0x0  }
0xe7: {  	[sflag:s7] =	ssyncadd.s32 $0xFFFFF800  }
0xe8: {  	_ =	swait.ge [sflag:s7], $0x490  }
0xe9: {  	[sflag:s7] =	ssyncset.done $0x0  }
0xea: {  	[sflag:s7] =	ssyncadd.s32 $0xFFFFFB70  }
0xeb: {  	_ =	swait.ge [sflag:s7], $0x800  }
0xec: {  	[sflag:s7] =	ssyncset.done $0x0  }
0xed: {  	[sflag:s7] =	ssyncadd.s32 $0xFFFFF800  }
0xee: {  	_ =	swait.ge [sflag:s7], $0x490  }
0xef: {  	[sflag:s7] =	ssyncset.done $0x0  }
0xf0: {  	[sflag:s7] =	ssyncadd.s32 $0xFFFFFB70  }
0xf1: {  	_ =	swait.ge [sflag:s7], $0x800  }
0xf2: {  	[sflag:s7] =	ssyncset.done $0x0  }
0xf3: {  	[sflag:s7] =	ssyncadd.s32 $0xFFFFF800  }
0xf4: {  	_ =	swait.ge [sflag:s7], $0x490  }
0xf5: {  	[sflag:s7] =	ssyncset.done $0x0  }
0xf6: {  	[sflag:s7] =	ssyncadd.s32 $0xFFFFFB70  }
0xf7: {  	_ =	swait.ge [sflag:s7], $0x800  }
0xf8: {  	[sflag:s7] =	ssyncset.done $0x0  }
0xf9: {  	s23 =	sshll.u32 s9, $0x7;
	[sflag:s7] =	ssyncadd.s32 $0xFFFFF800  }
0xfa: {  	s16 =	sand.u32 $0x3FFFFF80, s23;
	_ =	swait.ge [sflag:s7], $0x490  }
0xfb: {  	s16 =	sadd.s32 $0x1BA00, s16;
	[sflag:s7] =	ssyncset.done $0x0  }
0xfc: {  	v4 =	vmov s16;
	s16 =	simm.s32 $0x0;
	[sflag:s7] =	ssyncadd.s32 $0xFFFFFB70  }
.LBB2_3:
0xfd: {  	s17 =	sadd.s32 $0x0, s15  }
0xfe: {  	s18 =	sadd.s32 $0x21, s17  }
0xff: {  	s20 =	sadd.s32 $0x11, s17;
	s21 =	sadd.s32 $0x19, s17;
	s23 =	sadd.s32 $0x9, s17;
	v5 =	vmov s18  }
0x100: {  	s22 =	sadd.s32 $0xD, s17;
	s18 =	sadd.s32 $0x1D, s17;
	v7 =	vmov s20;
	v8 =	vmov s21;
	s21 =	sadd.s32 $0x1, s17;
	v10 =	vmov s23  }
0x101: {  	s19 =	sadd.s32 $0x25, s17;
	s23 =	sadd.s32 $0x5, s17;
	s17 =	sadd.s32 $0x15, s17;
	v12 =	vmov s22;
	v9 =	vmov s18;
	v11 =	vmov s21  }
0x102: {  	v13 =	vmov s23;
	v14 =	vmov s17;
	v10 =	vshll.u32 v10, $0x4  }
0x103: {  	v12 =	vshll.u32 v12, $0x4;
	v11 =	vshll.u32 v11, $0x4;
	v10 =	vadd.s32 v0, v10  }
0x104: {  	v13 =	vshll.u32 v13, $0x4;
	v11 =	vadd.s32 v0, v11;
	v10 =	vor.u32 v1, v10  }
0x105: {  	v7 =	vshll.u32 v7, $0x4;
	v13 =	vadd.s32 v0, v13;
	v11 =	vor.u32 v1, v11  }
0x106: {  	v8 =	vshll.u32 v8, $0x4;
	v12 =	vadd.s32 v0, v12;
	v13 =	vor.u32 v1, v13  }
0x107: {  	v14 =	vshll.u32 v14, $0x4;
	v7 =	vadd.s32 v0, v7;
	v12 =	vor.u32 v1, v12  }
0x108: {  	v9 =	vshll.u32 v9, $0x4;
	v8 =	vadd.s32 v0, v8;
	v7 =	vor.u32 v1, v7  }
0x109: {  	v14 =	vadd.s32 v0, v14;
	v16 =	vor.u32 v1, v8;
	v8 =	vadd.s32 v0, v9;
	v9 =	vld.idx.msk [tilespmem:v10+s12+$0x0], $0xffff  }
0x10a: {  	v6 =	vmov s19;
	v5 =	vshll.u32 v5, $0x4;
	v14 =	vor.u32 v1, v14;
	v17 =	vld.idx.msk [tilespmem:v11+s12+$0x0], $0xffff  }
0x10b: {  	s17 =	sadd.s32 $0x28, s15;
	v6 =	vshll.u32 v6, $0x4;
	v5 =	vadd.s32 v0, v5;
	v18 =	vor.u32 v1, v8;
	v13 =	vld.idx.msk [tilespmem:v13+s12+$0x0], $0xffff  }
0x10c: {  	v22 =	vimm.f32 $0.0e+00;
	s19 =	sadd.s32 $0x21, s17;
	s20 =	sadd.s32 $0x25, s17;
	v25 =	vor.u32 v1, v5;
	v8 =	vadd.s32 v0, v6;
	v10 =	vld.idx.msk [tilespmem:v12+s12+$0x0], $0xffff  }
0x10d: {  	s21 =	sadd.s32 $0x11, s17;
	s18 =	sadd.s32 $0x9, s17;
	v5 =	vmov s20;
	v6 =	vmov s19;
	s19 =	sadd.s32 $0xD, s17;
	v12 =	vld.idx.msk [tilespmem:v7+s12+$0x0], $0xffff;
	v11 =	vor.u32 v1, v8  }
0x10e: {  	s23 =	sadd.s32 $0x19, s17;
	s22 =	sadd.s32 $0x1D, s17;
	v26 =	vmov s21;
	s20 =	sadd.s32 $0x15, s17;
	v20 =	vmov s18;
	v19 =	vmov s19;
	v16 =	vld.idx.msk [tilespmem:v16+s12+$0x0], $0xffff  }
0x10f: {  	v7 =	vmov s22;
	v8 =	vmov s23;
	v15 =	vld.idx.msk [tilespmem:v14+s12+$0x0], $0xffff;
	s23 =	sadd.s32 $0x1, s17;
	v14 =	vmov s20  }
0x110: {  	s17 =	sadd.s32 $0x5, s17;
	v21 =	vmov s23;
	v23 =	vadd.f32 v17, v22;
	v24 =	vadd.f32 v13, v22;
	v17 =	vld.idx.msk [tilespmem:v18+s12+$0x0], $0xffff  }
0x111: {  	v14 =	vshll.u32 v14, $0x4;
	v22 =	vmov s17;
	v18 =	vshll.u32 v26, $0x4;
	s17 =	simm.s32 $0x50;
	v13 =	vld.idx.msk [tilespmem:v25+s12+$0x0], $0xffff  }
.LBB2_4:
0x112: {  	p0 =	sne.s32 s17, $0xA0;
	v20 =	vshll.u32 v20, $0x4;
	v9 =	vadd.f32 v9, v23;
	v10 =	vadd.f32 v10, v24;
	v11 =	vld.idx.msk [tilespmem:v11+s12+$0x0], $0xffff  }
0x113: {  	v21 =	vshll.u32 v21, $0x4;
	v22 =	vshll.u32 v22, $0x4;
	v19 =	vshll.u32 v19, $0x4  }
0x114: {  	v21 =	vadd.s32 v0, v21;
	v9 =	vadd.f32 v12, v9;
	v10 =	vadd.f32 v15, v10  }
0x115: {  	v20 =	vadd.s32 v0, v20;
	v12 =	vor.u32 v1, v21;
	v15 =	vadd.s32 v0, v22  }
0x116: {  	v15 =	vor.u32 v1, v15;
	v9 =	vadd.f32 v16, v9;
	v10 =	vadd.f32 v17, v10  }
0x117: {  	v18 =	vadd.s32 v0, v18;
	v16 =	vor.u32 v1, v20;
	v17 =	vadd.s32 v0, v19  }
0x118: {  	v17 =	vor.u32 v1, v17;
	v13 =	vadd.f32 v13, v9;
	v22 =	vadd.f32 v11, v10  }
0x119: {  	v8 =	vshll.u32 v8, $0x4;
	v11 =	vor.u32 v1, v18;
	v9 =	vadd.s32 v0, v14  }
0x11a: {  	v7 =	vshll.u32 v7, $0x4;
	v8 =	vadd.s32 v0, v8;
	v18 =	vor.u32 v1, v9;
	v14 =	vld.idx.msk [tilespmem:v12+s12+$0x0], $0xffff  }
0x11b: {  	v6 =	vshll.u32 v6, $0x4;
	v7 =	vadd.s32 v0, v7;
	v21 =	vor.u32 v1, v8;
	v24 =	vld.idx.msk [tilespmem:v15+s12+$0x0], $0xffff  }
0x11c: {  	s18 =	sadd.s32 s17, s15;
	v5 =	vshll.u32 v5, $0x4;
	v6 =	vadd.s32 v0, v6;
	v25 =	vor.u32 v1, v7;
	v9 =	vld.idx.msk [tilespmem:v16+s12+$0x0], $0xffff  }
0x11d: {  	s19 =	sadd.s32 $0x21, s18;
	s20 =	sadd.s32 $0x25, s18;
	s21 =	sadd.s32 $0x11, s18;
	v26 =	vor.u32 v1, v6;
	v7 =	vadd.s32 v0, v5;
	v10 =	vld.idx.msk [tilespmem:v17+s12+$0x0], $0xffff  }
.Ltmp0:
0x11e: {  	s22 =	sadd.s32 $0x19, s18;
	s23 =	sadd.s32 $0x1D, s18;
	v6 =	vmov s19;
	v5 =	vmov s20;
	v12 =	vld.idx.msk [tilespmem:v11+s12+$0x0], $0xffff;
	v11 =	vor.u32 v1, v7;
	(pc) =	sbr.rel @p0 .LBB2_4-.Ltmp0, $4  }
0x11f: {  	s19 =	sadd.s32 $0x9, s18;
	s20 =	sadd.s32 $0xD, s18;
	v27 =	vmov s21;
	s21 =	sadd.s32 $0x15, s18;
	v8 =	vmov s22;
	v7 =	vmov s23;
	v15 =	vld.idx.msk [tilespmem:v18+s12+$0x0], $0xffff  }
0x120: {  	s22 =	sadd.s32 $0x1, s18;
	v28 =	vmov s21;
	v20 =	vmov s19;
	v19 =	vmov s20;
	v16 =	vld.idx.msk [tilespmem:v21+s12+$0x0], $0xffff  }
0x121: {  	s18 =	sadd.s32 $0x5, s18;
	v23 =	vadd.f32 v14, v13;
	v21 =	vmov s22;
	v24 =	vadd.f32 v24, v22;
	v17 =	vld.idx.msk [tilespmem:v25+s12+$0x0], $0xffff  }
0x122: {  	s17 =	sadd.s32 $0x28, s17;
	v18 =	vshll.u32 v27, $0x4;
	v14 =	vshll.u32 v28, $0x4;
	v22 =	vmov s18;
	v13 =	vld.idx.msk [tilespmem:v26+s12+$0x0], $0xffff  }
0x123: {  	v20 =	vshll.u32 v20, $0x4  }
0x124: {  	v9 =	vadd.f32 v9, v23;
	v10 =	vadd.f32 v10, v24;
	v21 =	vshll.u32 v21, $0x4  }
0x125: {  	v22 =	vshll.u32 v22, $0x4;
	v19 =	vshll.u32 v19, $0x4;
	v21 =	vadd.s32 v0, v21  }
0x126: {  	v9 =	vadd.f32 v12, v9;
	v12 =	vor.u32 v1, v21;
	v21 =	vadd.s32 v0, v22  }
0x127: {  	v10 =	vadd.f32 v15, v10;
	v15 =	vadd.s32 v0, v20;
	v20 =	vor.u32 v1, v21  }
0x128: {  	v15 =	vor.u32 v1, v15;
	v9 =	vadd.f32 v16, v9;
	v16 =	vadd.s32 v0, v19  }
0x129: {  	v14 =	vadd.s32 v0, v14;
	v8 =	vshll.u32 v8, $0x4;
	v16 =	vor.u32 v1, v16  }
0x12a: {  	v11 =	vld.idx.msk [tilespmem:v11+s12+$0x0], $0xffff;
	v14 =	vor.u32 v1, v14;
	v10 =	vadd.f32 v17, v10;
	v17 =	vadd.s32 v0, v18  }
0x12b: {  	v7 =	vshll.u32 v7, $0x4;
	v8 =	vadd.s32 v0, v8;
	v17 =	vor.u32 v1, v17;
	v12 =	vld.idx.msk [tilespmem:v12+s12+$0x0], $0xffff  }
0x12c: {  	v6 =	vshll.u32 v6, $0x4;
	v7 =	vadd.s32 v0, v7;
	v8 =	vor.u32 v1, v8;
	v18 =	vld.idx.msk [tilespmem:v20+s12+$0x0], $0xffff  }
0x12d: {  	v5 =	vshll.u32 v5, $0x4;
	v6 =	vadd.s32 v0, v6;
	v7 =	vor.u32 v1, v7;
	v15 =	vld.idx.msk [tilespmem:v15+s12+$0x0], $0xffff  }
0x12e: {  	v5 =	vadd.s32 v0, v5;
	v6 =	vor.u32 v1, v6;
	v16 =	vld.idx.msk [tilespmem:v16+s12+$0x0], $0xffff  }
0x12f: {  	v5 =	vor.u32 v1, v5;
	v9 =	vadd.f32 v13, v9;
	v10 =	vadd.f32 v11, v10;
	v13 =	vld.idx.msk [tilespmem:v14+s12+$0x0], $0xffff  }
0x130: {  	v11 =	vld.idx.msk [tilespmem:v17+s12+$0x0], $0xffff  }
0x131: {  	v8 =	vld.idx.msk [tilespmem:v8+s12+$0x0], $0xffff;
	v9 =	vadd.f32 v12, v9;
	v10 =	vadd.f32 v18, v10  }
0x132: {  	v7 =	vld.idx.msk [tilespmem:v7+s12+$0x0], $0xffff  }
0x133: {  	v6 =	vld.idx.msk [tilespmem:v6+s12+$0x0], $0xffff;
	v9 =	vadd.f32 v15, v9;
	v10 =	vadd.f32 v16, v10  }
0x134: {  	v5 =	vld.idx.msk [tilespmem:v5+s12+$0x0], $0xffff  }
0x135: {  	v9 =	vadd.f32 v11, v9;
	v10 =	vadd.f32 v13, v10;
	_ =	sdelay $0x1  }
0x136: {  	v8 =	vadd.f32 v8, v9;
	v7 =	vadd.f32 v7, v10;
	_ =	sdelay $0x1  }
0x137: {  	v6 =	vadd.f32 v6, v8;
	v5 =	vadd.f32 v5, v7;
	_ =	sdelay $0x1  }
0x138: {  	s17 =	sadd.s32 $0x0, s15;
	v5 =	vadd.f32 v5, v6  }
0x139: {  	s23 =	sadd.s32 $0xD9, s17;
	s22 =	sadd.s32 $0xDD, s17  }
0x13a: {  	s21 =	sadd.s32 $0xE9, s17;
	v11 =	vmov s23;
	s23 =	sadd.s32 $0xD5, s17;
	v13 =	vmov s22;
	[tilespmem:$0x1C200] =	vst v5  }
0x13b: {  	v14 =	vmov s23;
	v11 =	vshll.u32 v11, $0x4;
	v9 =	vmov s21;
	s21 =	sadd.s32 $0xD1, s17;
	v6 =	vld.idx.msk [tilespmem:v2+s6+$0x0], $0xffff  }
0x13c: {  	v14 =	vshll.u32 v14, $0x4;
	v13 =	vshll.u32 v13, $0x4;
	v12 =	vmov s21  }
0x13d: {  	v11 =	vadd.s32 v0, v11;
	v14 =	vadd.s32 v0, v14;
	v12 =	vshll.u32 v12, $0x4  }
0x13e: {  	s18 =	sadd.s32 $0xF1, s17;
	s19 =	sadd.s32 $0xF5, s17;
	v11 =	vor.u32 v1, v11;
	v13 =	vadd.s32 v0, v13;
	v12 =	vadd.s32 v0, v12  }
0x13f: {  	s20 =	sadd.s32 $0xE1, s17;
	v9 =	vshll.u32 v9, $0x4;
	v7 =	vmov s18;
	s18 =	sadd.s32 $0xED, s17;
	s17 =	sadd.s32 $0xE5, s17;
	v12 =	vor.u32 v1, v12  }
0x140: {  	v14 =	vor.u32 v1, v14;
	v15 =	vmov s17;
	v5 =	vadd.f32 v6, v5  }
0x141: {  	v13 =	vor.u32 v1, v13;
	v15 =	vshll.u32 v15, $0x4;
	v6 =	vmov s20  }
0x142: {  	v9 =	vadd.s32 v0, v9;
	v15 =	vadd.s32 v0, v15;
	v6 =	vshll.u32 v6, $0x4;
	[tilespmem:$0x1C200] =	vst v5  }
0x143: {  	v10 =	vmov s18;
	v15 =	vor.u32 v1, v15;
	v16 =	vadd.s32 v0, v6;
	v6 =	vld.idx.msk [tilespmem:v3+s6+$0x0], $0xffff  }
0x144: {  	v8 =	vmov s19;
	v18 =	vor.u32 v1, v9;
	v10 =	vshll.u32 v10, $0x4;
	v19 =	vld.idx.msk [tilespmem:v12+s12+$0x0], $0xffff  }
0x145: {  	v7 =	vshll.u32 v7, $0x4;
	v9 =	vadd.s32 v0, v10;
	v16 =	vor.u32 v1, v16;
	v20 =	vld.idx.msk [tilespmem:v14+s12+$0x0], $0xffff  }
0x146: {  	v8 =	vshll.u32 v8, $0x4;
	s17 =	sadd.s32 $0x28, s15;
	v7 =	vadd.s32 v0, v7;
	v24 =	vor.u32 v1, v9;
	v11 =	vld.idx.msk [tilespmem:v11+s12+$0x0], $0xffff  }
0x147: {  	v26 =	vimm.f32 $0.0e+00;
	s23 =	sadd.s32 $0xE9, s17;
	s18 =	sadd.s32 $0xD9, s17;
	v27 =	vor.u32 v1, v7;
	v9 =	vadd.s32 v0, v8;
	v12 =	vld.idx.msk [tilespmem:v13+s12+$0x0], $0xffff  }
0x148: {  	s19 =	sadd.s32 $0xF1, s17;
	v10 =	vmov s23;
	s23 =	sadd.s32 $0xD1, s17;
	v22 =	vmov s18;
	s20 =	sadd.s32 $0xF5, s17;
	v13 =	vor.u32 v1, v9;
	v17 =	vld.idx.msk [tilespmem:v15+s12+$0x0], $0xffff  }
0x149: {  	s22 =	sadd.s32 $0xED, s17;
	v8 =	vmov s19;
	s19 =	sadd.s32 $0xDD, s17;
	v23 =	vmov s23;
	v7 =	vmov s20;
	s20 =	sadd.s32 $0xE5, s17;
	v18 =	vld.idx.msk [tilespmem:v18+s12+$0x0], $0xffff  }
0x14a: {  	s21 =	sadd.s32 $0xE1, s17;
	v21 =	vmov s19;
	v9 =	vmov s22;
	v15 =	vmov s20;
	v14 =	vld.idx.msk [tilespmem:v16+s12+$0x0], $0xffff  }
0x14b: {  	s17 =	sadd.s32 $0xD5, s17;
	v16 =	vmov s21;
	v25 =	vadd.f32 v19, v26;
	v26 =	vadd.f32 v20, v26;
	v19 =	vld.idx.msk [tilespmem:v24+s12+$0x0], $0xffff  }
0x14c: {  	v24 =	vmov s17;
	s17 =	simm.s32 $0x50;
	v20 =	vshll.u32 v16, $0x4;
	v16 =	vshll.u32 v15, $0x4;
	v15 =	vld.idx.msk [tilespmem:v27+s12+$0x0], $0xffff  }
.LBB2_6:
0x14d: {  	p0 =	sne.s32 s17, $0xA0;
	v22 =	vshll.u32 v22, $0x4;
	v11 =	vadd.f32 v11, v25;
	v12 =	vadd.f32 v12, v26;
	v13 =	vld.idx.msk [tilespmem:v13+s12+$0x0], $0xffff  }
0x14e: {  	v23 =	vshll.u32 v23, $0x4;
	v24 =	vshll.u32 v24, $0x4;
	v21 =	vshll.u32 v21, $0x4  }
0x14f: {  	v23 =	vadd.s32 v0, v23;
	v11 =	vadd.f32 v14, v11;
	v12 =	vadd.f32 v17, v12  }
0x150: {  	v22 =	vadd.s32 v0, v22;
	v14 =	vor.u32 v1, v23;
	v17 =	vadd.s32 v0, v24  }
0x151: {  	v17 =	vor.u32 v1, v17;
	v11 =	vadd.f32 v18, v11;
	v12 =	vadd.f32 v19, v12  }
0x152: {  	v20 =	vadd.s32 v0, v20;
	v18 =	vor.u32 v1, v22;
	v19 =	vadd.s32 v0, v21  }
0x153: {  	v19 =	vor.u32 v1, v19;
	v15 =	vadd.f32 v15, v11;
	v24 =	vadd.f32 v13, v12  }
0x154: {  	v10 =	vshll.u32 v10, $0x4;
	v13 =	vor.u32 v1, v20;
	v11 =	vadd.s32 v0, v16  }
0x155: {  	v9 =	vshll.u32 v9, $0x4;
	v10 =	vadd.s32 v0, v10;
	v20 =	vor.u32 v1, v11;
	v16 =	vld.idx.msk [tilespmem:v14+s12+$0x0], $0xffff  }
0x156: {  	v8 =	vshll.u32 v8, $0x4;
	v9 =	vadd.s32 v0, v9;
	v23 =	vor.u32 v1, v10;
	v26 =	vld.idx.msk [tilespmem:v17+s12+$0x0], $0xffff  }
0x157: {  	s18 =	sadd.s32 s17, s15;
	v7 =	vshll.u32 v7, $0x4;
	v8 =	vadd.s32 v0, v8;
	v27 =	vor.u32 v1, v9;
	v11 =	vld.idx.msk [tilespmem:v18+s12+$0x0], $0xffff  }
0x158: {  	s19 =	sadd.s32 $0xF1, s18;
	s20 =	sadd.s32 $0xF5, s18;
	s21 =	sadd.s32 $0xE1, s18;
	v28 =	vor.u32 v1, v8;
	v9 =	vadd.s32 v0, v7;
	v12 =	vld.idx.msk [tilespmem:v19+s12+$0x0], $0xffff  }
.Ltmp1:
0x159: {  	s22 =	sadd.s32 $0xE9, s18;
	s23 =	sadd.s32 $0xED, s18;
	v8 =	vmov s19;
	v7 =	vmov s20;
	v14 =	vld.idx.msk [tilespmem:v13+s12+$0x0], $0xffff;
	v13 =	vor.u32 v1, v9;
	(pc) =	sbr.rel @p0 .LBB2_6-.Ltmp1, $4  }
0x15a: {  	s19 =	sadd.s32 $0xD9, s18;
	s20 =	sadd.s32 $0xDD, s18;
	v29 =	vmov s21;
	s21 =	sadd.s32 $0xE5, s18;
	v10 =	vmov s22;
	v9 =	vmov s23;
	v17 =	vld.idx.msk [tilespmem:v20+s12+$0x0], $0xffff  }
0x15b: {  	s22 =	sadd.s32 $0xD1, s18;
	v30 =	vmov s21;
	v22 =	vmov s19;
	v21 =	vmov s20;
	v18 =	vld.idx.msk [tilespmem:v23+s12+$0x0], $0xffff  }
0x15c: {  	s18 =	sadd.s32 $0xD5, s18;
	v25 =	vadd.f32 v16, v15;
	v23 =	vmov s22;
	v26 =	vadd.f32 v26, v24;
	v19 =	vld.idx.msk [tilespmem:v27+s12+$0x0], $0xffff  }
0x15d: {  	s17 =	sadd.s32 $0x28, s17;
	v20 =	vshll.u32 v29, $0x4;
	v16 =	vshll.u32 v30, $0x4;
	v24 =	vmov s18;
	v15 =	vld.idx.msk [tilespmem:v28+s12+$0x0], $0xffff  }
0x15e: {  	v22 =	vshll.u32 v22, $0x4  }
0x15f: {  	v11 =	vadd.f32 v11, v25;
	v12 =	vadd.f32 v12, v26;
	v23 =	vshll.u32 v23, $0x4  }
0x160: {  	v24 =	vshll.u32 v24, $0x4;
	v21 =	vshll.u32 v21, $0x4;
	v23 =	vadd.s32 v0, v23  }
0x161: {  	v11 =	vadd.f32 v14, v11;
	v14 =	vor.u32 v1, v23;
	v23 =	vadd.s32 v0, v24  }
0x162: {  	v12 =	vadd.f32 v17, v12;
	v17 =	vadd.s32 v0, v22;
	v22 =	vor.u32 v1, v23  }
0x163: {  	v17 =	vor.u32 v1, v17;
	v11 =	vadd.f32 v18, v11;
	v18 =	vadd.s32 v0, v21  }
0x164: {  	v16 =	vadd.s32 v0, v16;
	v10 =	vshll.u32 v10, $0x4;
	v18 =	vor.u32 v1, v18  }
0x165: {  	v13 =	vld.idx.msk [tilespmem:v13+s12+$0x0], $0xffff;
	v16 =	vor.u32 v1, v16;
	v12 =	vadd.f32 v19, v12;
	v19 =	vadd.s32 v0, v20  }
0x166: {  	v9 =	vshll.u32 v9, $0x4;
	v10 =	vadd.s32 v0, v10;
	v19 =	vor.u32 v1, v19;
	v14 =	vld.idx.msk [tilespmem:v14+s12+$0x0], $0xffff  }
0x167: {  	v8 =	vshll.u32 v8, $0x4;
	v9 =	vadd.s32 v0, v9;
	v10 =	vor.u32 v1, v10;
	v20 =	vld.idx.msk [tilespmem:v22+s12+$0x0], $0xffff  }
0x168: {  	v7 =	vshll.u32 v7, $0x4;
	v8 =	vadd.s32 v0, v8;
	v9 =	vor.u32 v1, v9;
	v17 =	vld.idx.msk [tilespmem:v17+s12+$0x0], $0xffff  }
0x169: {  	v7 =	vadd.s32 v0, v7;
	v8 =	vor.u32 v1, v8;
	v18 =	vld.idx.msk [tilespmem:v18+s12+$0x0], $0xffff  }
0x16a: {  	v7 =	vor.u32 v1, v7;
	v11 =	vadd.f32 v15, v11;
	v12 =	vadd.f32 v13, v12;
	v15 =	vld.idx.msk [tilespmem:v16+s12+$0x0], $0xffff  }
0x16b: {  	v13 =	vld.idx.msk [tilespmem:v19+s12+$0x0], $0xffff  }
0x16c: {  	v10 =	vld.idx.msk [tilespmem:v10+s12+$0x0], $0xffff;
	v11 =	vadd.f32 v14, v11;
	v12 =	vadd.f32 v20, v12  }
0x16d: {  	v9 =	vld.idx.msk [tilespmem:v9+s12+$0x0], $0xffff  }
0x16e: {  	v8 =	vld.idx.msk [tilespmem:v8+s12+$0x0], $0xffff;
	v11 =	vadd.f32 v17, v11;
	v12 =	vadd.f32 v18, v12  }
0x16f: {  	v7 =	vld.idx.msk [tilespmem:v7+s12+$0x0], $0xffff  }
0x170: {  	v11 =	vadd.f32 v13, v11;
	v12 =	vadd.f32 v15, v12;
	_ =	sdelay $0x1  }
0x171: {  	v10 =	vadd.f32 v10, v11;
	v9 =	vadd.f32 v9, v12;
	_ =	sdelay $0x1  }
0x172: {  	v8 =	vadd.f32 v8, v10;
	v7 =	vadd.f32 v7, v9;
	_ =	sdelay $0x1  }
0x173: {  	s17 =	sadd.s32 $0x0, s15;
	v7 =	vadd.f32 v7, v8  }
0x174: {  	s23 =	sadd.s32 $0x1A9, s17;
	s22 =	sadd.s32 $0x1AD, s17  }
0x175: {  	s21 =	sadd.s32 $0x1B9, s17;
	v13 =	vmov s23;
	s23 =	sadd.s32 $0x1A5, s17;
	v15 =	vmov s22;
	[tilespmem:$0x1C200] =	vst v7  }
0x176: {  	v16 =	vmov s23;
	v13 =	vshll.u32 v13, $0x4;
	v11 =	vmov s21;
	s21 =	sadd.s32 $0x1A1, s17;
	v8 =	vld.idx.msk [tilespmem:v2+s6+$0x0], $0xffff  }
0x177: {  	v16 =	vshll.u32 v16, $0x4;
	v15 =	vshll.u32 v15, $0x4;
	v14 =	vmov s21  }
0x178: {  	v13 =	vadd.s32 v0, v13;
	v16 =	vadd.s32 v0, v16;
	v14 =	vshll.u32 v14, $0x4  }
0x179: {  	s18 =	sadd.s32 $0x1C1, s17;
	s19 =	sadd.s32 $0x1C5, s17;
	v13 =	vor.u32 v1, v13;
	v15 =	vadd.s32 v0, v15;
	v14 =	vadd.s32 v0, v14  }
0x17a: {  	s20 =	sadd.s32 $0x1B1, s17;
	v11 =	vshll.u32 v11, $0x4;
	v9 =	vmov s18;
	s18 =	sadd.s32 $0x1BD, s17;
	s17 =	sadd.s32 $0x1B5, s17;
	v14 =	vor.u32 v1, v14  }
0x17b: {  	v16 =	vor.u32 v1, v16;
	v17 =	vmov s17;
	v7 =	vadd.f32 v8, v7  }
0x17c: {  	v15 =	vor.u32 v1, v15;
	v17 =	vshll.u32 v17, $0x4;
	v8 =	vmov s20  }
0x17d: {  	v11 =	vadd.s32 v0, v11;
	v17 =	vadd.s32 v0, v17;
	v8 =	vshll.u32 v8, $0x4;
	[tilespmem:$0x1C200] =	vst v7  }
0x17e: {  	v12 =	vmov s18;
	v17 =	vor.u32 v1, v17;
	v18 =	vadd.s32 v0, v8;
	v8 =	vld.idx.msk [tilespmem:v3+s6+$0x0], $0xffff  }
0x17f: {  	v10 =	vmov s19;
	v20 =	vor.u32 v1, v11;
	v12 =	vshll.u32 v12, $0x4;
	v21 =	vld.idx.msk [tilespmem:v14+s12+$0x0], $0xffff  }
0x180: {  	v9 =	vshll.u32 v9, $0x4;
	v11 =	vadd.s32 v0, v12;
	v18 =	vor.u32 v1, v18;
	v22 =	vld.idx.msk [tilespmem:v16+s12+$0x0], $0xffff  }
0x181: {  	v10 =	vshll.u32 v10, $0x4;
	s17 =	sadd.s32 $0x28, s15;
	v9 =	vadd.s32 v0, v9;
	v26 =	vor.u32 v1, v11;
	v13 =	vld.idx.msk [tilespmem:v13+s12+$0x0], $0xffff  }
0x182: {  	v28 =	vimm.f32 $0.0e+00;
	s23 =	sadd.s32 $0x1B9, s17;
	s18 =	sadd.s32 $0x1A9, s17;
	v29 =	vor.u32 v1, v9;
	v11 =	vadd.s32 v0, v10;
	v14 =	vld.idx.msk [tilespmem:v15+s12+$0x0], $0xffff  }
0x183: {  	s19 =	sadd.s32 $0x1C1, s17;
	v12 =	vmov s23;
	s23 =	sadd.s32 $0x1A1, s17;
	v24 =	vmov s18;
	s20 =	sadd.s32 $0x1C5, s17;
	v15 =	vor.u32 v1, v11;
	v19 =	vld.idx.msk [tilespmem:v17+s12+$0x0], $0xffff  }
0x184: {  	s22 =	sadd.s32 $0x1BD, s17;
	v10 =	vmov s19;
	s19 =	sadd.s32 $0x1AD, s17;
	v25 =	vmov s23;
	v9 =	vmov s20;
	s20 =	sadd.s32 $0x1B5, s17;
	v20 =	vld.idx.msk [tilespmem:v20+s12+$0x0], $0xffff  }
0x185: {  	s21 =	sadd.s32 $0x1B1, s17;
	v23 =	vmov s19;
	v11 =	vmov s22;
	v17 =	vmov s20;
	v16 =	vld.idx.msk [tilespmem:v18+s12+$0x0], $0xffff  }
0x186: {  	s17 =	sadd.s32 $0x1A5, s17;
	v18 =	vmov s21;
	v27 =	vadd.f32 v21, v28;
	v28 =	vadd.f32 v22, v28;
	v21 =	vld.idx.msk [tilespmem:v26+s12+$0x0], $0xffff  }
0x187: {  	v26 =	vmov s17;
	s17 =	simm.s32 $0x50;
	v22 =	vshll.u32 v18, $0x4;
	v18 =	vshll.u32 v17, $0x4;
	v17 =	vld.idx.msk [tilespmem:v29+s12+$0x0], $0xffff  }
.LBB2_8:
0x188: {  	p0 =	sne.s32 s17, $0xA0;
	v24 =	vshll.u32 v24, $0x4;
	v13 =	vadd.f32 v13, v27;
	v14 =	vadd.f32 v14, v28;
	v15 =	vld.idx.msk [tilespmem:v15+s12+$0x0], $0xffff  }
0x189: {  	v25 =	vshll.u32 v25, $0x4;
	v26 =	vshll.u32 v26, $0x4;
	v23 =	vshll.u32 v23, $0x4  }
0x18a: {  	v25 =	vadd.s32 v0, v25;
	v13 =	vadd.f32 v16, v13;
	v14 =	vadd.f32 v19, v14  }
0x18b: {  	v24 =	vadd.s32 v0, v24;
	v16 =	vor.u32 v1, v25;
	v19 =	vadd.s32 v0, v26  }
0x18c: {  	v19 =	vor.u32 v1, v19;
	v13 =	vadd.f32 v20, v13;
	v14 =	vadd.f32 v21, v14  }
0x18d: {  	v22 =	vadd.s32 v0, v22;
	v20 =	vor.u32 v1, v24;
	v21 =	vadd.s32 v0, v23  }
0x18e: {  	v21 =	vor.u32 v1, v21;
	v17 =	vadd.f32 v17, v13;
	v26 =	vadd.f32 v15, v14  }
0x18f: {  	v12 =	vshll.u32 v12, $0x4;
	v15 =	vor.u32 v1, v22;
	v13 =	vadd.s32 v0, v18  }
0x190: {  	v11 =	vshll.u32 v11, $0x4;
	v12 =	vadd.s32 v0, v12;
	v22 =	vor.u32 v1, v13;
	v18 =	vld.idx.msk [tilespmem:v16+s12+$0x0], $0xffff  }
0x191: {  	v10 =	vshll.u32 v10, $0x4;
	v11 =	vadd.s32 v0, v11;
	v25 =	vor.u32 v1, v12;
	v28 =	vld.idx.msk [tilespmem:v19+s12+$0x0], $0xffff  }
0x192: {  	s18 =	sadd.s32 s17, s15;
	v9 =	vshll.u32 v9, $0x4;
	v10 =	vadd.s32 v0, v10;
	v29 =	vor.u32 v1, v11;
	v13 =	vld.idx.msk [tilespmem:v20+s12+$0x0], $0xffff  }
0x193: {  	s19 =	sadd.s32 $0x1C1, s18;
	s20 =	sadd.s32 $0x1C5, s18;
	s21 =	sadd.s32 $0x1B1, s18;
	v30 =	vor.u32 v1, v10;
	v11 =	vadd.s32 v0, v9;
	v14 =	vld.idx.msk [tilespmem:v21+s12+$0x0], $0xffff  }
.Ltmp2:
0x194: {  	s22 =	sadd.s32 $0x1B9, s18;
	s23 =	sadd.s32 $0x1BD, s18;
	v10 =	vmov s19;
	v9 =	vmov s20;
	v16 =	vld.idx.msk [tilespmem:v15+s12+$0x0], $0xffff;
	v15 =	vor.u32 v1, v11;
	(pc) =	sbr.rel @p0 .LBB2_8-.Ltmp2, $4  }
0x195: {  	s19 =	sadd.s32 $0x1A9, s18;
	s20 =	sadd.s32 $0x1AD, s18;
	v31 =	vmov s21;
	s21 =	sadd.s32 $0x1B5, s18;
	v12 =	vmov s22;
	v11 =	vmov s23;
	v19 =	vld.idx.msk [tilespmem:v22+s12+$0x0], $0xffff  }
0x196: {  	s22 =	sadd.s32 $0x1A1, s18;
	v32 =	vmov s21;
	v24 =	vmov s19;
	v23 =	vmov s20;
	v20 =	vld.idx.msk [tilespmem:v25+s12+$0x0], $0xffff  }
0x197: {  	s18 =	sadd.s32 $0x1A5, s18;
	v27 =	vadd.f32 v18, v17;
	v25 =	vmov s22;
	v28 =	vadd.f32 v28, v26;
	v21 =	vld.idx.msk [tilespmem:v29+s12+$0x0], $0xffff  }
0x198: {  	s17 =	sadd.s32 $0x28, s17;
	v22 =	vshll.u32 v31, $0x4;
	v18 =	vshll.u32 v32, $0x4;
	v26 =	vmov s18;
	v17 =	vld.idx.msk [tilespmem:v30+s12+$0x0], $0xffff  }
0x199: {  	v24 =	vshll.u32 v24, $0x4  }
0x19a: {  	v13 =	vadd.f32 v13, v27;
	v14 =	vadd.f32 v14, v28;
	v25 =	vshll.u32 v25, $0x4  }
0x19b: {  	v26 =	vshll.u32 v26, $0x4;
	v23 =	vshll.u32 v23, $0x4;
	v25 =	vadd.s32 v0, v25  }
0x19c: {  	v13 =	vadd.f32 v16, v13;
	v16 =	vor.u32 v1, v25;
	v25 =	vadd.s32 v0, v26  }
0x19d: {  	v14 =	vadd.f32 v19, v14;
	v19 =	vadd.s32 v0, v24;
	v24 =	vor.u32 v1, v25  }
0x19e: {  	v19 =	vor.u32 v1, v19;
	v13 =	vadd.f32 v20, v13;
	v20 =	vadd.s32 v0, v23  }
0x19f: {  	v18 =	vadd.s32 v0, v18;
	v12 =	vshll.u32 v12, $0x4;
	v20 =	vor.u32 v1, v20  }
0x1a0: {  	v15 =	vld.idx.msk [tilespmem:v15+s12+$0x0], $0xffff;
	v18 =	vor.u32 v1, v18;
	v14 =	vadd.f32 v21, v14;
	v21 =	vadd.s32 v0, v22  }
0x1a1: {  	v11 =	vshll.u32 v11, $0x4;
	v12 =	vadd.s32 v0, v12;
	v21 =	vor.u32 v1, v21;
	v16 =	vld.idx.msk [tilespmem:v16+s12+$0x0], $0xffff  }
0x1a2: {  	v10 =	vshll.u32 v10, $0x4;
	v11 =	vadd.s32 v0, v11;
	v12 =	vor.u32 v1, v12;
	v22 =	vld.idx.msk [tilespmem:v24+s12+$0x0], $0xffff  }
0x1a3: {  	v9 =	vshll.u32 v9, $0x4;
	v10 =	vadd.s32 v0, v10;
	v11 =	vor.u32 v1, v11;
	v19 =	vld.idx.msk [tilespmem:v19+s12+$0x0], $0xffff  }
0x1a4: {  	v9 =	vadd.s32 v0, v9;
	v10 =	vor.u32 v1, v10;
	v20 =	vld.idx.msk [tilespmem:v20+s12+$0x0], $0xffff  }
0x1a5: {  	v9 =	vor.u32 v1, v9;
	v13 =	vadd.f32 v17, v13;
	v14 =	vadd.f32 v15, v14;
	v17 =	vld.idx.msk [tilespmem:v18+s12+$0x0], $0xffff  }
0x1a6: {  	v15 =	vld.idx.msk [tilespmem:v21+s12+$0x0], $0xffff  }
0x1a7: {  	v12 =	vld.idx.msk [tilespmem:v12+s12+$0x0], $0xffff;
	v13 =	vadd.f32 v16, v13;
	v14 =	vadd.f32 v22, v14  }
0x1a8: {  	v11 =	vld.idx.msk [tilespmem:v11+s12+$0x0], $0xffff  }
0x1a9: {  	v10 =	vld.idx.msk [tilespmem:v10+s12+$0x0], $0xffff;
	v13 =	vadd.f32 v19, v13;
	v14 =	vadd.f32 v20, v14  }
0x1aa: {  	v9 =	vld.idx.msk [tilespmem:v9+s12+$0x0], $0xffff  }
0x1ab: {  	v13 =	vadd.f32 v15, v13;
	v14 =	vadd.f32 v17, v14;
	_ =	sdelay $0x1  }
0x1ac: {  	v12 =	vadd.f32 v12, v13;
	v11 =	vadd.f32 v11, v14;
	_ =	sdelay $0x1  }
0x1ad: {  	v10 =	vadd.f32 v10, v12;
	v9 =	vadd.f32 v9, v11;
	_ =	sdelay $0x1  }
0x1ae: {  	s17 =	sadd.s32 $0x0, s15;
	v9 =	vadd.f32 v9, v10  }
0x1af: {  	s23 =	sadd.s32 $0x279, s17;
	s22 =	sadd.s32 $0x27D, s17  }
0x1b0: {  	s21 =	sadd.s32 $0x289, s17;
	v15 =	vmov s23;
	s23 =	sadd.s32 $0x275, s17;
	v17 =	vmov s22;
	[tilespmem:$0x1C200] =	vst v9  }
0x1b1: {  	v18 =	vmov s23;
	v15 =	vshll.u32 v15, $0x4;
	v13 =	vmov s21;
	s21 =	sadd.s32 $0x271, s17;
	v10 =	vld.idx.msk [tilespmem:v2+s6+$0x0], $0xffff  }
0x1b2: {  	v18 =	vshll.u32 v18, $0x4;
	v17 =	vshll.u32 v17, $0x4;
	v16 =	vmov s21  }
0x1b3: {  	v15 =	vadd.s32 v0, v15;
	v18 =	vadd.s32 v0, v18;
	v16 =	vshll.u32 v16, $0x4  }
0x1b4: {  	s18 =	sadd.s32 $0x291, s17;
	s19 =	sadd.s32 $0x295, s17;
	v15 =	vor.u32 v1, v15;
	v17 =	vadd.s32 v0, v17;
	v16 =	vadd.s32 v0, v16  }
0x1b5: {  	s20 =	sadd.s32 $0x281, s17;
	v13 =	vshll.u32 v13, $0x4;
	v11 =	vmov s18;
	s18 =	sadd.s32 $0x28D, s17;
	s17 =	sadd.s32 $0x285, s17;
	v16 =	vor.u32 v1, v16  }
0x1b6: {  	v18 =	vor.u32 v1, v18;
	v19 =	vmov s17;
	v9 =	vadd.f32 v10, v9  }
0x1b7: {  	v17 =	vor.u32 v1, v17;
	v19 =	vshll.u32 v19, $0x4;
	v10 =	vmov s20  }
0x1b8: {  	v13 =	vadd.s32 v0, v13;
	v19 =	vadd.s32 v0, v19;
	v10 =	vshll.u32 v10, $0x4;
	[tilespmem:$0x1C200] =	vst v9  }
0x1b9: {  	v14 =	vmov s18;
	v19 =	vor.u32 v1, v19;
	v20 =	vadd.s32 v0, v10;
	v10 =	vld.idx.msk [tilespmem:v3+s6+$0x0], $0xffff  }
0x1ba: {  	v12 =	vmov s19;
	v22 =	vor.u32 v1, v13;
	v14 =	vshll.u32 v14, $0x4;
	v23 =	vld.idx.msk [tilespmem:v16+s12+$0x0], $0xffff  }
0x1bb: {  	v11 =	vshll.u32 v11, $0x4;
	v13 =	vadd.s32 v0, v14;
	v20 =	vor.u32 v1, v20;
	v24 =	vld.idx.msk [tilespmem:v18+s12+$0x0], $0xffff  }
0x1bc: {  	v12 =	vshll.u32 v12, $0x4;
	s17 =	sadd.s32 $0x28, s15;
	v11 =	vadd.s32 v0, v11;
	v28 =	vor.u32 v1, v13;
	v15 =	vld.idx.msk [tilespmem:v15+s12+$0x0], $0xffff  }
0x1bd: {  	v30 =	vimm.f32 $0.0e+00;
	s23 =	sadd.s32 $0x289, s17;
	s18 =	sadd.s32 $0x279, s17;
	v31 =	vor.u32 v1, v11;
	v13 =	vadd.s32 v0, v12;
	v16 =	vld.idx.msk [tilespmem:v17+s12+$0x0], $0xffff  }
0x1be: {  	s19 =	sadd.s32 $0x291, s17;
	v14 =	vmov s23;
	s23 =	sadd.s32 $0x271, s17;
	v26 =	vmov s18;
	s20 =	sadd.s32 $0x295, s17;
	v17 =	vor.u32 v1, v13;
	v21 =	vld.idx.msk [tilespmem:v19+s12+$0x0], $0xffff  }
0x1bf: {  	s22 =	sadd.s32 $0x28D, s17;
	v12 =	vmov s19;
	s19 =	sadd.s32 $0x27D, s17;
	v27 =	vmov s23;
	v11 =	vmov s20;
	s20 =	sadd.s32 $0x285, s17;
	v22 =	vld.idx.msk [tilespmem:v22+s12+$0x0], $0xffff  }
0x1c0: {  	s21 =	sadd.s32 $0x281, s17;
	v25 =	vmov s19;
	v13 =	vmov s22;
	v19 =	vmov s20;
	v18 =	vld.idx.msk [tilespmem:v20+s12+$0x0], $0xffff  }
0x1c1: {  	s17 =	sadd.s32 $0x275, s17;
	v20 =	vmov s21;
	v29 =	vadd.f32 v23, v30;
	v30 =	vadd.f32 v24, v30;
	v23 =	vld.idx.msk [tilespmem:v28+s12+$0x0], $0xffff  }
0x1c2: {  	v28 =	vmov s17;
	s17 =	simm.s32 $0x50;
	v24 =	vshll.u32 v20, $0x4;
	v20 =	vshll.u32 v19, $0x4;
	v19 =	vld.idx.msk [tilespmem:v31+s12+$0x0], $0xffff  }
.LBB2_10:
0x1c3: {  	p0 =	sne.s32 s17, $0xA0;
	v26 =	vshll.u32 v26, $0x4;
	v15 =	vadd.f32 v15, v29;
	v16 =	vadd.f32 v16, v30;
	v17 =	vld.idx.msk [tilespmem:v17+s12+$0x0], $0xffff  }
0x1c4: {  	v27 =	vshll.u32 v27, $0x4;
	v28 =	vshll.u32 v28, $0x4;
	v25 =	vshll.u32 v25, $0x4  }
0x1c5: {  	v27 =	vadd.s32 v0, v27;
	v15 =	vadd.f32 v18, v15;
	v16 =	vadd.f32 v21, v16  }
0x1c6: {  	v26 =	vadd.s32 v0, v26;
	v18 =	vor.u32 v1, v27;
	v21 =	vadd.s32 v0, v28  }
0x1c7: {  	v21 =	vor.u32 v1, v21;
	v15 =	vadd.f32 v22, v15;
	v16 =	vadd.f32 v23, v16  }
0x1c8: {  	v24 =	vadd.s32 v0, v24;
	v22 =	vor.u32 v1, v26;
	v23 =	vadd.s32 v0, v25  }
0x1c9: {  	v23 =	vor.u32 v1, v23;
	v19 =	vadd.f32 v19, v15;
	v28 =	vadd.f32 v17, v16  }
0x1ca: {  	v14 =	vshll.u32 v14, $0x4;
	v17 =	vor.u32 v1, v24;
	v15 =	vadd.s32 v0, v20  }
0x1cb: {  	v13 =	vshll.u32 v13, $0x4;
	v14 =	vadd.s32 v0, v14;
	v24 =	vor.u32 v1, v15;
	v20 =	vld.idx.msk [tilespmem:v18+s12+$0x0], $0xffff  }
0x1cc: {  	v12 =	vshll.u32 v12, $0x4;
	v13 =	vadd.s32 v0, v13;
	v27 =	vor.u32 v1, v14;
	v30 =	vld.idx.msk [tilespmem:v21+s12+$0x0], $0xffff  }
0x1cd: {  	s18 =	sadd.s32 s17, s15;
	v11 =	vshll.u32 v11, $0x4;
	v12 =	vadd.s32 v0, v12;
	v31 =	vor.u32 v1, v13;
	v15 =	vld.idx.msk [tilespmem:v22+s12+$0x0], $0xffff  }
0x1ce: {  	s19 =	sadd.s32 $0x291, s18;
	s20 =	sadd.s32 $0x295, s18;
	s21 =	sadd.s32 $0x281, s18;
	v32 =	vor.u32 v1, v12;
	v13 =	vadd.s32 v0, v11;
	v16 =	vld.idx.msk [tilespmem:v23+s12+$0x0], $0xffff  }
.Ltmp3:
0x1cf: {  	s22 =	sadd.s32 $0x289, s18;
	s23 =	sadd.s32 $0x28D, s18;
	v12 =	vmov s19;
	v11 =	vmov s20;
	v18 =	vld.idx.msk [tilespmem:v17+s12+$0x0], $0xffff;
	v17 =	vor.u32 v1, v13;
	(pc) =	sbr.rel @p0 .LBB2_10-.Ltmp3, $4  }
0x1d0: {  	s19 =	sadd.s32 $0x279, s18;
	s20 =	sadd.s32 $0x27D, s18;
	v33 =	vmov s21;
	s21 =	sadd.s32 $0x285, s18;
	v14 =	vmov s22;
	v13 =	vmov s23;
	v21 =	vld.idx.msk [tilespmem:v24+s12+$0x0], $0xffff  }
0x1d1: {  	s22 =	sadd.s32 $0x271, s18;
	v34 =	vmov s21;
	v26 =	vmov s19;
	v25 =	vmov s20;
	v22 =	vld.idx.msk [tilespmem:v27+s12+$0x0], $0xffff  }
0x1d2: {  	s18 =	sadd.s32 $0x275, s18;
	v29 =	vadd.f32 v20, v19;
	v27 =	vmov s22;
	v30 =	vadd.f32 v30, v28;
	v23 =	vld.idx.msk [tilespmem:v31+s12+$0x0], $0xffff  }
0x1d3: {  	s17 =	sadd.s32 $0x28, s17;
	v24 =	vshll.u32 v33, $0x4;
	v20 =	vshll.u32 v34, $0x4;
	v28 =	vmov s18;
	v19 =	vld.idx.msk [tilespmem:v32+s12+$0x0], $0xffff  }
0x1d4: {  	v26 =	vshll.u32 v26, $0x4  }
0x1d5: {  	v15 =	vadd.f32 v15, v29;
	v16 =	vadd.f32 v16, v30;
	v27 =	vshll.u32 v27, $0x4  }
0x1d6: {  	v28 =	vshll.u32 v28, $0x4;
	v25 =	vshll.u32 v25, $0x4;
	v27 =	vadd.s32 v0, v27  }
0x1d7: {  	v57 =	vadd.s32 v0, v24;
	v53 =	vadd.s32 v0, v28;
	v52 =	vor.u32 v1, v27  }
0x1d8: {  	v54 =	vadd.s32 v0, v26;
	v15 =	vadd.f32 v18, v15;
	v55 =	vor.u32 v1, v53  }
0x1d9: {  	v56 =	vadd.s32 v0, v25;
	v16 =	vadd.f32 v21, v16;
	v21 =	vor.u32 v1, v54  }
0x1da: {  	v20 =	vadd.s32 v0, v20;
	v15 =	vadd.f32 v22, v15;
	v22 =	vor.u32 v1, v56  }
0x1db: {  	v17 =	vld.idx.msk [tilespmem:v17+s12+$0x0], $0xffff;
	v14 =	vshll.u32 v14, $0x4;
	v13 =	vshll.u32 v13, $0x4;
	v20 =	vor.u32 v1, v20  }
0x1dc: {  	v14 =	vadd.s32 v0, v14;
	v16 =	vadd.f32 v23, v16;
	v23 =	vor.u32 v1, v57;
	v18 =	vld.idx.msk [tilespmem:v52+s12+$0x0], $0xffff  }
0x1dd: {  	v12 =	vshll.u32 v12, $0x4;
	v13 =	vadd.s32 v0, v13;
	v14 =	vor.u32 v1, v14;
	v58 =	vld.idx.msk [tilespmem:v55+s12+$0x0], $0xffff  }
0x1de: {  	v11 =	vshll.u32 v11, $0x4;
	v12 =	vadd.s32 v0, v12;
	v13 =	vor.u32 v1, v13;
	v21 =	vld.idx.msk [tilespmem:v21+s12+$0x0], $0xffff  }
0x1df: {  	v11 =	vadd.s32 v0, v11;
	v12 =	vor.u32 v1, v12;
	v22 =	vld.idx.msk [tilespmem:v22+s12+$0x0], $0xffff  }
0x1e0: {  	v11 =	vor.u32 v1, v11;
	v15 =	vadd.f32 v19, v15;
	v16 =	vadd.f32 v17, v16;
	v60 =	vld.idx.msk [tilespmem:v20+s12+$0x0], $0xffff  }
0x1e1: {  	v59 =	vld.idx.msk [tilespmem:v23+s12+$0x0], $0xffff  }
0x1e2: {  	v14 =	vld.idx.msk [tilespmem:v14+s12+$0x0], $0xffff;
	v15 =	vadd.f32 v18, v15;
	v16 =	vadd.f32 v58, v16  }
0x1e3: {  	v13 =	vld.idx.msk [tilespmem:v13+s12+$0x0], $0xffff  }
0x1e4: {  	v12 =	vld.idx.msk [tilespmem:v12+s12+$0x0], $0xffff;
	v15 =	vadd.f32 v21, v15;
	v16 =	vadd.f32 v22, v16  }
0x1e5: {  	v11 =	vld.idx.msk [tilespmem:v11+s12+$0x0], $0xffff  }
0x1e6: {  	v15 =	vadd.f32 v59, v15;
	v16 =	vadd.f32 v60, v16;
	_ =	sdelay $0x1  }
0x1e7: {  	v14 =	vadd.f32 v14, v15;
	v13 =	vadd.f32 v13, v16;
	_ =	sdelay $0x1  }
0x1e8: {  	v12 =	vadd.f32 v12, v14;
	v11 =	vadd.f32 v11, v13;
	_ =	sdelay $0x1  }
0x1e9: {  	v11 =	vadd.f32 v11, v12;
	_ =	sdelay $0x1  }
0x1ea: {  	[tilespmem:$0x1C200] =	vst v11  }
0x1eb: {  	v61 =	vld.idx.msk [tilespmem:v2+s6+$0x0], $0xffff;
	_ =	sdelay $0x4  }
0x1ec: {  	v11 =	vadd.f32 v61, v11;
	_ =	sdelay $0x1  }
0x1ed: {  	[tilespmem:$0x1C200] =	vst v11  }
0x1ee: {  	v62 =	vld.idx.msk [tilespmem:v3+s6+$0x0], $0xffff;
	_ =	sdelay $0x3  }
0x1ef: {  	s17 =	sshll.u32 s16, $0x4;
	s16 =	sadd.s32 $0x1, s16  }
0x1f0: {  	v9 =	vadd.f32 v10, v9;
	p0 =	sne.s32 s16, $0x4;
	v63 =	vadd.f32 v62, v11  }
.Ltmp4:
0x1f1: {  	v7 =	vadd.f32 v8, v7;
	(pc) =	sbr.rel @p0 .LBB2_3-.Ltmp4, $4  }
0x1f2: {  	v5 =	vadd.f32 v6, v5;
	v6 =	vsel vm0, v9, v63  }
0x1f3: {  	v6 =	vsel vm1, v7, v6  }
0x1f4: {  	s17 =	sand.u32 $0x3FFFFFF0, s17;
	v5 =	vsel vm2, v5, v6  }
0x1f5: {  	s15 =	sadd.s32 $0x340, s15;
	[tilespmem:v4+s17+$0x0 ss:$0x1] =	vst.idx.msk $0xffff, v5  }
0x1f6: {  	p0 =	seq.s32 s9, $0xF  }
.Ltmp5:
0x1f7: {  	_ = 	snop;
	(pc) =	sbr.rel @p0 .LBB2_14-.Ltmp5, $1  }
0x1f8: {  	_ =	sdelay $0x3  }
0x1f9: {  	s15 =	sshll.u32 s9, $0x5;
	s16 =	rddreg [dreg:$0x4]  }
0x1fa: {  	s15 =	sadd.s32 s15, s16  }
0x1fb: {  	s15 =	smul.u32 $0x1A, s15;
	_ =	sdelay $0x1  }
0x1fc: {  	s15 =	sadd.s32 s3, s15  }
0x1fd: {  	[tilespmem:s2], [sflag:$0x3] =	stream.linear.gather [hbm4b:s15+s2], $0xD00, $0x38;
	[tilespmem:$0x1C210] =	vst v63  }
0x1fe: {  	_ =	swait.ge [sflag:s10], $0xD00  }
0x1ff: {  	[sflag:s10] =	ssyncset.done $0x0  }
0x200: {  	[sflag:s10] =	ssyncadd.s32 $0xFFFFF300  }
0x201: {  	[tilespmem:s12], [sflag:$0x1] =	stream.indirect.gather [hbm4b:s4+s11], $0x10, s2, s11, $0xb8;
	[tilespmem:$0x1C210] =	vst v63  }
0x202: {  	s19 =	simm.s32 $0x2200  }
0x203: {  	[tilespmem:s19], [sflag:$0x1] =	stream.indirect.gather [hbm4b:s4+s13], $0x10, s11, s13, $0xb8;
	[tilespmem:$0x1C210] =	vst v63  }
0x204: {  	s20 =	simm.s32 $0xD0;
	s21 =	simm.s32 $0x2700  }
0x205: {  	[tilespmem:s21], [sflag:$0x1] =	stream.indirect.gather [hbm4b:s4+s11], $0x10, s20, s11, $0xb8;
	[tilespmem:$0x1C210] =	vst v63  }
0x206: {  	s22 =	simm.s32 $0x150;
	s23 =	simm.s32 $0x2F00  }
0x207: {  	[tilespmem:s23], [sflag:$0x1] =	stream.indirect.gather [hbm4b:s4+s13], $0x10, s22, s13, $0xb8;
	[tilespmem:$0x1C210] =	vst v63  }
0x208: {  	s17 =	simm.s32 $0x3400;
	s16 =	simm.s32 $0x1A0  }
0x209: {  	[tilespmem:s17], [sflag:$0x1] =	stream.indirect.gather [hbm4b:s4+s11], $0x10, s16, s11, $0xb8;
	[tilespmem:$0x1C210] =	vst v63  }
0x20a: {  	s18 =	simm.s32 $0x220;
	s19 =	simm.s32 $0x3C00  }
0x20b: {  	[tilespmem:s19], [sflag:$0x1] =	stream.indirect.gather [hbm4b:s4+s13], $0x10, s18, s13, $0xb8;
	[tilespmem:$0x1C210] =	vst v63  }
0x20c: {  	s20 =	simm.s32 $0x270;
	s21 =	simm.s32 $0x4100  }
0x20d: {  	[tilespmem:s21], [sflag:$0x1] =	stream.indirect.gather [hbm4b:s4+s11], $0x10, s20, s11, $0xb8;
	[tilespmem:$0x1C210] =	vst v63  }
0x20e: {  	s22 =	simm.s32 $0x2F0;
	s23 =	simm.s32 $0x4900  }
0x20f: {  	[tilespmem:s23], [sflag:$0x1] =	stream.indirect.gather [hbm4b:s4+s13], $0x10, s22, s13, $0xb8;
	[tilespmem:$0x1C210] =	vst v63  }
0x210: {  	s16 =	simm.s32 $0x340;
	s17 =	simm.s32 $0x4E00  }
0x211: {  	[tilespmem:s17], [sflag:$0x1] =	stream.indirect.gather [hbm4b:s4+s11], $0x10, s16, s11, $0xb8;
	[tilespmem:$0x1C210] =	vst v63  }
0x212: {  	s18 =	simm.s32 $0x3C0;
	s19 =	simm.s32 $0x5600  }
0x213: {  	[tilespmem:s19], [sflag:$0x1] =	stream.indirect.gather [hbm4b:s4+s13], $0x10, s18, s13, $0xb8;
	[tilespmem:$0x1C210] =	vst v63  }
0x214: {  	s20 =	simm.s32 $0x410;
	s21 =	simm.s32 $0x5B00  }
0x215: {  	[tilespmem:s21], [sflag:$0x1] =	stream.indirect.gather [hbm4b:s4+s11], $0x10, s20, s11, $0xb8;
	[tilespmem:$0x1C210] =	vst v63  }
0x216: {  	s22 =	simm.s32 $0x490;
	s23 =	simm.s32 $0x6300  }
0x217: {  	[tilespmem:s23], [sflag:$0x1] =	stream.indirect.gather [hbm4b:s4+s13], $0x10, s22, s13, $0xb8;
	[tilespmem:$0x1C210] =	vst v63  }
0x218: {  	s16 =	simm.s32 $0x4E0;
	s17 =	simm.s32 $0x6800  }
0x219: {  	[tilespmem:s17], [sflag:$0x1] =	stream.indirect.gather [hbm4b:s4+s11], $0x10, s16, s11, $0xb8;
	[tilespmem:$0x1C210] =	vst v63  }
0x21a: {  	s18 =	simm.s32 $0x560;
	s19 =	simm.s32 $0x7000  }
0x21b: {  	[tilespmem:s19], [sflag:$0x1] =	stream.indirect.gather [hbm4b:s4+s13], $0x10, s18, s13, $0xb8;
	[tilespmem:$0x1C210] =	vst v63  }
0x21c: {  	s20 =	simm.s32 $0x5B0;
	s21 =	simm.s32 $0x7500  }
0x21d: {  	[tilespmem:s21], [sflag:$0x1] =	stream.indirect.gather [hbm4b:s4+s11], $0x10, s20, s11, $0xb8;
	[tilespmem:$0x1C210] =	vst v63  }
0x21e: {  	s22 =	simm.s32 $0x630;
	s23 =	simm.s32 $0x7D00  }
0x21f: {  	[tilespmem:s23], [sflag:$0x1] =	stream.indirect.gather [hbm4b:s4+s13], $0x10, s22, s13, $0xb8;
	[tilespmem:$0x1C210] =	vst v63  }
0x220: {  	s16 =	simm.s32 $0x680;
	s17 =	simm.s32 $0x8200  }
0x221: {  	[tilespmem:s17], [sflag:$0x1] =	stream.indirect.gather [hbm4b:s4+s11], $0x10, s16, s11, $0xb8;
	[tilespmem:$0x1C210] =	vst v63  }
0x222: {  	s18 =	simm.s32 $0x700;
	s19 =	simm.s32 $0x8A00  }
0x223: {  	[tilespmem:s19], [sflag:$0x1] =	stream.indirect.gather [hbm4b:s4+s13], $0x10, s18, s13, $0xb8;
	[tilespmem:$0x1C210] =	vst v63  }
0x224: {  	s20 =	simm.s32 $0x750;
	s21 =	simm.s32 $0x8F00  }
0x225: {  	[tilespmem:s21], [sflag:$0x1] =	stream.indirect.gather [hbm4b:s4+s11], $0x10, s20, s11, $0xb8;
	[tilespmem:$0x1C210] =	vst v63  }
0x226: {  	s22 =	simm.s32 $0x7D0;
	s23 =	simm.s32 $0x9700  }
0x227: {  	[tilespmem:s23], [sflag:$0x1] =	stream.indirect.gather [hbm4b:s4+s13], $0x10, s22, s13, $0xb8;
	[tilespmem:$0x1C210] =	vst v63  }
0x228: {  	s16 =	simm.s32 $0x820;
	s17 =	simm.s32 $0x9C00  }
0x229: {  	[tilespmem:s17], [sflag:$0x1] =	stream.indirect.gather [hbm4b:s4+s11], $0x10, s16, s11, $0xb8;
	[tilespmem:$0x1C210] =	vst v63  }
0x22a: {  	s18 =	simm.s32 $0x8A0;
	s19 =	simm.s32 $0xA400  }
0x22b: {  	[tilespmem:s19], [sflag:$0x1] =	stream.indirect.gather [hbm4b:s4+s13], $0x10, s18, s13, $0xb8;
	[tilespmem:$0x1C210] =	vst v63  }
0x22c: {  	s20 =	simm.s32 $0x8F0;
	s21 =	simm.s32 $0xA900  }
0x22d: {  	[tilespmem:s21], [sflag:$0x1] =	stream.indirect.gather [hbm4b:s4+s11], $0x10, s20, s11, $0xb8;
	[tilespmem:$0x1C210] =	vst v63  }
0x22e: {  	s22 =	simm.s32 $0x970;
	s23 =	simm.s32 $0xB100  }
0x22f: {  	[tilespmem:s23], [sflag:$0x1] =	stream.indirect.gather [hbm4b:s4+s13], $0x10, s22, s13, $0xb8;
	[tilespmem:$0x1C210] =	vst v63  }
0x230: {  	s16 =	simm.s32 $0x9C0;
	s17 =	simm.s32 $0xB600  }
0x231: {  	[tilespmem:s17], [sflag:$0x1] =	stream.indirect.gather [hbm4b:s4+s11], $0x10, s16, s11, $0xb8;
	[tilespmem:$0x1C210] =	vst v63  }
0x232: {  	s18 =	simm.s32 $0xA40;
	s19 =	simm.s32 $0xBE00  }
0x233: {  	[tilespmem:s19], [sflag:$0x1] =	stream.indirect.gather [hbm4b:s4+s13], $0x10, s18, s13, $0xb8;
	[tilespmem:$0x1C210] =	vst v63  }
0x234: {  	s20 =	simm.s32 $0xA90;
	s21 =	simm.s32 $0xC300  }
0x235: {  	[tilespmem:s21], [sflag:$0x1] =	stream.indirect.gather [hbm4b:s4+s11], $0x10, s20, s11, $0xb8;
	[tilespmem:$0x1C210] =	vst v63  }
0x236: {  	s22 =	simm.s32 $0xB10;
	s23 =	simm.s32 $0xCB00  }
0x237: {  	[tilespmem:s23], [sflag:$0x1] =	stream.indirect.gather [hbm4b:s4+s13], $0x10, s22, s13, $0xb8;
	[tilespmem:$0x1C210] =	vst v63  }
0x238: {  	s16 =	simm.s32 $0xB60;
	s17 =	simm.s32 $0xD000  }
0x239: {  	[tilespmem:s17], [sflag:$0x1] =	stream.indirect.gather [hbm4b:s4+s11], $0x10, s16, s11, $0xb8;
	[tilespmem:$0x1C210] =	vst v63  }
0x23a: {  	s18 =	simm.s32 $0xBE0;
	s19 =	simm.s32 $0xD800  }
0x23b: {  	[tilespmem:s19], [sflag:$0x1] =	stream.indirect.gather [hbm4b:s4+s13], $0x10, s18, s13, $0xb8;
	[tilespmem:$0x1C210] =	vst v63  }
0x23c: {  	s20 =	simm.s32 $0xC30;
	s21 =	simm.s32 $0xDD00  }
0x23d: {  	[tilespmem:s21], [sflag:$0x1] =	stream.indirect.gather [hbm4b:s4+s11], $0x10, s20, s11, $0xb8;
	[tilespmem:$0x1C210] =	vst v63  }
0x23e: {  	s22 =	simm.s32 $0xCB0;
	s23 =	simm.s32 $0xE500  }
0x23f: {  	[tilespmem:s23], [sflag:$0x1] =	stream.indirect.gather [hbm4b:s4+s13], $0x10, s22, s13, $0xb8;
	[tilespmem:$0x1C210] =	vst v63  }
.LBB2_14:
0x240: {  	_ =	swait.ge [sflag:s8], $0x800  }
0x241: {  	[sflag:s8] =	ssyncset.done $0x0  }
0x242: {  	[sflag:s8] =	ssyncadd.s32 $0xFFFFF800  }
0x243: {  	_ =	swait.ge [sflag:s8], $0x490  }
0x244: {  	[sflag:s8] =	ssyncset.done $0x0  }
0x245: {  	[sflag:s8] =	ssyncadd.s32 $0xFFFFFB70  }
0x246: {  	_ =	swait.ge [sflag:s8], $0x800  }
0x247: {  	[sflag:s8] =	ssyncset.done $0x0  }
0x248: {  	[sflag:s8] =	ssyncadd.s32 $0xFFFFF800  }
0x249: {  	_ =	swait.ge [sflag:s8], $0x490  }
0x24a: {  	[sflag:s8] =	ssyncset.done $0x0  }
0x24b: {  	[sflag:s8] =	ssyncadd.s32 $0xFFFFFB70  }
0x24c: {  	_ =	swait.ge [sflag:s8], $0x800  }
0x24d: {  	[sflag:s8] =	ssyncset.done $0x0  }
0x24e: {  	[sflag:s8] =	ssyncadd.s32 $0xFFFFF800  }
0x24f: {  	_ =	swait.ge [sflag:s8], $0x490  }
0x250: {  	[sflag:s8] =	ssyncset.done $0x0  }
0x251: {  	[sflag:s8] =	ssyncadd.s32 $0xFFFFFB70  }
0x252: {  	_ =	swait.ge [sflag:s8], $0x800  }
0x253: {  	[sflag:s8] =	ssyncset.done $0x0  }
0x254: {  	[sflag:s8] =	ssyncadd.s32 $0xFFFFF800  }
0x255: {  	_ =	swait.ge [sflag:s8], $0x490  }
0x256: {  	[sflag:s8] =	ssyncset.done $0x0  }
0x257: {  	[sflag:s8] =	ssyncadd.s32 $0xFFFFFB70  }
0x258: {  	_ =	swait.ge [sflag:s8], $0x800  }
0x259: {  	[sflag:s8] =	ssyncset.done $0x0  }
0x25a: {  	[sflag:s8] =	ssyncadd.s32 $0xFFFFF800  }
0x25b: {  	_ =	swait.ge [sflag:s8], $0x490  }
0x25c: {  	[sflag:s8] =	ssyncset.done $0x0  }
0x25d: {  	[sflag:s8] =	ssyncadd.s32 $0xFFFFFB70  }
0x25e: {  	_ =	swait.ge [sflag:s8], $0x800  }
0x25f: {  	[sflag:s8] =	ssyncset.done $0x0  }
0x260: {  	[sflag:s8] =	ssyncadd.s32 $0xFFFFF800  }
0x261: {  	_ =	swait.ge [sflag:s8], $0x490  }
0x262: {  	[sflag:s8] =	ssyncset.done $0x0  }
0x263: {  	[sflag:s8] =	ssyncadd.s32 $0xFFFFFB70  }
0x264: {  	_ =	swait.ge [sflag:s8], $0x800  }
0x265: {  	[sflag:s8] =	ssyncset.done $0x0  }
0x266: {  	[sflag:s8] =	ssyncadd.s32 $0xFFFFF800  }
0x267: {  	_ =	swait.ge [sflag:s8], $0x490  }
0x268: {  	[sflag:s8] =	ssyncset.done $0x0  }
0x269: {  	[sflag:s8] =	ssyncadd.s32 $0xFFFFFB70  }
0x26a: {  	_ =	swait.ge [sflag:s8], $0x800  }
0x26b: {  	[sflag:s8] =	ssyncset.done $0x0  }
0x26c: {  	[sflag:s8] =	ssyncadd.s32 $0xFFFFF800  }
0x26d: {  	_ =	swait.ge [sflag:s8], $0x490  }
0x26e: {  	[sflag:s8] =	ssyncset.done $0x0  }
0x26f: {  	[sflag:s8] =	ssyncadd.s32 $0xFFFFFB70  }
0x270: {  	_ =	swait.ge [sflag:s8], $0x800  }
0x271: {  	[sflag:s8] =	ssyncset.done $0x0  }
0x272: {  	[sflag:s8] =	ssyncadd.s32 $0xFFFFF800  }
0x273: {  	_ =	swait.ge [sflag:s8], $0x490  }
0x274: {  	[sflag:s8] =	ssyncset.done $0x0  }
0x275: {  	[sflag:s8] =	ssyncadd.s32 $0xFFFFFB70  }
0x276: {  	_ =	swait.ge [sflag:s8], $0x800  }
0x277: {  	[sflag:s8] =	ssyncset.done $0x0  }
0x278: {  	[sflag:s8] =	ssyncadd.s32 $0xFFFFF800  }
0x279: {  	_ =	swait.ge [sflag:s8], $0x490  }
0x27a: {  	[sflag:s8] =	ssyncset.done $0x0  }
0x27b: {  	[sflag:s8] =	ssyncadd.s32 $0xFFFFFB70  }
0x27c: {  	_ =	swait.ge [sflag:s8], $0x800  }
0x27d: {  	[sflag:s8] =	ssyncset.done $0x0  }
0x27e: {  	[sflag:s8] =	ssyncadd.s32 $0xFFFFF800  }
0x27f: {  	_ =	swait.ge [sflag:s8], $0x490  }
0x280: {  	[sflag:s8] =	ssyncset.done $0x0  }
0x281: {  	[sflag:s8] =	ssyncadd.s32 $0xFFFFFB70  }
0x282: {  	_ =	swait.ge [sflag:s8], $0x800  }
0x283: {  	[sflag:s8] =	ssyncset.done $0x0  }
0x284: {  	[sflag:s8] =	ssyncadd.s32 $0xFFFFF800  }
0x285: {  	_ =	swait.ge [sflag:s8], $0x490  }
0x286: {  	[sflag:s8] =	ssyncset.done $0x0  }
0x287: {  	[sflag:s8] =	ssyncadd.s32 $0xFFFFFB70  }
0x288: {  	_ =	swait.ge [sflag:s8], $0x800  }
0x289: {  	[sflag:s8] =	ssyncset.done $0x0  }
0x28a: {  	[sflag:s8] =	ssyncadd.s32 $0xFFFFF800  }
0x28b: {  	_ =	swait.ge [sflag:s8], $0x490  }
0x28c: {  	[sflag:s8] =	ssyncset.done $0x0  }
0x28d: {  	[sflag:s8] =	ssyncadd.s32 $0xFFFFFB70  }
0x28e: {  	_ =	swait.ge [sflag:s8], $0x800  }
0x28f: {  	[sflag:s8] =	ssyncset.done $0x0  }
0x290: {  	[sflag:s8] =	ssyncadd.s32 $0xFFFFF800  }
0x291: {  	_ =	swait.ge [sflag:s8], $0x490  }
0x292: {  	[sflag:s8] =	ssyncset.done $0x0  }
0x293: {  	[sflag:s8] =	ssyncadd.s32 $0xFFFFFB70  }
0x294: {  	_ =	swait.ge [sflag:s8], $0x800  }
0x295: {  	[sflag:s8] =	ssyncset.done $0x0  }
0x296: {  	[sflag:s8] =	ssyncadd.s32 $0xFFFFF800  }
0x297: {  	_ =	swait.ge [sflag:s8], $0x490  }
0x298: {  	[sflag:s8] =	ssyncset.done $0x0  }
0x299: {  	[sflag:s8] =	ssyncadd.s32 $0xFFFFFB70  }
0x29a: {  	_ =	swait.ge [sflag:s8], $0x800  }
0x29b: {  	[sflag:s8] =	ssyncset.done $0x0  }
0x29c: {  	s14 =	sshll.u32 s14, $0x6;
	[sflag:s8] =	ssyncadd.s32 $0xFFFFF800  }
0x29d: {  	s14 =	sand.u32 $0x3FFFFFC0, s14;
	_ =	swait.ge [sflag:s8], $0x490  }
0x29e: {  	s15 =	sadd.s32 $0x1BA00, s14;
	[sflag:s8] =	ssyncset.done $0x0  }
0x29f: {  	s14 =	simm.s32 $0x0;
	v4 =	vmov s15;
	s15 =	simm.s32 $0x0;
	[sflag:s8] =	ssyncadd.s32 $0xFFFFFB70  }
.LBB2_15:
0x2a0: {  	s16 =	sadd.s32 $0x0, s14  }
0x2a1: {  	s17 =	sadd.s32 $0x21, s16  }
0x2a2: {  	s18 =	sadd.s32 $0x25, s16;
	s19 =	sadd.s32 $0x11, s16;
	s20 =	sadd.s32 $0x19, s16;
	v5 =	vmov s17  }
0x2a3: {  	s21 =	sadd.s32 $0x9, s16;
	s22 =	sadd.s32 $0x1, s16;
	s23 =	sadd.s32 $0xD, s16;
	v6 =	vmov s18;
	v7 =	vmov s19;
	v8 =	vmov s20  }
0x2a4: {  	s17 =	sadd.s32 $0x1D, s16;
	v10 =	vmov s21;
	v11 =	vmov s22;
	s18 =	sadd.s32 $0x5, s16;
	v12 =	vmov s23  }
0x2a5: {  	s16 =	sadd.s32 $0x15, s16;
	v9 =	vmov s17;
	v13 =	vmov s18;
	v11 =	vshll.u32 v11, $0x4  }
0x2a6: {  	v14 =	vmov s16;
	v10 =	vshll.u32 v10, $0x4;
	v11 =	vadd.s32 v0, v11  }
0x2a7: {  	v13 =	vshll.u32 v13, $0x4;
	v10 =	vadd.s32 v0, v10;
	v11 =	vor.u32 v1, v11  }
0x2a8: {  	v12 =	vshll.u32 v12, $0x4;
	v13 =	vadd.s32 v0, v13;
	v10 =	vor.u32 v1, v10  }
0x2a9: {  	v7 =	vshll.u32 v7, $0x4;
	v12 =	vadd.s32 v0, v12;
	v13 =	vor.u32 v1, v13  }
0x2aa: {  	v8 =	vshll.u32 v8, $0x4;
	v7 =	vadd.s32 v0, v7;
	v12 =	vor.u32 v1, v12  }
0x2ab: {  	v14 =	vshll.u32 v14, $0x4;
	v8 =	vadd.s32 v0, v8;
	v7 =	vor.u32 v1, v7  }
0x2ac: {  	v9 =	vshll.u32 v9, $0x4;
	v14 =	vadd.s32 v0, v14;
	v16 =	vor.u32 v1, v8;
	v17 =	vld.idx.msk [tilespmem:v11+s1+$0x0], $0xffff  }
0x2ad: {  	v5 =	vshll.u32 v5, $0x4;
	v8 =	vadd.s32 v0, v9;
	v14 =	vor.u32 v1, v14;
	v9 =	vld.idx.msk [tilespmem:v10+s1+$0x0], $0xffff  }
0x2ae: {  	s16 =	sadd.s32 $0x28, s14;
	v6 =	vshll.u32 v6, $0x4;
	v5 =	vadd.s32 v0, v5;
	v18 =	vor.u32 v1, v8;
	v13 =	vld.idx.msk [tilespmem:v13+s1+$0x0], $0xffff  }
0x2af: {  	v22 =	vimm.f32 $0.0e+00;
	s20 =	sadd.s32 $0x25, s16;
	s22 =	sadd.s32 $0x11, s16;
	v25 =	vor.u32 v1, v5;
	v8 =	vadd.s32 v0, v6;
	v10 =	vld.idx.msk [tilespmem:v12+s1+$0x0], $0xffff  }
0x2b0: {  	s19 =	sadd.s32 $0x21, s16;
	s17 =	sadd.s32 $0x9, s16;
	s18 =	sadd.s32 $0xD, s16;
	v5 =	vmov s20;
	v26 =	vmov s22;
	v12 =	vld.idx.msk [tilespmem:v7+s1+$0x0], $0xffff;
	v11 =	vor.u32 v1, v8  }
0x2b1: {  	s23 =	sadd.s32 $0x19, s16;
	s21 =	sadd.s32 $0x1D, s16;
	s22 =	sadd.s32 $0x15, s16;
	v20 =	vmov s17;
	v19 =	vmov s18;
	v6 =	vmov s19;
	v16 =	vld.idx.msk [tilespmem:v16+s1+$0x0], $0xffff  }
0x2b2: {  	v8 =	vmov s23;
	v7 =	vmov s21;
	s23 =	sadd.s32 $0x1, s16;
	v15 =	vld.idx.msk [tilespmem:v14+s1+$0x0], $0xffff;
	v14 =	vmov s22  }
0x2b3: {  	s16 =	sadd.s32 $0x5, s16;
	v21 =	vmov s23;
	v23 =	vadd.f32 v17, v22;
	v17 =	vld.idx.msk [tilespmem:v18+s1+$0x0], $0xffff;
	v24 =	vadd.f32 v13, v22  }
0x2b4: {  	v14 =	vshll.u32 v14, $0x4;
	v18 =	vshll.u32 v26, $0x4;
	v22 =	vmov s16;
	s16 =	simm.s32 $0x50;
	v13 =	vld.idx.msk [tilespmem:v25+s1+$0x0], $0xffff  }
.LBB2_16:
0x2b5: {  	p0 =	sne.s32 s16, $0xA0;
	v20 =	vshll.u32 v20, $0x4;
	v9 =	vadd.f32 v9, v23;
	v10 =	vadd.f32 v10, v24;
	v11 =	vld.idx.msk [tilespmem:v11+s1+$0x0], $0xffff  }
0x2b6: {  	v21 =	vshll.u32 v21, $0x4;
	v22 =	vshll.u32 v22, $0x4;
	v19 =	vshll.u32 v19, $0x4  }
0x2b7: {  	v21 =	vadd.s32 v0, v21;
	v9 =	vadd.f32 v12, v9;
	v10 =	vadd.f32 v15, v10  }
0x2b8: {  	v20 =	vadd.s32 v0, v20;
	v12 =	vor.u32 v1, v21;
	v15 =	vadd.s32 v0, v22  }
0x2b9: {  	v15 =	vor.u32 v1, v15;
	v9 =	vadd.f32 v16, v9;
	v10 =	vadd.f32 v17, v10  }
0x2ba: {  	v18 =	vadd.s32 v0, v18;
	v16 =	vor.u32 v1, v20;
	v17 =	vadd.s32 v0, v19  }
0x2bb: {  	v17 =	vor.u32 v1, v17;
	v13 =	vadd.f32 v13, v9;
	v22 =	vadd.f32 v11, v10  }
0x2bc: {  	v8 =	vshll.u32 v8, $0x4;
	v11 =	vor.u32 v1, v18;
	v9 =	vadd.s32 v0, v14  }
0x2bd: {  	v7 =	vshll.u32 v7, $0x4;
	v8 =	vadd.s32 v0, v8;
	v18 =	vor.u32 v1, v9;
	v14 =	vld.idx.msk [tilespmem:v12+s1+$0x0], $0xffff  }
0x2be: {  	v6 =	vshll.u32 v6, $0x4;
	v7 =	vadd.s32 v0, v7;
	v21 =	vor.u32 v1, v8;
	v24 =	vld.idx.msk [tilespmem:v15+s1+$0x0], $0xffff  }
0x2bf: {  	s17 =	sadd.s32 s16, s14;
	v5 =	vshll.u32 v5, $0x4;
	v6 =	vadd.s32 v0, v6;
	v25 =	vor.u32 v1, v7;
	v9 =	vld.idx.msk [tilespmem:v16+s1+$0x0], $0xffff  }
0x2c0: {  	s18 =	sadd.s32 $0x21, s17;
	s19 =	sadd.s32 $0x25, s17;
	s20 =	sadd.s32 $0x11, s17;
	v26 =	vor.u32 v1, v6;
	v7 =	vadd.s32 v0, v5;
	v10 =	vld.idx.msk [tilespmem:v17+s1+$0x0], $0xffff  }
.Ltmp6:
0x2c1: {  	s21 =	sadd.s32 $0x19, s17;
	s22 =	sadd.s32 $0x1D, s17;
	v6 =	vmov s18;
	v5 =	vmov s19;
	v12 =	vld.idx.msk [tilespmem:v11+s1+$0x0], $0xffff;
	v11 =	vor.u32 v1, v7;
	(pc) =	sbr.rel @p0 .LBB2_16-.Ltmp6, $4  }
0x2c2: {  	s18 =	sadd.s32 $0x9, s17;
	s19 =	sadd.s32 $0xD, s17;
	v27 =	vmov s20;
	s20 =	sadd.s32 $0x15, s17;
	v8 =	vmov s21;
	v7 =	vmov s22;
	v15 =	vld.idx.msk [tilespmem:v18+s1+$0x0], $0xffff  }
0x2c3: {  	s21 =	sadd.s32 $0x1, s17;
	v28 =	vmov s20;
	v20 =	vmov s18;
	v19 =	vmov s19;
	v16 =	vld.idx.msk [tilespmem:v21+s1+$0x0], $0xffff  }
0x2c4: {  	s17 =	sadd.s32 $0x5, s17;
	v23 =	vadd.f32 v14, v13;
	v21 =	vmov s21;
	v24 =	vadd.f32 v24, v22;
	v17 =	vld.idx.msk [tilespmem:v25+s1+$0x0], $0xffff  }
0x2c5: {  	s16 =	sadd.s32 $0x28, s16;
	v18 =	vshll.u32 v27, $0x4;
	v14 =	vshll.u32 v28, $0x4;
	v22 =	vmov s17;
	v13 =	vld.idx.msk [tilespmem:v26+s1+$0x0], $0xffff  }
0x2c6: {  	v20 =	vshll.u32 v20, $0x4  }
0x2c7: {  	v9 =	vadd.f32 v9, v23;
	v10 =	vadd.f32 v10, v24;
	v21 =	vshll.u32 v21, $0x4  }
0x2c8: {  	v22 =	vshll.u32 v22, $0x4;
	v19 =	vshll.u32 v19, $0x4;
	v21 =	vadd.s32 v0, v21  }
0x2c9: {  	v9 =	vadd.f32 v12, v9;
	v12 =	vor.u32 v1, v21;
	v21 =	vadd.s32 v0, v22  }
0x2ca: {  	v10 =	vadd.f32 v15, v10;
	v15 =	vadd.s32 v0, v20;
	v20 =	vor.u32 v1, v21  }
0x2cb: {  	v15 =	vor.u32 v1, v15;
	v9 =	vadd.f32 v16, v9;
	v16 =	vadd.s32 v0, v19  }
0x2cc: {  	v14 =	vadd.s32 v0, v14;
	v8 =	vshll.u32 v8, $0x4;
	v16 =	vor.u32 v1, v16  }
0x2cd: {  	v11 =	vld.idx.msk [tilespmem:v11+s1+$0x0], $0xffff;
	v14 =	vor.u32 v1, v14;
	v10 =	vadd.f32 v17, v10;
	v17 =	vadd.s32 v0, v18  }
0x2ce: {  	v7 =	vshll.u32 v7, $0x4;
	v8 =	vadd.s32 v0, v8;
	v17 =	vor.u32 v1, v17;
	v12 =	vld.idx.msk [tilespmem:v12+s1+$0x0], $0xffff  }
0x2cf: {  	v6 =	vshll.u32 v6, $0x4;
	v7 =	vadd.s32 v0, v7;
	v8 =	vor.u32 v1, v8;
	v18 =	vld.idx.msk [tilespmem:v20+s1+$0x0], $0xffff  }
0x2d0: {  	v5 =	vshll.u32 v5, $0x4;
	v6 =	vadd.s32 v0, v6;
	v7 =	vor.u32 v1, v7;
	v15 =	vld.idx.msk [tilespmem:v15+s1+$0x0], $0xffff  }
0x2d1: {  	v5 =	vadd.s32 v0, v5;
	v6 =	vor.u32 v1, v6;
	v16 =	vld.idx.msk [tilespmem:v16+s1+$0x0], $0xffff  }
0x2d2: {  	v5 =	vor.u32 v1, v5;
	v9 =	vadd.f32 v13, v9;
	v10 =	vadd.f32 v11, v10;
	v13 =	vld.idx.msk [tilespmem:v14+s1+$0x0], $0xffff  }
0x2d3: {  	v11 =	vld.idx.msk [tilespmem:v17+s1+$0x0], $0xffff  }
0x2d4: {  	v8 =	vld.idx.msk [tilespmem:v8+s1+$0x0], $0xffff;
	v9 =	vadd.f32 v12, v9;
	v10 =	vadd.f32 v18, v10  }
0x2d5: {  	v7 =	vld.idx.msk [tilespmem:v7+s1+$0x0], $0xffff  }
0x2d6: {  	v6 =	vld.idx.msk [tilespmem:v6+s1+$0x0], $0xffff;
	v9 =	vadd.f32 v15, v9;
	v10 =	vadd.f32 v16, v10  }
0x2d7: {  	v5 =	vld.idx.msk [tilespmem:v5+s1+$0x0], $0xffff  }
0x2d8: {  	v9 =	vadd.f32 v11, v9;
	v10 =	vadd.f32 v13, v10;
	_ =	sdelay $0x1  }
0x2d9: {  	v8 =	vadd.f32 v8, v9;
	v7 =	vadd.f32 v7, v10;
	_ =	sdelay $0x1  }
0x2da: {  	s16 =	sadd.s32 $0x0, s14;
	v6 =	vadd.f32 v6, v8;
	v5 =	vadd.f32 v5, v7  }
0x2db: {  	s22 =	sadd.s32 $0xD1, s16  }
0x2dc: {  	v12 =	vmov s22;
	v5 =	vadd.f32 v5, v6  }
0x2dd: {  	v12 =	vshll.u32 v12, $0x4  }
0x2de: {  	s21 =	sadd.s32 $0xD9, s16;
	s23 =	sadd.s32 $0xDD, s16;
	v12 =	vadd.s32 v0, v12;
	[tilespmem:$0x1C200] =	vst v5  }
0x2df: {  	s18 =	sadd.s32 $0xF5, s16;
	s20 =	sadd.s32 $0xE9, s16;
	v12 =	vor.u32 v1, v12;
	v11 =	vmov s21;
	v13 =	vmov s23;
	v6 =	vld.idx.msk [tilespmem:v2+s6+$0x0], $0xffff  }
0x2e0: {  	v11 =	vshll.u32 v11, $0x4;
	v9 =	vmov s20;
	v8 =	vmov s18;
	s18 =	sadd.s32 $0xD5, s16  }
0x2e1: {  	v13 =	vshll.u32 v13, $0x4;
	v11 =	vadd.s32 v0, v11;
	v14 =	vmov s18  }
0x2e2: {  	s17 =	sadd.s32 $0xF1, s16;
	v11 =	vor.u32 v1, v11;
	v13 =	vadd.s32 v0, v13;
	v14 =	vshll.u32 v14, $0x4  }
0x2e3: {  	s19 =	sadd.s32 $0xE1, s16;
	v9 =	vshll.u32 v9, $0x4;
	v7 =	vmov s17;
	s17 =	sadd.s32 $0xED, s16;
	s16 =	sadd.s32 $0xE5, s16;
	v14 =	vadd.s32 v0, v14  }
0x2e4: {  	v15 =	vmov s16;
	v14 =	vor.u32 v1, v14;
	v5 =	vadd.f32 v6, v5  }
0x2e5: {  	v13 =	vor.u32 v1, v13;
	v15 =	vshll.u32 v15, $0x4;
	v6 =	vmov s19  }
0x2e6: {  	v9 =	vadd.s32 v0, v9;
	v15 =	vadd.s32 v0, v15;
	v6 =	vshll.u32 v6, $0x4;
	[tilespmem:$0x1C200] =	vst v5  }
0x2e7: {  	v10 =	vmov s17;
	v15 =	vor.u32 v1, v15;
	v16 =	vadd.s32 v0, v6;
	v6 =	vld.idx.msk [tilespmem:v3+s6+$0x0], $0xffff  }
0x2e8: {  	v18 =	vor.u32 v1, v9;
	v10 =	vshll.u32 v10, $0x4;
	v19 =	vld.idx.msk [tilespmem:v12+s1+$0x0], $0xffff  }
0x2e9: {  	v7 =	vshll.u32 v7, $0x4;
	v9 =	vadd.s32 v0, v10;
	v16 =	vor.u32 v1, v16;
	v20 =	vld.idx.msk [tilespmem:v14+s1+$0x0], $0xffff  }
0x2ea: {  	v8 =	vshll.u32 v8, $0x4;
	s16 =	sadd.s32 $0x28, s14;
	v7 =	vadd.s32 v0, v7;
	v24 =	vor.u32 v1, v9;
	v11 =	vld.idx.msk [tilespmem:v11+s1+$0x0], $0xffff  }
0x2eb: {  	v26 =	vimm.f32 $0.0e+00;
	s20 =	sadd.s32 $0xF5, s16;
	s23 =	sadd.s32 $0xE9, s16;
	v27 =	vor.u32 v1, v7;
	v9 =	vadd.s32 v0, v8;
	v12 =	vld.idx.msk [tilespmem:v13+s1+$0x0], $0xffff  }
0x2ec: {  	s17 =	sadd.s32 $0xD9, s16;
	s18 =	sadd.s32 $0xDD, s16;
	v7 =	vmov s20;
	v10 =	vmov s23;
	s23 =	sadd.s32 $0xD1, s16;
	v13 =	vor.u32 v1, v9;
	v17 =	vld.idx.msk [tilespmem:v15+s1+$0x0], $0xffff  }
0x2ed: {  	s22 =	sadd.s32 $0xE1, s16;
	s21 =	sadd.s32 $0xED, s16;
	v22 =	vmov s17;
	v21 =	vmov s18;
	v23 =	vmov s23;
	s19 =	sadd.s32 $0xF1, s16;
	v18 =	vld.idx.msk [tilespmem:v18+s1+$0x0], $0xffff  }
0x2ee: {  	v8 =	vmov s19;
	v9 =	vmov s21;
	v14 =	vld.idx.msk [tilespmem:v16+s1+$0x0], $0xffff;
	v16 =	vmov s22;
	s22 =	sadd.s32 $0xE5, s16  }
0x2ef: {  	s16 =	sadd.s32 $0xD5, s16;
	v25 =	vadd.f32 v19, v26;
	v26 =	vadd.f32 v20, v26;
	v19 =	vld.idx.msk [tilespmem:v24+s1+$0x0], $0xffff;
	v15 =	vmov s22  }
0x2f0: {  	v24 =	vmov s16;
	v20 =	vshll.u32 v16, $0x4;
	s16 =	simm.s32 $0x50;
	v16 =	vshll.u32 v15, $0x4;
	v15 =	vld.idx.msk [tilespmem:v27+s1+$0x0], $0xffff  }
.LBB2_18:
0x2f1: {  	p0 =	sne.s32 s16, $0xA0;
	v22 =	vshll.u32 v22, $0x4;
	v11 =	vadd.f32 v11, v25;
	v12 =	vadd.f32 v12, v26;
	v13 =	vld.idx.msk [tilespmem:v13+s1+$0x0], $0xffff  }
0x2f2: {  	v23 =	vshll.u32 v23, $0x4;
	v24 =	vshll.u32 v24, $0x4;
	v21 =	vshll.u32 v21, $0x4  }
0x2f3: {  	v23 =	vadd.s32 v0, v23;
	v11 =	vadd.f32 v14, v11;
	v12 =	vadd.f32 v17, v12  }
0x2f4: {  	v22 =	vadd.s32 v0, v22;
	v14 =	vor.u32 v1, v23;
	v17 =	vadd.s32 v0, v24  }
0x2f5: {  	v17 =	vor.u32 v1, v17;
	v11 =	vadd.f32 v18, v11;
	v12 =	vadd.f32 v19, v12  }
0x2f6: {  	v20 =	vadd.s32 v0, v20;
	v18 =	vor.u32 v1, v22;
	v19 =	vadd.s32 v0, v21  }
0x2f7: {  	v19 =	vor.u32 v1, v19;
	v15 =	vadd.f32 v15, v11;
	v24 =	vadd.f32 v13, v12  }
0x2f8: {  	v10 =	vshll.u32 v10, $0x4;
	v13 =	vor.u32 v1, v20;
	v11 =	vadd.s32 v0, v16  }
0x2f9: {  	v9 =	vshll.u32 v9, $0x4;
	v10 =	vadd.s32 v0, v10;
	v20 =	vor.u32 v1, v11;
	v16 =	vld.idx.msk [tilespmem:v14+s1+$0x0], $0xffff  }
0x2fa: {  	v8 =	vshll.u32 v8, $0x4;
	v9 =	vadd.s32 v0, v9;
	v23 =	vor.u32 v1, v10;
	v26 =	vld.idx.msk [tilespmem:v17+s1+$0x0], $0xffff  }
0x2fb: {  	s17 =	sadd.s32 s16, s14;
	v7 =	vshll.u32 v7, $0x4;
	v8 =	vadd.s32 v0, v8;
	v27 =	vor.u32 v1, v9;
	v11 =	vld.idx.msk [tilespmem:v18+s1+$0x0], $0xffff  }
0x2fc: {  	s18 =	sadd.s32 $0xF1, s17;
	s19 =	sadd.s32 $0xF5, s17;
	s20 =	sadd.s32 $0xE1, s17;
	v28 =	vor.u32 v1, v8;
	v9 =	vadd.s32 v0, v7;
	v12 =	vld.idx.msk [tilespmem:v19+s1+$0x0], $0xffff  }
.Ltmp7:
0x2fd: {  	s21 =	sadd.s32 $0xE9, s17;
	s22 =	sadd.s32 $0xED, s17;
	v8 =	vmov s18;
	v7 =	vmov s19;
	v14 =	vld.idx.msk [tilespmem:v13+s1+$0x0], $0xffff;
	v13 =	vor.u32 v1, v9;
	(pc) =	sbr.rel @p0 .LBB2_18-.Ltmp7, $4  }
0x2fe: {  	s18 =	sadd.s32 $0xD9, s17;
	s19 =	sadd.s32 $0xDD, s17;
	v29 =	vmov s20;
	s20 =	sadd.s32 $0xE5, s17;
	v10 =	vmov s21;
	v9 =	vmov s22;
	v17 =	vld.idx.msk [tilespmem:v20+s1+$0x0], $0xffff  }
0x2ff: {  	s21 =	sadd.s32 $0xD1, s17;
	v30 =	vmov s20;
	v22 =	vmov s18;
	v21 =	vmov s19;
	v18 =	vld.idx.msk [tilespmem:v23+s1+$0x0], $0xffff  }
0x300: {  	s17 =	sadd.s32 $0xD5, s17;
	v25 =	vadd.f32 v16, v15;
	v23 =	vmov s21;
	v26 =	vadd.f32 v26, v24;
	v19 =	vld.idx.msk [tilespmem:v27+s1+$0x0], $0xffff  }
0x301: {  	s16 =	sadd.s32 $0x28, s16;
	v20 =	vshll.u32 v29, $0x4;
	v16 =	vshll.u32 v30, $0x4;
	v24 =	vmov s17;
	v15 =	vld.idx.msk [tilespmem:v28+s1+$0x0], $0xffff  }
0x302: {  	v22 =	vshll.u32 v22, $0x4  }
0x303: {  	v11 =	vadd.f32 v11, v25;
	v12 =	vadd.f32 v12, v26;
	v23 =	vshll.u32 v23, $0x4  }
0x304: {  	v24 =	vshll.u32 v24, $0x4;
	v21 =	vshll.u32 v21, $0x4;
	v23 =	vadd.s32 v0, v23  }
0x305: {  	v11 =	vadd.f32 v14, v11;
	v14 =	vor.u32 v1, v23;
	v23 =	vadd.s32 v0, v24  }
0x306: {  	v12 =	vadd.f32 v17, v12;
	v17 =	vadd.s32 v0, v22;
	v22 =	vor.u32 v1, v23  }
0x307: {  	v17 =	vor.u32 v1, v17;
	v11 =	vadd.f32 v18, v11;
	v18 =	vadd.s32 v0, v21  }
0x308: {  	v16 =	vadd.s32 v0, v16;
	v10 =	vshll.u32 v10, $0x4;
	v18 =	vor.u32 v1, v18  }
0x309: {  	v13 =	vld.idx.msk [tilespmem:v13+s1+$0x0], $0xffff;
	v16 =	vor.u32 v1, v16;
	v12 =	vadd.f32 v19, v12;
	v19 =	vadd.s32 v0, v20  }
0x30a: {  	v9 =	vshll.u32 v9, $0x4;
	v10 =	vadd.s32 v0, v10;
	v19 =	vor.u32 v1, v19;
	v14 =	vld.idx.msk [tilespmem:v14+s1+$0x0], $0xffff  }
0x30b: {  	v8 =	vshll.u32 v8, $0x4;
	v9 =	vadd.s32 v0, v9;
	v10 =	vor.u32 v1, v10;
	v20 =	vld.idx.msk [tilespmem:v22+s1+$0x0], $0xffff  }
0x30c: {  	v7 =	vshll.u32 v7, $0x4;
	v8 =	vadd.s32 v0, v8;
	v9 =	vor.u32 v1, v9;
	v17 =	vld.idx.msk [tilespmem:v17+s1+$0x0], $0xffff  }
0x30d: {  	v7 =	vadd.s32 v0, v7;
	v8 =	vor.u32 v1, v8;
	v18 =	vld.idx.msk [tilespmem:v18+s1+$0x0], $0xffff  }
0x30e: {  	v7 =	vor.u32 v1, v7;
	v11 =	vadd.f32 v15, v11;
	v12 =	vadd.f32 v13, v12;
	v15 =	vld.idx.msk [tilespmem:v16+s1+$0x0], $0xffff  }
0x30f: {  	v13 =	vld.idx.msk [tilespmem:v19+s1+$0x0], $0xffff  }
0x310: {  	v10 =	vld.idx.msk [tilespmem:v10+s1+$0x0], $0xffff;
	v11 =	vadd.f32 v14, v11;
	v12 =	vadd.f32 v20, v12  }
0x311: {  	v9 =	vld.idx.msk [tilespmem:v9+s1+$0x0], $0xffff  }
0x312: {  	v8 =	vld.idx.msk [tilespmem:v8+s1+$0x0], $0xffff;
	v11 =	vadd.f32 v17, v11;
	v12 =	vadd.f32 v18, v12  }
0x313: {  	v7 =	vld.idx.msk [tilespmem:v7+s1+$0x0], $0xffff  }
0x314: {  	v11 =	vadd.f32 v13, v11;
	v12 =	vadd.f32 v15, v12;
	_ =	sdelay $0x1  }
0x315: {  	v10 =	vadd.f32 v10, v11;
	v9 =	vadd.f32 v9, v12;
	_ =	sdelay $0x1  }
0x316: {  	s16 =	sadd.s32 $0x0, s14;
	v8 =	vadd.f32 v8, v10;
	v7 =	vadd.f32 v7, v9  }
0x317: {  	s22 =	sadd.s32 $0x1A1, s16  }
0x318: {  	v14 =	vmov s22;
	v7 =	vadd.f32 v7, v8  }
0x319: {  	v14 =	vshll.u32 v14, $0x4  }
0x31a: {  	s21 =	sadd.s32 $0x1A9, s16;
	s23 =	sadd.s32 $0x1AD, s16;
	v14 =	vadd.s32 v0, v14;
	[tilespmem:$0x1C200] =	vst v7  }
0x31b: {  	s18 =	sadd.s32 $0x1C5, s16;
	s20 =	sadd.s32 $0x1B9, s16;
	v14 =	vor.u32 v1, v14;
	v13 =	vmov s21;
	v15 =	vmov s23;
	v8 =	vld.idx.msk [tilespmem:v2+s6+$0x0], $0xffff  }
0x31c: {  	v13 =	vshll.u32 v13, $0x4;
	v11 =	vmov s20;
	v10 =	vmov s18;
	s18 =	sadd.s32 $0x1A5, s16  }
0x31d: {  	v15 =	vshll.u32 v15, $0x4;
	v13 =	vadd.s32 v0, v13;
	v16 =	vmov s18  }
0x31e: {  	s17 =	sadd.s32 $0x1C1, s16;
	v13 =	vor.u32 v1, v13;
	v15 =	vadd.s32 v0, v15;
	v16 =	vshll.u32 v16, $0x4  }
0x31f: {  	s19 =	sadd.s32 $0x1B1, s16;
	v11 =	vshll.u32 v11, $0x4;
	v9 =	vmov s17;
	s17 =	sadd.s32 $0x1BD, s16;
	s16 =	sadd.s32 $0x1B5, s16;
	v16 =	vadd.s32 v0, v16  }
0x320: {  	v17 =	vmov s16;
	v16 =	vor.u32 v1, v16;
	v7 =	vadd.f32 v8, v7  }
0x321: {  	v15 =	vor.u32 v1, v15;
	v17 =	vshll.u32 v17, $0x4;
	v8 =	vmov s19  }
0x322: {  	v11 =	vadd.s32 v0, v11;
	v17 =	vadd.s32 v0, v17;
	v8 =	vshll.u32 v8, $0x4;
	[tilespmem:$0x1C200] =	vst v7  }
0x323: {  	v12 =	vmov s17;
	v17 =	vor.u32 v1, v17;
	v18 =	vadd.s32 v0, v8;
	v8 =	vld.idx.msk [tilespmem:v3+s6+$0x0], $0xffff  }
0x324: {  	v20 =	vor.u32 v1, v11;
	v12 =	vshll.u32 v12, $0x4;
	v21 =	vld.idx.msk [tilespmem:v14+s1+$0x0], $0xffff  }
0x325: {  	v9 =	vshll.u32 v9, $0x4;
	v11 =	vadd.s32 v0, v12;
	v18 =	vor.u32 v1, v18;
	v22 =	vld.idx.msk [tilespmem:v16+s1+$0x0], $0xffff  }
0x326: {  	v10 =	vshll.u32 v10, $0x4;
	s16 =	sadd.s32 $0x28, s14;
	v9 =	vadd.s32 v0, v9;
	v26 =	vor.u32 v1, v11;
	v13 =	vld.idx.msk [tilespmem:v13+s1+$0x0], $0xffff  }
0x327: {  	v28 =	vimm.f32 $0.0e+00;
	s20 =	sadd.s32 $0x1C5, s16;
	s23 =	sadd.s32 $0x1B9, s16;
	v29 =	vor.u32 v1, v9;
	v11 =	vadd.s32 v0, v10;
	v14 =	vld.idx.msk [tilespmem:v15+s1+$0x0], $0xffff  }
0x328: {  	s17 =	sadd.s32 $0x1A9, s16;
	s18 =	sadd.s32 $0x1AD, s16;
	v9 =	vmov s20;
	v12 =	vmov s23;
	s23 =	sadd.s32 $0x1A1, s16;
	v15 =	vor.u32 v1, v11;
	v19 =	vld.idx.msk [tilespmem:v17+s1+$0x0], $0xffff  }
0x329: {  	s22 =	sadd.s32 $0x1B1, s16;
	s21 =	sadd.s32 $0x1BD, s16;
	v24 =	vmov s17;
	v23 =	vmov s18;
	v25 =	vmov s23;
	s19 =	sadd.s32 $0x1C1, s16;
	v20 =	vld.idx.msk [tilespmem:v20+s1+$0x0], $0xffff  }
0x32a: {  	v10 =	vmov s19;
	v11 =	vmov s21;
	v16 =	vld.idx.msk [tilespmem:v18+s1+$0x0], $0xffff;
	v18 =	vmov s22;
	s22 =	sadd.s32 $0x1B5, s16  }
0x32b: {  	s16 =	sadd.s32 $0x1A5, s16;
	v27 =	vadd.f32 v21, v28;
	v28 =	vadd.f32 v22, v28;
	v21 =	vld.idx.msk [tilespmem:v26+s1+$0x0], $0xffff;
	v17 =	vmov s22  }
0x32c: {  	v26 =	vmov s16;
	v22 =	vshll.u32 v18, $0x4;
	s16 =	simm.s32 $0x50;
	v18 =	vshll.u32 v17, $0x4;
	v17 =	vld.idx.msk [tilespmem:v29+s1+$0x0], $0xffff  }
.LBB2_20:
0x32d: {  	p0 =	sne.s32 s16, $0xA0;
	v24 =	vshll.u32 v24, $0x4;
	v13 =	vadd.f32 v13, v27;
	v14 =	vadd.f32 v14, v28;
	v15 =	vld.idx.msk [tilespmem:v15+s1+$0x0], $0xffff  }
0x32e: {  	v25 =	vshll.u32 v25, $0x4;
	v26 =	vshll.u32 v26, $0x4;
	v23 =	vshll.u32 v23, $0x4  }
0x32f: {  	v25 =	vadd.s32 v0, v25;
	v13 =	vadd.f32 v16, v13;
	v14 =	vadd.f32 v19, v14  }
0x330: {  	v24 =	vadd.s32 v0, v24;
	v16 =	vor.u32 v1, v25;
	v19 =	vadd.s32 v0, v26  }
0x331: {  	v19 =	vor.u32 v1, v19;
	v13 =	vadd.f32 v20, v13;
	v14 =	vadd.f32 v21, v14  }
0x332: {  	v22 =	vadd.s32 v0, v22;
	v20 =	vor.u32 v1, v24;
	v21 =	vadd.s32 v0, v23  }
0x333: {  	v21 =	vor.u32 v1, v21;
	v17 =	vadd.f32 v17, v13;
	v26 =	vadd.f32 v15, v14  }
0x334: {  	v12 =	vshll.u32 v12, $0x4;
	v15 =	vor.u32 v1, v22;
	v13 =	vadd.s32 v0, v18  }
0x335: {  	v11 =	vshll.u32 v11, $0x4;
	v12 =	vadd.s32 v0, v12;
	v22 =	vor.u32 v1, v13;
	v18 =	vld.idx.msk [tilespmem:v16+s1+$0x0], $0xffff  }
0x336: {  	v10 =	vshll.u32 v10, $0x4;
	v11 =	vadd.s32 v0, v11;
	v25 =	vor.u32 v1, v12;
	v28 =	vld.idx.msk [tilespmem:v19+s1+$0x0], $0xffff  }
0x337: {  	s17 =	sadd.s32 s16, s14;
	v9 =	vshll.u32 v9, $0x4;
	v10 =	vadd.s32 v0, v10;
	v29 =	vor.u32 v1, v11;
	v13 =	vld.idx.msk [tilespmem:v20+s1+$0x0], $0xffff  }
0x338: {  	s18 =	sadd.s32 $0x1C1, s17;
	s19 =	sadd.s32 $0x1C5, s17;
	s20 =	sadd.s32 $0x1B1, s17;
	v30 =	vor.u32 v1, v10;
	v11 =	vadd.s32 v0, v9;
	v14 =	vld.idx.msk [tilespmem:v21+s1+$0x0], $0xffff  }
.Ltmp8:
0x339: {  	s21 =	sadd.s32 $0x1B9, s17;
	s22 =	sadd.s32 $0x1BD, s17;
	v10 =	vmov s18;
	v9 =	vmov s19;
	v16 =	vld.idx.msk [tilespmem:v15+s1+$0x0], $0xffff;
	v15 =	vor.u32 v1, v11;
	(pc) =	sbr.rel @p0 .LBB2_20-.Ltmp8, $4  }
0x33a: {  	s18 =	sadd.s32 $0x1A9, s17;
	s19 =	sadd.s32 $0x1AD, s17;
	v31 =	vmov s20;
	s20 =	sadd.s32 $0x1B5, s17;
	v12 =	vmov s21;
	v11 =	vmov s22;
	v19 =	vld.idx.msk [tilespmem:v22+s1+$0x0], $0xffff  }
0x33b: {  	s21 =	sadd.s32 $0x1A1, s17;
	v32 =	vmov s20;
	v24 =	vmov s18;
	v23 =	vmov s19;
	v20 =	vld.idx.msk [tilespmem:v25+s1+$0x0], $0xffff  }
0x33c: {  	s17 =	sadd.s32 $0x1A5, s17;
	v27 =	vadd.f32 v18, v17;
	v25 =	vmov s21;
	v28 =	vadd.f32 v28, v26;
	v21 =	vld.idx.msk [tilespmem:v29+s1+$0x0], $0xffff  }
0x33d: {  	s16 =	sadd.s32 $0x28, s16;
	v22 =	vshll.u32 v31, $0x4;
	v18 =	vshll.u32 v32, $0x4;
	v26 =	vmov s17;
	v17 =	vld.idx.msk [tilespmem:v30+s1+$0x0], $0xffff  }
0x33e: {  	v24 =	vshll.u32 v24, $0x4  }
0x33f: {  	v13 =	vadd.f32 v13, v27;
	v14 =	vadd.f32 v14, v28;
	v25 =	vshll.u32 v25, $0x4  }
0x340: {  	v26 =	vshll.u32 v26, $0x4;
	v23 =	vshll.u32 v23, $0x4;
	v25 =	vadd.s32 v0, v25  }
0x341: {  	v13 =	vadd.f32 v16, v13;
	v16 =	vor.u32 v1, v25;
	v25 =	vadd.s32 v0, v26  }
0x342: {  	v14 =	vadd.f32 v19, v14;
	v19 =	vadd.s32 v0, v24;
	v24 =	vor.u32 v1, v25  }
0x343: {  	v19 =	vor.u32 v1, v19;
	v13 =	vadd.f32 v20, v13;
	v20 =	vadd.s32 v0, v23  }
0x344: {  	v18 =	vadd.s32 v0, v18;
	v12 =	vshll.u32 v12, $0x4;
	v20 =	vor.u32 v1, v20  }
0x345: {  	v15 =	vld.idx.msk [tilespmem:v15+s1+$0x0], $0xffff;
	v18 =	vor.u32 v1, v18;
	v14 =	vadd.f32 v21, v14;
	v21 =	vadd.s32 v0, v22  }
0x346: {  	v11 =	vshll.u32 v11, $0x4;
	v12 =	vadd.s32 v0, v12;
	v21 =	vor.u32 v1, v21;
	v16 =	vld.idx.msk [tilespmem:v16+s1+$0x0], $0xffff  }
0x347: {  	v10 =	vshll.u32 v10, $0x4;
	v11 =	vadd.s32 v0, v11;
	v12 =	vor.u32 v1, v12;
	v22 =	vld.idx.msk [tilespmem:v24+s1+$0x0], $0xffff  }
0x348: {  	v9 =	vshll.u32 v9, $0x4;
	v10 =	vadd.s32 v0, v10;
	v11 =	vor.u32 v1, v11;
	v19 =	vld.idx.msk [tilespmem:v19+s1+$0x0], $0xffff  }
0x349: {  	v9 =	vadd.s32 v0, v9;
	v10 =	vor.u32 v1, v10;
	v20 =	vld.idx.msk [tilespmem:v20+s1+$0x0], $0xffff  }
0x34a: {  	v9 =	vor.u32 v1, v9;
	v13 =	vadd.f32 v17, v13;
	v14 =	vadd.f32 v15, v14;
	v17 =	vld.idx.msk [tilespmem:v18+s1+$0x0], $0xffff  }
0x34b: {  	v15 =	vld.idx.msk [tilespmem:v21+s1+$0x0], $0xffff  }
0x34c: {  	v12 =	vld.idx.msk [tilespmem:v12+s1+$0x0], $0xffff;
	v13 =	vadd.f32 v16, v13;
	v14 =	vadd.f32 v22, v14  }
0x34d: {  	v11 =	vld.idx.msk [tilespmem:v11+s1+$0x0], $0xffff  }
0x34e: {  	v10 =	vld.idx.msk [tilespmem:v10+s1+$0x0], $0xffff;
	v13 =	vadd.f32 v19, v13;
	v14 =	vadd.f32 v20, v14  }
0x34f: {  	v9 =	vld.idx.msk [tilespmem:v9+s1+$0x0], $0xffff  }
0x350: {  	v13 =	vadd.f32 v15, v13;
	v14 =	vadd.f32 v17, v14;
	_ =	sdelay $0x1  }
0x351: {  	v12 =	vadd.f32 v12, v13;
	v11 =	vadd.f32 v11, v14;
	_ =	sdelay $0x1  }
0x352: {  	s16 =	sadd.s32 $0x0, s14;
	v10 =	vadd.f32 v10, v12;
	v9 =	vadd.f32 v9, v11  }
0x353: {  	s22 =	sadd.s32 $0x271, s16  }
0x354: {  	v16 =	vmov s22;
	v9 =	vadd.f32 v9, v10  }
0x355: {  	v16 =	vshll.u32 v16, $0x4  }
0x356: {  	s21 =	sadd.s32 $0x279, s16;
	s23 =	sadd.s32 $0x27D, s16;
	v16 =	vadd.s32 v0, v16;
	[tilespmem:$0x1C200] =	vst v9  }
0x357: {  	s18 =	sadd.s32 $0x295, s16;
	s20 =	sadd.s32 $0x289, s16;
	v16 =	vor.u32 v1, v16;
	v15 =	vmov s21;
	v17 =	vmov s23;
	v10 =	vld.idx.msk [tilespmem:v2+s6+$0x0], $0xffff  }
0x358: {  	v15 =	vshll.u32 v15, $0x4;
	v13 =	vmov s20;
	v12 =	vmov s18;
	s18 =	sadd.s32 $0x275, s16  }
0x359: {  	v17 =	vshll.u32 v17, $0x4;
	v15 =	vadd.s32 v0, v15;
	v18 =	vmov s18  }
0x35a: {  	s17 =	sadd.s32 $0x291, s16;
	v15 =	vor.u32 v1, v15;
	v17 =	vadd.s32 v0, v17;
	v18 =	vshll.u32 v18, $0x4  }
0x35b: {  	s19 =	sadd.s32 $0x281, s16;
	v13 =	vshll.u32 v13, $0x4;
	v11 =	vmov s17;
	s17 =	sadd.s32 $0x28D, s16;
	s16 =	sadd.s32 $0x285, s16;
	v18 =	vadd.s32 v0, v18  }
0x35c: {  	v19 =	vmov s16;
	v18 =	vor.u32 v1, v18;
	v9 =	vadd.f32 v10, v9  }
0x35d: {  	v17 =	vor.u32 v1, v17;
	v19 =	vshll.u32 v19, $0x4;
	v10 =	vmov s19  }
0x35e: {  	v13 =	vadd.s32 v0, v13;
	v19 =	vadd.s32 v0, v19;
	v10 =	vshll.u32 v10, $0x4;
	[tilespmem:$0x1C200] =	vst v9  }
0x35f: {  	v14 =	vmov s17;
	v19 =	vor.u32 v1, v19;
	v20 =	vadd.s32 v0, v10;
	v10 =	vld.idx.msk [tilespmem:v3+s6+$0x0], $0xffff  }
0x360: {  	v22 =	vor.u32 v1, v13;
	v14 =	vshll.u32 v14, $0x4;
	v23 =	vld.idx.msk [tilespmem:v16+s1+$0x0], $0xffff  }
0x361: {  	v11 =	vshll.u32 v11, $0x4;
	v13 =	vadd.s32 v0, v14;
	v20 =	vor.u32 v1, v20;
	v24 =	vld.idx.msk [tilespmem:v18+s1+$0x0], $0xffff  }
0x362: {  	v12 =	vshll.u32 v12, $0x4;
	s16 =	sadd.s32 $0x28, s14;
	v11 =	vadd.s32 v0, v11;
	v28 =	vor.u32 v1, v13;
	v15 =	vld.idx.msk [tilespmem:v15+s1+$0x0], $0xffff  }
0x363: {  	v30 =	vimm.f32 $0.0e+00;
	s20 =	sadd.s32 $0x295, s16;
	s23 =	sadd.s32 $0x289, s16;
	v31 =	vor.u32 v1, v11;
	v13 =	vadd.s32 v0, v12;
	v16 =	vld.idx.msk [tilespmem:v17+s1+$0x0], $0xffff  }
0x364: {  	s17 =	sadd.s32 $0x279, s16;
	s18 =	sadd.s32 $0x27D, s16;
	v11 =	vmov s20;
	v14 =	vmov s23;
	s23 =	sadd.s32 $0x271, s16;
	v17 =	vor.u32 v1, v13;
	v21 =	vld.idx.msk [tilespmem:v19+s1+$0x0], $0xffff  }
0x365: {  	s22 =	sadd.s32 $0x281, s16;
	s21 =	sadd.s32 $0x28D, s16;
	v26 =	vmov s17;
	v25 =	vmov s18;
	v27 =	vmov s23;
	s19 =	sadd.s32 $0x291, s16;
	v22 =	vld.idx.msk [tilespmem:v22+s1+$0x0], $0xffff  }
0x366: {  	v12 =	vmov s19;
	v13 =	vmov s21;
	v18 =	vld.idx.msk [tilespmem:v20+s1+$0x0], $0xffff;
	v20 =	vmov s22;
	s22 =	sadd.s32 $0x285, s16  }
0x367: {  	s16 =	sadd.s32 $0x275, s16;
	v29 =	vadd.f32 v23, v30;
	v30 =	vadd.f32 v24, v30;
	v23 =	vld.idx.msk [tilespmem:v28+s1+$0x0], $0xffff;
	v19 =	vmov s22  }
0x368: {  	v28 =	vmov s16;
	v24 =	vshll.u32 v20, $0x4;
	s16 =	simm.s32 $0x50;
	v20 =	vshll.u32 v19, $0x4;
	v19 =	vld.idx.msk [tilespmem:v31+s1+$0x0], $0xffff  }
.LBB2_22:
0x369: {  	p0 =	sne.s32 s16, $0xA0;
	v26 =	vshll.u32 v26, $0x4;
	v15 =	vadd.f32 v15, v29;
	v16 =	vadd.f32 v16, v30;
	v17 =	vld.idx.msk [tilespmem:v17+s1+$0x0], $0xffff  }
0x36a: {  	v27 =	vshll.u32 v27, $0x4;
	v28 =	vshll.u32 v28, $0x4;
	v25 =	vshll.u32 v25, $0x4  }
0x36b: {  	v27 =	vadd.s32 v0, v27;
	v15 =	vadd.f32 v18, v15;
	v16 =	vadd.f32 v21, v16  }
0x36c: {  	v26 =	vadd.s32 v0, v26;
	v18 =	vor.u32 v1, v27;
	v21 =	vadd.s32 v0, v28  }
0x36d: {  	v21 =	vor.u32 v1, v21;
	v15 =	vadd.f32 v22, v15;
	v16 =	vadd.f32 v23, v16  }
0x36e: {  	v24 =	vadd.s32 v0, v24;
	v22 =	vor.u32 v1, v26;
	v23 =	vadd.s32 v0, v25  }
0x36f: {  	v23 =	vor.u32 v1, v23;
	v19 =	vadd.f32 v19, v15;
	v28 =	vadd.f32 v17, v16  }
0x370: {  	v14 =	vshll.u32 v14, $0x4;
	v17 =	vor.u32 v1, v24;
	v15 =	vadd.s32 v0, v20  }
0x371: {  	v13 =	vshll.u32 v13, $0x4;
	v14 =	vadd.s32 v0, v14;
	v24 =	vor.u32 v1, v15;
	v20 =	vld.idx.msk [tilespmem:v18+s1+$0x0], $0xffff  }
0x372: {  	v12 =	vshll.u32 v12, $0x4;
	v13 =	vadd.s32 v0, v13;
	v27 =	vor.u32 v1, v14;
	v30 =	vld.idx.msk [tilespmem:v21+s1+$0x0], $0xffff  }
0x373: {  	s17 =	sadd.s32 s16, s14;
	v11 =	vshll.u32 v11, $0x4;
	v12 =	vadd.s32 v0, v12;
	v31 =	vor.u32 v1, v13;
	v15 =	vld.idx.msk [tilespmem:v22+s1+$0x0], $0xffff  }
0x374: {  	s18 =	sadd.s32 $0x291, s17;
	s19 =	sadd.s32 $0x295, s17;
	s20 =	sadd.s32 $0x281, s17;
	v32 =	vor.u32 v1, v12;
	v13 =	vadd.s32 v0, v11;
	v16 =	vld.idx.msk [tilespmem:v23+s1+$0x0], $0xffff  }
.Ltmp9:
0x375: {  	s21 =	sadd.s32 $0x289, s17;
	s22 =	sadd.s32 $0x28D, s17;
	v12 =	vmov s18;
	v11 =	vmov s19;
	v18 =	vld.idx.msk [tilespmem:v17+s1+$0x0], $0xffff;
	v17 =	vor.u32 v1, v13;
	(pc) =	sbr.rel @p0 .LBB2_22-.Ltmp9, $4  }
0x376: {  	s18 =	sadd.s32 $0x279, s17;
	s19 =	sadd.s32 $0x27D, s17;
	v33 =	vmov s20;
	s20 =	sadd.s32 $0x285, s17;
	v14 =	vmov s21;
	v13 =	vmov s22;
	v21 =	vld.idx.msk [tilespmem:v24+s1+$0x0], $0xffff  }
0x377: {  	s21 =	sadd.s32 $0x271, s17;
	v34 =	vmov s20;
	v26 =	vmov s18;
	v25 =	vmov s19;
	v22 =	vld.idx.msk [tilespmem:v27+s1+$0x0], $0xffff  }
0x378: {  	s17 =	sadd.s32 $0x275, s17;
	v29 =	vadd.f32 v20, v19;
	v27 =	vmov s21;
	v30 =	vadd.f32 v30, v28;
	v23 =	vld.idx.msk [tilespmem:v31+s1+$0x0], $0xffff  }
0x379: {  	s16 =	sadd.s32 $0x28, s16;
	v24 =	vshll.u32 v33, $0x4;
	v20 =	vshll.u32 v34, $0x4;
	v28 =	vmov s17;
	v19 =	vld.idx.msk [tilespmem:v32+s1+$0x0], $0xffff  }
0x37a: {  	v26 =	vshll.u32 v26, $0x4  }
0x37b: {  	v15 =	vadd.f32 v15, v29;
	v16 =	vadd.f32 v16, v30;
	v27 =	vshll.u32 v27, $0x4  }
0x37c: {  	v28 =	vshll.u32 v28, $0x4;
	v25 =	vshll.u32 v25, $0x4;
	v27 =	vadd.s32 v0, v27  }
0x37d: {  	v57 =	vadd.s32 v0, v24;
	v53 =	vadd.s32 v0, v28;
	v52 =	vor.u32 v1, v27  }
0x37e: {  	v54 =	vadd.s32 v0, v26;
	v15 =	vadd.f32 v18, v15;
	v55 =	vor.u32 v1, v53  }
0x37f: {  	v56 =	vadd.s32 v0, v25;
	v16 =	vadd.f32 v21, v16;
	v21 =	vor.u32 v1, v54  }
0x380: {  	v20 =	vadd.s32 v0, v20;
	v15 =	vadd.f32 v22, v15;
	v22 =	vor.u32 v1, v56  }
0x381: {  	v17 =	vld.idx.msk [tilespmem:v17+s1+$0x0], $0xffff;
	v14 =	vshll.u32 v14, $0x4;
	v13 =	vshll.u32 v13, $0x4;
	v20 =	vor.u32 v1, v20  }
0x382: {  	v14 =	vadd.s32 v0, v14;
	v16 =	vadd.f32 v23, v16;
	v23 =	vor.u32 v1, v57;
	v18 =	vld.idx.msk [tilespmem:v52+s1+$0x0], $0xffff  }
0x383: {  	v12 =	vshll.u32 v12, $0x4;
	v13 =	vadd.s32 v0, v13;
	v14 =	vor.u32 v1, v14;
	v58 =	vld.idx.msk [tilespmem:v55+s1+$0x0], $0xffff  }
0x384: {  	v11 =	vshll.u32 v11, $0x4;
	v12 =	vadd.s32 v0, v12;
	v13 =	vor.u32 v1, v13;
	v21 =	vld.idx.msk [tilespmem:v21+s1+$0x0], $0xffff  }
0x385: {  	v11 =	vadd.s32 v0, v11;
	v12 =	vor.u32 v1, v12;
	v22 =	vld.idx.msk [tilespmem:v22+s1+$0x0], $0xffff  }
0x386: {  	v11 =	vor.u32 v1, v11;
	v15 =	vadd.f32 v19, v15;
	v16 =	vadd.f32 v17, v16;
	v60 =	vld.idx.msk [tilespmem:v20+s1+$0x0], $0xffff  }
0x387: {  	v59 =	vld.idx.msk [tilespmem:v23+s1+$0x0], $0xffff  }
0x388: {  	v14 =	vld.idx.msk [tilespmem:v14+s1+$0x0], $0xffff;
	v15 =	vadd.f32 v18, v15;
	v16 =	vadd.f32 v58, v16  }
0x389: {  	v13 =	vld.idx.msk [tilespmem:v13+s1+$0x0], $0xffff  }
0x38a: {  	v12 =	vld.idx.msk [tilespmem:v12+s1+$0x0], $0xffff;
	v15 =	vadd.f32 v21, v15;
	v16 =	vadd.f32 v22, v16  }
0x38b: {  	v11 =	vld.idx.msk [tilespmem:v11+s1+$0x0], $0xffff  }
0x38c: {  	v15 =	vadd.f32 v59, v15;
	v16 =	vadd.f32 v60, v16;
	_ =	sdelay $0x1  }
0x38d: {  	v14 =	vadd.f32 v14, v15;
	v13 =	vadd.f32 v13, v16;
	_ =	sdelay $0x1  }
0x38e: {  	v12 =	vadd.f32 v12, v14;
	v11 =	vadd.f32 v11, v13;
	_ =	sdelay $0x1  }
0x38f: {  	v11 =	vadd.f32 v11, v12;
	_ =	sdelay $0x1  }
0x390: {  	[tilespmem:$0x1C200] =	vst v11  }
0x391: {  	v61 =	vld.idx.msk [tilespmem:v2+s6+$0x0], $0xffff;
	_ =	sdelay $0x4  }
0x392: {  	v11 =	vadd.f32 v61, v11;
	_ =	sdelay $0x1  }
0x393: {  	[tilespmem:$0x1C200] =	vst v11  }
0x394: {  	v62 =	vld.idx.msk [tilespmem:v3+s6+$0x0], $0xffff;
	_ =	sdelay $0x3  }
0x395: {  	s16 =	sshll.u32 s15, $0x4;
	s15 =	sadd.s32 $0x1, s15  }
0x396: {  	v9 =	vadd.f32 v10, v9;
	p0 =	sne.s32 s15, $0x4;
	v63 =	vadd.f32 v62, v11  }
.Ltmp10:
0x397: {  	v7 =	vadd.f32 v8, v7;
	(pc) =	sbr.rel @p0 .LBB2_15-.Ltmp10, $4  }
0x398: {  	v5 =	vadd.f32 v6, v5;
	v6 =	vsel vm0, v9, v63  }
0x399: {  	v6 =	vsel vm1, v7, v6  }
0x39a: {  	s16 =	sand.u32 $0x3FFFFFF0, s16;
	v5 =	vsel vm2, v5, v6  }
0x39b: {  	s14 =	sadd.s32 $0x340, s14;
	[tilespmem:v4+s16+$0x0 ss:$0x1] =	vst.idx.msk $0xffff, v5  }
0x39c: {  	s9 =	sadd.s32 $0x1, s9  }
0x39d: {  	p0 =	sne.s32 s9, $0x10  }
.Ltmp11:
0x39e: {  	_ = 	snop;
	(pc) =	sbr.rel @p0 .LBB2_2-.Ltmp11, $1  }
0x39f: {  	_ =	sdelay $0x3  }
0x3a0: {  	s9 =	rddreg [dreg:$0x5];
	s14 =	simm.s32 $0x1BA00  }
0x3a1: {  	[hbm4b:s9+s2] =	stream.linear.scatter [tilespmem:s14], [sflag:$0x3], $0x800, $0x38;
	[tilespmem:$0x1C210] =	vst v63  }
0x3a2: {  	_ =	swait.ge [sflag:s10], $0x800  }
0x3a3: {  	s22 =	rddreg [dreg:$0x7]  }
0x3a4: {  	s23 =	rddreg [dreg:$0x6];
	s14 =	sadd.s32 $0x1, s22  }
0x3a5: {  	p0 =	sne.s32 s14, s23  }
.Ltmp12:
0x3a6: {  	_ = 	snop;
	(pc) =	sbr.rel @p0 .LBB2_1-.Ltmp12, $3  }
0x3a7: {  	_ =	sdelay $0x1  }
0x3a8: {  	[sflag:s10] =	ssyncset.done $0x0  }
0x3a9: {  	[sflag:s10] =	ssyncadd.s32 $0xFFFFF800  }
0x3aa: {  	_ =	sfence.sel $0x180000  }
0x3ab: {  	[bflag:$0x0] =	sbarrier.arrive $0xFFFF  }
0x3ac: {  	_ =	strace $0x90000047  }
0x3ad: {  	s0 =	stileid.u32;
	[bflag:$0x2] =	sbarrier.arrive $0xFFFF  }
0x3ae: {  	p0 =	sne.s32 s0, $0x0;
	s0 =	rddreg [dreg:$0x2]  }
0x3af: {  	s0 =	sadd.s32 @!p0 $0x100000, s0  }
0x3b0: {  	[sflag:s0] =	ssyncadd.tile.s32 @!p0 $0x1;
	_ =	shalt  }
.Lfunc_end2:
_tile_overlayer_lowered:
.L_overlay_start_2:
0x3b1: {  	(tag) =	ssettag $0x2  }
0x3b2: {  	s0 =	rddreg [dreg:$0x0];
	s2 =	stileid.u32  }
0x3b3: {  	s1 =	rddreg [dreg:$0x1];
	p0 =	sne.s32 s2, $0x0  }
0x3b4: {  	s3 =	rddreg [dreg:$0x2];
	[bflag:$0x3] =	sbarrier.arrive $0xFFFF;
	s2 =	simm.s32 @!p0 $0x1C03  }
0x3b5: {  	[timem:s3], [sflag:s2] =	dma.local @!p0 [hbm:s0], s1  }
0x3b6: {  	s0 =	simm.s32 @!p0 $0x3  }
0x3b7: {  	_ =	swait.ge @!p0 [sflag:s0], s1  }
0x3b8: {  	s1 =	ssub.s32 @!p0 $0x0, s1;
	[sflag:s0] =	ssyncset.done @!p0 $0x0  }
0x3b9: {  	[sflag:s0] =	ssyncadd.s32 @!p0 s1  }
0x3ba: {  	[bflag:$0x3] =	sbarrier.arrive $0xFFFF  }
0x3bb: {  	_ =	shalt  }

</sc_bundles>
